<compile_context>
chip_gen: v7x
topology: tpu7x:2x2x1
jax: 0.10.2.dev20260603
libtpu: 0.0.44.dev20260713+nightly
codegen_flags: <defaults>
</compile_context>

<pallas_src>
import functools

import jax
import jax.numpy as jnp
from jax import lax
from jax.experimental import pallas as pl
from jax.experimental.pallas import tpu as pltpu
from jax.experimental.pallas import tpu_sc as plsc

_N = 10000
_E = 320000
_NP = 10240
_NC = 2
_NS = 16
_NW = _NC * _NS
_EW = _E // _NW
_CHUNK = 80
_NCHUNK = _EW // _CHUNK
_RSUB = _NP // _NS
_ZROWS = 32
_ZN = _RSUB // _ZROWS
_WROWS = 128
_WB = _RSUB // _WROWS


def _sc_mesh():
    return plsc.VectorSubcoreMesh(core_axis_name="c", subcore_axis_name="s")


def _make_agg(D):

    @functools.partial(
        pl.kernel,
        out_type=jax.ShapeDtypeStruct((_NC, _NP, D), jnp.float32),
        mesh=_sc_mesh(),
        scratch_types=[
            pltpu.VMEM((_CHUNK,), jnp.int32),
            pltpu.VMEM((_CHUNK,), jnp.int32),
            pltpu.VMEM((_CHUNK,), jnp.int32),
            pltpu.VMEM((_CHUNK,), jnp.int32),
            pltpu.VMEM((_CHUNK, D), jnp.float32),
            pltpu.VMEM((_CHUNK, D), jnp.float32),
            pltpu.VMEM((_ZROWS, D), jnp.float32),
            pltpu.VMEM_SHARED((_NP, D), jnp.float32),
            pltpu.SemaphoreType.DMA,
            pltpu.SemaphoreType.DMA,
            pltpu.SemaphoreType.DMA,
            pltpu.SemaphoreType.DMA,
        ],
    )
    def agg(hp_hbm, src_hbm, dst_hbm, out_hbm, sa, da, sb, db, ma, mb, zv,
            acc, semia, semib, sema, semb):
        c = lax.axis_index("c")
        s = lax.axis_index("s")
        base = (c * _NS + s) * _EW

        def ldx(i, sv, dv, sem):
            off = base + i * _CHUNK
            ca = pltpu.make_async_copy(src_hbm.at[pl.ds(off, _CHUNK)], sv, sem)
            cb = pltpu.make_async_copy(dst_hbm.at[pl.ds(off, _CHUNK)], dv, sem)
            return ca, cb

        def ldx_start(i, sv, dv, sem):
            ca, cb = ldx(i, sv, dv, sem)
            ca.start()
            cb.start()

        def ldx_wait(i, sv, dv, sem):
            ca, cb = ldx(i, sv, dv, sem)
            ca.wait()
            cb.wait()

        def gather(i, sv, buf, sem):
            return pltpu.make_async_copy(hp_hbm.at[sv], buf, sem)

        ldx_start(0, sa, da, semia)

        @pl.loop(0, _ZROWS)
        def _zero(i):
            for j in range(D // 16):
                zv[i, pl.ds(j * 16, 16)] = jnp.zeros((16,), jnp.float32)

        @pl.loop(0, _ZN)
        def _clear(k):
            pltpu.sync_copy(zv, acc.at[pl.ds(s * _RSUB + k * _ZROWS, _ZROWS)])

        plsc.subcore_barrier()

        ldx_wait(0, sa, da, semia)
        gather(0, sa, ma, sema).start()
        ldx_start(1, sb, db, semib)

        @pl.loop(0, (_NCHUNK - 3) // 2)
        def _edges(k):
            i = k * 2
            ldx_wait(i + 1, sb, db, semib)
            gather(i + 1, sb, mb, semb).start()
            gather(i, sa, ma, sema).wait()
            pltpu.sync_copy(ma, acc.at[da], add=True)
            ldx_start(i + 2, sa, da, semia)
            ldx_wait(i + 2, sa, da, semia)
            gather(i + 2, sa, ma, sema).start()
            gather(i + 1, sb, mb, semb).wait()
            pltpu.sync_copy(mb, acc.at[db], add=True)
            ldx_start(i + 3, sb, db, semib)

        i0 = _NCHUNK - 3
        ldx_wait(i0 + 1, sb, db, semib)
        gather(i0 + 1, sb, mb, semb).start()
        gather(i0, sa, ma, sema).wait()
        pltpu.sync_copy(ma, acc.at[da], add=True)
        ldx_start(i0 + 2, sa, da, semia)
        ldx_wait(i0 + 2, sa, da, semia)
        gather(i0 + 2, sa, ma, sema).start()
        gather(i0 + 1, sb, mb, semb).wait()
        pltpu.sync_copy(mb, acc.at[db], add=True)
        gather(i0 + 2, sa, ma, sema).wait()
        pltpu.sync_copy(ma, acc.at[da], add=True)

        plsc.subcore_barrier()

        @pl.loop(0, _WB)
        def _writeback(k):
            r0 = s * _RSUB + k * _WROWS
            pltpu.sync_copy(acc.at[pl.ds(r0, _WROWS)],
                            out_hbm.at[c, pl.ds(r0, _WROWS)])

    return agg


def _make_deg():
    D = 16

    @functools.partial(
        pl.kernel,
        out_type=jax.ShapeDtypeStruct((_NC, _NP, D), jnp.float32),
        mesh=_sc_mesh(),
        scratch_types=[
            pltpu.VMEM((_CHUNK,), jnp.int32),
            pltpu.VMEM((_CHUNK,), jnp.int32),
            pltpu.VMEM((_CHUNK, D), jnp.float32),
            pltpu.VMEM((_ZROWS, D), jnp.float32),
            pltpu.VMEM_SHARED((_NP, D), jnp.float32),
            pltpu.SemaphoreType.DMA,
            pltpu.SemaphoreType.DMA,
            pltpu.SemaphoreType.DMA,
            pltpu.SemaphoreType.DMA,
        ],
    )
    def deg(dst_hbm, out_hbm, da, db, onesv, zv, acc, semia, semib, sema,
            semb):
        c = lax.axis_index("c")
        s = lax.axis_index("s")
        base = (c * _NS + s) * _EW

        def ldx(i, dv, sem):
            off = base + i * _CHUNK
            return pltpu.make_async_copy(dst_hbm.at[pl.ds(off, _CHUNK)], dv,
                                         sem)

        def scat(dv, sem):
            return pltpu.make_async_copy(onesv, acc.at[dv], sem)

        ldx(0, da, semia).start()

        @pl.loop(0, _ZROWS)
        def _zero(i):
            zv[i, pl.ds(0, 16)] = jnp.zeros((16,), jnp.float32)

        @pl.loop(0, _CHUNK)
        def _fill(i):
            onesv[i, pl.ds(0, 16)] = jnp.full((16,), 1.0, jnp.float32)

        @pl.loop(0, _ZN)
        def _clear(k):
            pltpu.sync_copy(zv, acc.at[pl.ds(s * _RSUB + k * _ZROWS, _ZROWS)])

        plsc.subcore_barrier()

        ldx(0, da, semia).wait()
        scat(da, sema).start(add=True)
        ldx(1, db, semib).start()

        @pl.loop(0, (_NCHUNK - 3) // 2)
        def _edges(k):
            i = k * 2
            ldx(i + 1, db, semib).wait()
            scat(db, semb).start(add=True)
            scat(da, sema).wait()
            ldx(i + 2, da, semia).start()
            ldx(i + 2, da, semia).wait()
            scat(da, sema).start(add=True)
            scat(db, semb).wait()
            ldx(i + 3, db, semib).start()

        i0 = _NCHUNK - 3
        ldx(i0 + 1, db, semib).wait()
        scat(db, semb).start(add=True)
        scat(da, sema).wait()
        ldx(i0 + 2, da, semia).start()
        ldx(i0 + 2, da, semia).wait()
        scat(da, sema).start(add=True)
        scat(db, semb).wait()
        scat(da, sema).wait()

        plsc.subcore_barrier()

        @pl.loop(0, _WB)
        def _writeback(k):
            r0 = s * _RSUB + k * _WROWS
            pltpu.sync_copy(acc.at[pl.ds(r0, _WROWS)],
                            out_hbm.at[c, pl.ds(r0, _WROWS)])

    return deg


_BR = 512
_GRID = _NP // _BR


def _dinv(degp_blk):
    deg = degp_blk[0, :, 0] + degp_blk[1, :, 0] + 1.0
    return lax.rsqrt(deg)


def _mm(a, b):
    return jnp.dot(a, b, preferred_element_type=jnp.float32)


def _first_layer_pre(degp_ref, x_ref, w_ref, hp_ref):
    di = _dinv(degp_ref[...])
    hp_ref[...] = _mm(x_ref[...], w_ref[...]) * di[:, None]


def _mid_layer(degp_ref, agg_ref, hp_ref, b_ref, w_ref, out_ref):
    di = _dinv(degp_ref[...])
    a = agg_ref[0] + agg_ref[1] + hp_ref[...]
    x = jnp.tanh(a * di[:, None] + b_ref[...])
    out_ref[...] = _mm(x, w_ref[...]) * di[:, None]


def _final_layer(degp_ref, agg_ref, hp_ref, b_ref, wc_ref, bc_ref, out_ref):
    di = _dinv(degp_ref[...])
    a = agg_ref[0] + agg_ref[1] + hp_ref[...]
    x = jnp.tanh(a * di[:, None] + b_ref[...])
    out_ref[...] = _mm(x, wc_ref[...]) + bc_ref[...]


def _row_spec(D):
    return pl.BlockSpec((_BR, D), lambda i: (i, 0))


def _agg_spec(D):
    return pl.BlockSpec((_NC, _BR, D), lambda i: (0, i, 0))


def _full_spec(shape):
    return pl.BlockSpec(shape, lambda i: tuple(0 for _ in shape))


def _tc_pre(degp, x, w):
    return pl.pallas_call(
        _first_layer_pre,
        grid=(_GRID,),
        in_specs=[_agg_spec(16), _row_spec(128), _full_spec((128, 128))],
        out_specs=_row_spec(128),
        out_shape=jax.ShapeDtypeStruct((_NP, 128), jnp.float32),
    )(degp, x, w)


def _tc_mid(degp, aggp, hp, b, w, dout):
    din = hp.shape[1]
    return pl.pallas_call(
        _mid_layer,
        grid=(_GRID,),
        in_specs=[_agg_spec(16), _agg_spec(din), _row_spec(din),
                  _full_spec((1, din)), _full_spec((din, dout))],
        out_specs=_row_spec(dout),
        out_shape=jax.ShapeDtypeStruct((_NP, dout), jnp.float32),
    )(degp, aggp, hp, b, w)


def _tc_final(degp, aggp, hp, b, wc, bc):
    return pl.pallas_call(
        _final_layer,
        grid=(_GRID,),
        in_specs=[_agg_spec(16), _agg_spec(128), _row_spec(128),
                  _full_spec((1, 128)), _full_spec((128, 128)),
                  _full_spec((1, 128))],
        out_specs=_row_spec(128),
        out_shape=jax.ShapeDtypeStruct((_NP, 128), jnp.float32),
    )(degp, aggp, hp, b, wc, bc)


_deg_kernel = _make_deg()
_agg128 = _make_agg(128)


def kernel(x, edge_index, W1, b1, W2, b2, W3, b3, Wc, bc):
    src = edge_index[0]
    dst = edge_index[1]
    xp = jnp.pad(x, ((0, _NP - _N), (0, 0)))

    degp = _deg_kernel(dst)
    hp1 = _tc_pre(degp, xp, W1)
    a1 = _agg128(hp1, src, dst)
    hp2 = _tc_mid(degp, a1, hp1, b1.reshape(1, -1), W2, 128)
    a2 = _agg128(hp2, src, dst)
    w3p = jnp.pad(W3, ((0, 0), (0, 128 - W3.shape[1])))
    b3p = jnp.pad(b3, (0, 128 - b3.shape[0]))
    hp3 = _tc_mid(degp, a2, hp2, b2.reshape(1, -1), w3p, 128)
    a3 = _agg128(hp3, src, dst)

    wcp = jnp.pad(Wc, ((0, 128 - Wc.shape[0]), (0, 128 - Wc.shape[1])))
    bcp = jnp.pad(bc, (0, 128 - bc.shape[0])).reshape(1, -1)
    out = _tc_final(degp, a3, hp3, b3p.reshape(1, -1), wcp, bcp)
    return out[:_N, :Wc.shape[1]]

# --- scband reference (transcript-rebuilt; emitter-appended) ---
"""Pipeline reference for scband-gcn-57604101373966 (READ-ONLY COPY).

The authoritative reference and input builder live on the scoring server;
editing this copy changes nothing except your own understanding.
"""

import jax, jax.numpy as jnp
import numpy as np

N = 10000
E = 320000
D_FEAT = 128
HIDDEN = 128
NUM_CLASSES = 40


def _glorot(key, shape):
    fan_in = shape[0]
    return jax.random.normal(key, shape, dtype=jnp.float32) * (1.0 / np.sqrt(fan_in))


def setup_inputs(seed: int = 0) -> dict:
    key = jax.random.key(seed)
    ks = jax.random.split(key, 10)
    x = jax.random.normal(ks[0], (N, D_FEAT), dtype=jnp.float32)
    edge_index = jax.random.randint(ks[1], (2, E), 0, N, dtype=jnp.int32)
    W1 = _glorot(ks[2], (D_FEAT, HIDDEN))
    b1 = jnp.zeros((HIDDEN,), dtype=jnp.float32)
    W2 = _glorot(ks[3], (HIDDEN, HIDDEN))
    b2 = jnp.zeros((HIDDEN,), dtype=jnp.float32)
    W3 = _glorot(ks[4], (HIDDEN, HIDDEN // 2))
    b3 = jnp.zeros((HIDDEN // 2,), dtype=jnp.float32)
    Wc = _glorot(ks[5], (HIDDEN // 2, NUM_CLASSES))
    bc = jnp.zeros((NUM_CLASSES,), dtype=jnp.float32)
    return {"x": x, "edge_index": edge_index, "W1": W1, "b1": b1, "W2": W2, "b2": b2, "W3": W3, "b3": b3, "Wc": Wc, "bc": bc}


def gcn_conv(x, edge_index, W, b):
    # PyG GCNConv: add self-loops, symmetric normalization D^-1/2 (A+I) D^-1/2 (X W) + b
    n = x.shape[0]
    src = edge_index[0]
    dst = edge_index[1]
    loop = jnp.arange(n, dtype=src.dtype)
    src = jnp.concatenate([src, loop])
    dst = jnp.concatenate([dst, loop])
    deg = jax.ops.segment_sum(jnp.ones_like(dst, dtype=x.dtype), dst, num_segments=n)
    dinv = jnp.where(deg > 0, deg ** -0.5, 0.0)
    norm = dinv[src] * dinv[dst]
    h = x @ W
    msg = h[src] * norm[:, None]
    out = jax.ops.segment_sum(msg, dst, num_segments=n)
    return out + b


def reference(x, edge_index, W1, b1, W2, b2, W3, b3, Wc, bc):
    h = jnp.tanh(gcn_conv(x, edge_index, W1, b1))
    h = jnp.tanh(gcn_conv(h, edge_index, W2, b2))
    h = jnp.tanh(gcn_conv(h, edge_index, W3, b3))
    out = h @ Wc + bc
    return out

if __name__ == "__main__":
    import jax
    _d = setup_inputs()
    print(jax.jit(kernel)(*tuple(_d.values())))

</pallas_src>

<mosaic_0001>
#map = affine_map<(d0, d1) -> (0, 0)>
#map1 = affine_map<(d0, d1) -> (0)>
#map2 = affine_map<(d0, d1) -> (0, 0, 0)>
module attributes {stable_mosaic.version = 14 : i64} {
  func.func @agg(%arg0: i32, %arg1: i32, %arg2: memref<10240x128xf32, #tpu.memory_space<hbm>>, %arg3: memref<320000xi32, #tpu.memory_space<hbm>>, %arg4: memref<320000xi32, #tpu.memory_space<hbm>>, %arg5: memref<2x10240x128xf32, #tpu.memory_space<hbm>>, %arg6: memref<80xi32, #tpu.memory_space<vmem>>, %arg7: memref<80xi32, #tpu.memory_space<vmem>>, %arg8: memref<80xi32, #tpu.memory_space<vmem>>, %arg9: memref<80xi32, #tpu.memory_space<vmem>>, %arg10: memref<80x128xf32, #tpu.memory_space<vmem>>, %arg11: memref<80x128xf32, #tpu.memory_space<vmem>>, %arg12: memref<32x128xf32, #tpu.memory_space<vmem>>, %arg13: memref<10240x128xf32, #tpu.memory_space<vmem_shared>>, %arg14: memref<!tpu.dma_semaphore, #tpu.memory_space<semaphore_mem>>, %arg15: memref<!tpu.dma_semaphore, #tpu.memory_space<semaphore_mem>>, %arg16: memref<!tpu.dma_semaphore, #tpu.memory_space<semaphore_mem>>, %arg17: memref<!tpu.dma_semaphore, #tpu.memory_space<semaphore_mem>>) attributes {dimension_semantics = [#tpu.dimension_semantics<core_parallel>, #tpu.dimension_semantics<subcore_parallel>], iteration_bounds = array<i64: 2, 16>, scalar_prefetch = 0 : i64, scratch_operands = 12 : i64, tpu.core_type = #tpu.core_type<sc_vector_subcore>, window_params = [{transform_indices = #map}, {transform_indices = #map1}, {transform_indices = #map1}, {transform_indices = #map2}]} {
    %mul3A = arith.constant 16 : i32
    %mul3A_0 = arith.muli %arg0, %mul3A : i32
    %add3A = arith.addi %mul3A_0, %arg1 : i32
    %mul3A_1 = arith.constant 10000 : i32
    %mul3A_2 = arith.muli %add3A, %mul3A_1 : i32
    %add3A_3 = arith.constant 0 : i32
    %add3A_4 = arith.addi %mul3A_2, %add3A_3 : i32
    %dma_start3A = tpu.memref_slice %arg3[%add3A_4] : memref<320000xi32, #tpu.memory_space<hbm>> -> memref<80xi32, #tpu.memory_space<hbm>>
    %dma_start3A_5 = tpu.memref_slice %arg3[%add3A_4] : memref<320000xi32, #tpu.memory_space<hbm>> -> memref<80xi32, #tpu.memory_space<hbm>>
    tpu.enqueue_dma source(%dma_start3A_5 : memref<80xi32, #tpu.memory_space<hbm>>) target(%arg6 : memref<80xi32, #tpu.memory_space<vmem>>) target_semaphore(%arg14 : memref<!tpu.dma_semaphore, #tpu.memory_space<semaphore_mem>>)
    %dma_start3A_6 = tpu.memref_slice %arg4[%add3A_4] : memref<320000xi32, #tpu.memory_space<hbm>> -> memref<80xi32, #tpu.memory_space<hbm>>
    %dma_start3A_7 = tpu.memref_slice %arg4[%add3A_4] : memref<320000xi32, #tpu.memory_space<hbm>> -> memref<80xi32, #tpu.memory_space<hbm>>
    tpu.enqueue_dma source(%dma_start3A_7 : memref<80xi32, #tpu.memory_space<hbm>>) target(%arg7 : memref<80xi32, #tpu.memory_space<vmem>>) target_semaphore(%arg14 : memref<!tpu.dma_semaphore, #tpu.memory_space<semaphore_mem>>)
    %scan3A = arith.constant 0 : i32
    %scan3A_8 = arith.constant 32 : i32
    %scan3A_9 = arith.addi %scan3A, %scan3A_8 : i32
    %scan3A_10 = arith.constant 1 : i32
    scf.for %scan3A_75 = %scan3A to %scan3A_9 step %scan3A_10  : i32 {
      %mul3A_76 = arith.constant 1 : i32
      %mul3A_77 = arith.muli %scan3A_75, %mul3A_76 : i32
      %add3A_78 = arith.constant 0 : i32
      %add3A_79 = arith.addi %add3A_78, %mul3A_77 : i32
      %broadcast_in_dim3A = arith.constant 0.000000e+00 : f32
      %broadcast_in_dim3A_80 = vector.broadcast %broadcast_in_dim3A : f32 to vector<16xf32>
      %swap3A = arith.index_cast %add3A_79 : i32 to index
      %swap3A_81 = arith.constant 0 : index
      %swap3A_82 = tpu.vector_load %arg12[%swap3A, %swap3A_81] {strides = array<i32>} : memref<32x128xf32, #tpu.memory_space<vmem>>, vector<1x16xf32>,
      %swap3A_83 = vector.shape_cast %swap3A_82 : vector<1x16xf32> to vector<16xf32>
      %swap3A_84 = vector.shape_cast %broadcast_in_dim3A_80 : vector<16xf32> to vector<1x16xf32>
      tpu.vector_store %arg12[%swap3A, %swap3A_81], %swap3A_84 {strides = array<i32>} : memref<32x128xf32, #tpu.memory_space<vmem>>, vector<1x16xf32>,
      %broadcast_in_dim3A_85 = arith.constant 0.000000e+00 : f32
      %broadcast_in_dim3A_86 = vector.broadcast %broadcast_in_dim3A_85 : f32 to vector<16xf32>
      %swap3A_87 = arith.index_cast %add3A_79 : i32 to index
      %swap3A_88 = arith.constant 16 : index
      %swap3A_89 = tpu.vector_load %arg12[%swap3A_87, %swap3A_88] {strides = array<i32>} : memref<32x128xf32, #tpu.memory_space<vmem>>, vector<1x16xf32>,
      %swap3A_90 = vector.shape_cast %swap3A_89 : vector<1x16xf32> to vector<16xf32>
      %swap3A_91 = vector.shape_cast %broadcast_in_dim3A_86 : vector<16xf32> to vector<1x16xf32>
      tpu.vector_store %arg12[%swap3A_87, %swap3A_88], %swap3A_91 {strides = array<i32>} : memref<32x128xf32, #tpu.memory_space<vmem>>, vector<1x16xf32>,
      %broadcast_in_dim3A_92 = arith.constant 0.000000e+00 : f32
      %broadcast_in_dim3A_93 = vector.broadcast %broadcast_in_dim3A_92 : f32 to vector<16xf32>
      %swap3A_94 = arith.index_cast %add3A_79 : i32 to index
      %swap3A_95 = arith.constant 32 : index
      %swap3A_96 = tpu.vector_load %arg12[%swap3A_94, %swap3A_95] {strides = array<i32>} : memref<32x128xf32, #tpu.memory_space<vmem>>, vector<1x16xf32>,
      %swap3A_97 = vector.shape_cast %swap3A_96 : vector<1x16xf32> to vector<16xf32>
      %swap3A_98 = vector.shape_cast %broadcast_in_dim3A_93 : vector<16xf32> to vector<1x16xf32>
      tpu.vector_store %arg12[%swap3A_94, %swap3A_95], %swap3A_98 {strides = array<i32>} : memref<32x128xf32, #tpu.memory_space<vmem>>, vector<1x16xf32>,
      %broadcast_in_dim3A_99 = arith.constant 0.000000e+00 : f32
      %broadcast_in_dim3A_100 = vector.broadcast %broadcast_in_dim3A_99 : f32 to vector<16xf32>
      %swap3A_101 = arith.index_cast %add3A_79 : i32 to index
      %swap3A_102 = arith.constant 48 : index
      %swap3A_103 = tpu.vector_load %arg12[%swap3A_101, %swap3A_102] {strides = array<i32>} : memref<32x128xf32, #tpu.memory_space<vmem>>, vector<1x16xf32>,
      %swap3A_104 = vector.shape_cast %swap3A_103 : vector<1x16xf32> to vector<16xf32>
      %swap3A_105 = vector.shape_cast %broadcast_in_dim3A_100 : vector<16xf32> to vector<1x16xf32>
      tpu.vector_store %arg12[%swap3A_101, %swap3A_102], %swap3A_105 {strides = array<i32>} : memref<32x128xf32, #tpu.memory_space<vmem>>, vector<1x16xf32>,
      %broadcast_in_dim3A_106 = arith.constant 0.000000e+00 : f32
      %broadcast_in_dim3A_107 = vector.broadcast %broadcast_in_dim3A_106 : f32 to vector<16xf32>
      %swap3A_108 = arith.index_cast %add3A_79 : i32 to index
      %swap3A_109 = arith.constant 64 : index
      %swap3A_110 = tpu.vector_load %arg12[%swap3A_108, %swap3A_109] {strides = array<i32>} : memref<32x128xf32, #tpu.memory_space<vmem>>, vector<1x16xf32>,
      %swap3A_111 = vector.shape_cast %swap3A_110 : vector<1x16xf32> to vector<16xf32>
      %swap3A_112 = vector.shape_cast %broadcast_in_dim3A_107 : vector<16xf32> to vector<1x16xf32>
      tpu.vector_store %arg12[%swap3A_108, %swap3A_109], %swap3A_112 {strides = array<i32>} : memref<32x128xf32, #tpu.memory_space<vmem>>, vector<1x16xf32>,
      %broadcast_in_dim3A_113 = arith.constant 0.000000e+00 : f32
      %broadcast_in_dim3A_114 = vector.broadcast %broadcast_in_dim3A_113 : f32 to vector<16xf32>
      %swap3A_115 = arith.index_cast %add3A_79 : i32 to index
      %swap3A_116 = arith.constant 80 : index
      %swap3A_117 = tpu.vector_load %arg12[%swap3A_115, %swap3A_116] {strides = array<i32>} : memref<32x128xf32, #tpu.memory_space<vmem>>, vector<1x16xf32>,
      %swap3A_118 = vector.shape_cast %swap3A_117 : vector<1x16xf32> to vector<16xf32>
      %swap3A_119 = vector.shape_cast %broadcast_in_dim3A_114 : vector<16xf32> to vector<1x16xf32>
      tpu.vector_store %arg12[%swap3A_115, %swap3A_116], %swap3A_119 {strides = array<i32>} : memref<32x128xf32, #tpu.memory_space<vmem>>, vector<1x16xf32>,
      %broadcast_in_dim3A_120 = arith.constant 0.000000e+00 : f32
      %broadcast_in_dim3A_121 = vector.broadcast %broadcast_in_dim3A_120 : f32 to vector<16xf32>
      %swap3A_122 = arith.index_cast %add3A_79 : i32 to index
      %swap3A_123 = arith.constant 96 : index
      %swap3A_124 = tpu.vector_load %arg12[%swap3A_122, %swap3A_123] {strides = array<i32>} : memref<32x128xf32, #tpu.memory_space<vmem>>, vector<1x16xf32>,
      %swap3A_125 = vector.shape_cast %swap3A_124 : vector<1x16xf32> to vector<16xf32>
      %swap3A_126 = vector.shape_cast %broadcast_in_dim3A_121 : vector<16xf32> to vector<1x16xf32>
      tpu.vector_store %arg12[%swap3A_122, %swap3A_123], %swap3A_126 {strides = array<i32>} : memref<32x128xf32, #tpu.memory_space<vmem>>, vector<1x16xf32>,
      %broadcast_in_dim3A_127 = arith.constant 0.000000e+00 : f32
      %broadcast_in_dim3A_128 = vector.broadcast %broadcast_in_dim3A_127 : f32 to vector<16xf32>
      %swap3A_129 = arith.index_cast %add3A_79 : i32 to index
      %swap3A_130 = arith.constant 112 : index
      %swap3A_131 = tpu.vector_load %arg12[%swap3A_129, %swap3A_130] {strides = array<i32>} : memref<32x128xf32, #tpu.memory_space<vmem>>, vector<1x16xf32>,
      %swap3A_132 = vector.shape_cast %swap3A_131 : vector<1x16xf32> to vector<16xf32>
      %swap3A_133 = vector.shape_cast %broadcast_in_dim3A_128 : vector<16xf32> to vector<1x16xf32>
      tpu.vector_store %arg12[%swap3A_129, %swap3A_130], %swap3A_133 {strides = array<i32>} : memref<32x128xf32, #tpu.memory_space<vmem>>, vector<1x16xf32>,
    }
    %scan3A_11 = arith.constant 32 : i32
    %scan3A_12 = arith.constant 0 : i32
    %scan3A_13 = arith.constant 20 : i32
    %scan3A_14 = arith.addi %scan3A_12, %scan3A_13 : i32
    %scan3A_15 = arith.constant 1 : i32
    scf.for %scan3A_75 = %scan3A_12 to %scan3A_14 step %scan3A_15  : i32 {
      %mul3A_76 = arith.constant 1 : i32
      %mul3A_77 = arith.muli %scan3A_75, %mul3A_76 : i32
      %add3A_78 = arith.constant 0 : i32
      %add3A_79 = arith.addi %add3A_78, %mul3A_77 : i32
      %mul3A_80 = arith.constant 640 : i32
      %mul3A_81 = arith.muli %arg1, %mul3A_80 : i32
      %mul3A_82 = arith.constant 32 : i32
      %mul3A_83 = arith.muli %add3A_79, %mul3A_82 : i32
      %add3A_84 = arith.addi %mul3A_81, %mul3A_83 : i32
      "tpu.region"() ({
        %run_scoped3A = tpu.sem_alloc : memref<!tpu.dma_semaphore, #tpu.memory_space<semaphore_mem>>
        %dma_start3A_85 = arith.constant 0 : i32
        %dma_start3A_86 = tpu.memref_slice %arg13[%add3A_84, %dma_start3A_85] : memref<10240x128xf32, #tpu.memory_space<vmem_shared>> -> memref<32x128xf32, #tpu.memory_space<vmem_shared>>
        %dma_start3A_87 = arith.constant 0 : i32
        %dma_start3A_88 = tpu.memref_slice %arg13[%add3A_84, %dma_start3A_87] : memref<10240x128xf32, #tpu.memory_space<vmem_shared>> -> memref<32x128xf32, #tpu.memory_space<vmem_shared>>
        tpu.enqueue_dma source(%arg12 : memref<32x128xf32, #tpu.memory_space<vmem>>) target(%dma_start3A_88 : memref<32x128xf32, #tpu.memory_space<vmem_shared>>) target_semaphore(%run_scoped3A : memref<!tpu.dma_semaphore, #tpu.memory_space<semaphore_mem>>)
        %dma_wait3A_89 = arith.constant 0 : i32
        %dma_wait3A_90 = tpu.memref_slice %arg13[%add3A_84, %dma_wait3A_89] : memref<10240x128xf32, #tpu.memory_space<vmem_shared>> -> memref<32x128xf32, #tpu.memory_space<vmem_shared>>
        %dma_wait3A_91 = arith.constant 0 : i32
        %dma_wait3A_92 = tpu.memref_slice %arg13[%add3A_84, %dma_wait3A_91] : memref<10240x128xf32, #tpu.memory_space<vmem_shared>> -> memref<32x128xf32, #tpu.memory_space<vmem_shared>>
        tpu.wait_dma2 semaphore(%run_scoped3A : memref<!tpu.dma_semaphore, #tpu.memory_space<semaphore_mem>>) src(%arg12 : memref<32x128xf32, #tpu.memory_space<vmem>>) dst(%dma_wait3A_92 : memref<32x128xf32, #tpu.memory_space<vmem_shared>>)
        tpu.yield
      }) : () -> ()
    }
    %scan3A_16 = arith.constant 20 : i32
    %barrier3A = arith.constant 0 : index
    tpu.barrier barrier_id(%barrier3A)
    %add3A_17 = arith.constant 0 : i32
    %add3A_18 = arith.addi %mul3A_2, %add3A_17 : i32
    %dma_wait3A = tpu.memref_slice %arg3[%add3A_18] : memref<320000xi32, #tpu.memory_space<hbm>> -> memref<80xi32, #tpu.memory_space<hbm>>
    %dma_wait3A_19 = tpu.memref_slice %arg3[%add3A_18] : memref<320000xi32, #tpu.memory_space<hbm>> -> memref<80xi32, #tpu.memory_space<hbm>>
    tpu.wait_dma2 semaphore(%arg14 : memref<!tpu.dma_semaphore, #tpu.memory_space<semaphore_mem>>) src(%dma_wait3A_19 : memref<80xi32, #tpu.memory_space<hbm>>) dst(%arg6 : memref<80xi32, #tpu.memory_space<vmem>>)
    %dma_wait3A_20 = tpu.memref_slice %arg4[%add3A_18] : memref<320000xi32, #tpu.memory_space<hbm>> -> memref<80xi32, #tpu.memory_space<hbm>>
    %dma_wait3A_21 = tpu.memref_slice %arg4[%add3A_18] : memref<320000xi32, #tpu.memory_space<hbm>> -> memref<80xi32, #tpu.memory_space<hbm>>
    tpu.wait_dma2 semaphore(%arg14 : memref<!tpu.dma_semaphore, #tpu.memory_space<semaphore_mem>>) src(%dma_wait3A_21 : memref<80xi32, #tpu.memory_space<hbm>>) dst(%arg7 : memref<80xi32, #tpu.memory_space<vmem>>)
    %dma_start3A_22 = arith.constant 0 : i32
    %dma_start3A_23 = arith.constant 0 : i32
    %dma_start3A_24 = tpu.memref_slice %arg2[%dma_start3A_22, %dma_start3A_23] : memref<10240x128xf32, #tpu.memory_space<hbm>> -> memref<10240x128xf32, #tpu.memory_space<hbm>>
    tpu.enqueue_indirect_dma source(%dma_start3A_24 : memref<10240x128xf32, #tpu.memory_space<hbm>>) target(%arg10 : memref<80x128xf32, #tpu.memory_space<vmem>>) offsets(%arg6 : memref<80xi32, #tpu.memory_space<vmem>>) semaphore(%arg16 : memref<!tpu.dma_semaphore, #tpu.memory_space<semaphore_mem>>)
    %add3A_25 = arith.constant 80 : i32
    %add3A_26 = arith.addi %mul3A_2, %add3A_25 : i32
    %dma_start3A_27 = tpu.memref_slice %arg3[%add3A_26] : memref<320000xi32, #tpu.memory_space<hbm>> -> memref<80xi32, #tpu.memory_space<hbm>>
    %dma_start3A_28 = tpu.memref_slice %arg3[%add3A_26] : memref<320000xi32, #tpu.memory_space<hbm>> -> memref<80xi32, #tpu.memory_space<hbm>>
    tpu.enqueue_dma source(%dma_start3A_28 : memref<80xi32, #tpu.memory_space<hbm>>) target(%arg8 : memref<80xi32, #tpu.memory_space<vmem>>) target_semaphore(%arg15 : memref<!tpu.dma_semaphore, #tpu.memory_space<semaphore_mem>>)
    %dma_start3A_29 = tpu.memref_slice %arg4[%add3A_26] : memref<320000xi32, #tpu.memory_space<hbm>> -> memref<80xi32, #tpu.memory_space<hbm>>
    %dma_start3A_30 = tpu.memref_slice %arg4[%add3A_26] : memref<320000xi32, #tpu.memory_space<hbm>> -> memref<80xi32, #tpu.memory_space<hbm>>
    tpu.enqueue_dma source(%dma_start3A_30 : memref<80xi32, #tpu.memory_space<hbm>>) target(%arg9 : memref<80xi32, #tpu.memory_space<vmem>>) target_semaphore(%arg15 : memref<!tpu.dma_semaphore, #tpu.memory_space<semaphore_mem>>)
    %scan3A_31 = arith.constant 0 : i32
    %scan3A_32 = arith.constant 61 : i32
    %scan3A_33 = arith.addi %scan3A_31, %scan3A_32 : i32
    %scan3A_34 = arith.constant 1 : i32
    scf.for %scan3A_75 = %scan3A_31 to %scan3A_33 step %scan3A_34  : i32 {
      %mul3A_76 = arith.constant 1 : i32
      %mul3A_77 = arith.muli %scan3A_75, %mul3A_76 : i32
      %add3A_78 = arith.constant 0 : i32
      %add3A_79 = arith.addi %add3A_78, %mul3A_77 : i32
      %mul3A_80 = arith.constant 2 : i32
      %mul3A_81 = arith.muli %add3A_79, %mul3A_80 : i32
      %add3A_82 = arith.constant 1 : i32
      %add3A_83 = arith.addi %mul3A_81, %add3A_82 : i32
      %mul3A_84 = arith.constant 80 : i32
      %mul3A_85 = arith.muli %add3A_83, %mul3A_84 : i32
      %add3A_86 = arith.addi %mul3A_2, %mul3A_85 : i32
      %dma_wait3A_87 = tpu.memref_slice %arg3[%add3A_86] : memref<320000xi32, #tpu.memory_space<hbm>> -> memref<80xi32, #tpu.memory_space<hbm>>
      %dma_wait3A_88 = tpu.memref_slice %arg3[%add3A_86] : memref<320000xi32, #tpu.memory_space<hbm>> -> memref<80xi32, #tpu.memory_space<hbm>>
      tpu.wait_dma2 semaphore(%arg15 : memref<!tpu.dma_semaphore, #tpu.memory_space<semaphore_mem>>) src(%dma_wait3A_88 : memref<80xi32, #tpu.memory_space<hbm>>) dst(%arg8 : memref<80xi32, #tpu.memory_space<vmem>>)
      %dma_wait3A_89 = tpu.memref_slice %arg4[%add3A_86] : memref<320000xi32, #tpu.memory_space<hbm>> -> memref<80xi32, #tpu.memory_space<hbm>>
      %dma_wait3A_90 = tpu.memref_slice %arg4[%add3A_86] : memref<320000xi32, #tpu.memory_space<hbm>> -> memref<80xi32, #tpu.memory_space<hbm>>
      tpu.wait_dma2 semaphore(%arg15 : memref<!tpu.dma_semaphore, #tpu.memory_space<semaphore_mem>>) src(%dma_wait3A_90 : memref<80xi32, #tpu.memory_space<hbm>>) dst(%arg9 : memref<80xi32, #tpu.memory_space<vmem>>)
      %add3A_91 = arith.constant 1 : i32
      %add3A_92 = arith.addi %mul3A_81, %add3A_91 : i32
      %dma_start3A_93 = arith.constant 0 : i32
      %dma_start3A_94 = arith.constant 0 : i32
      %dma_start3A_95 = tpu.memref_slice %arg2[%dma_start3A_93, %dma_start3A_94] : memref<10240x128xf32, #tpu.memory_space<hbm>> -> memref<10240x128xf32, #tpu.memory_space<hbm>>
      tpu.enqueue_indirect_dma source(%dma_start3A_95 : memref<10240x128xf32, #tpu.memory_space<hbm>>) target(%arg11 : memref<80x128xf32, #tpu.memory_space<vmem>>) offsets(%arg8 : memref<80xi32, #tpu.memory_space<vmem>>) semaphore(%arg17 : memref<!tpu.dma_semaphore, #tpu.memory_space<semaphore_mem>>)
      %dma_wait3A_96 = arith.constant 0 : i32
      %dma_wait3A_97 = arith.constant 0 : i32
      %dma_wait3A_98 = tpu.memref_slice %arg2[%dma_wait3A_96, %dma_wait3A_97] : memref<10240x128xf32, #tpu.memory_space<hbm>> -> memref<10240x128xf32, #tpu.memory_space<hbm>>
      tpu.wait_indirect_dma semaphore(%arg16 : memref<!tpu.dma_semaphore, #tpu.memory_space<semaphore_mem>>) src(%dma_wait3A_98 : memref<10240x128xf32, #tpu.memory_space<hbm>>) dst(%arg10 : memref<80x128xf32, #tpu.memory_space<vmem>>)
      "tpu.region"() ({
        %run_scoped3A = tpu.sem_alloc : memref<!tpu.dma_semaphore, #tpu.memory_space<semaphore_mem>>
        %dma_start3A_136 = arith.constant 0 : i32
        %dma_start3A_137 = arith.constant 0 : i32
        %dma_start3A_138 = tpu.memref_slice %arg13[%dma_start3A_136, %dma_start3A_137] : memref<10240x128xf32, #tpu.memory_space<vmem_shared>> -> memref<10240x128xf32, #tpu.memory_space<vmem_shared>>
        tpu.enqueue_indirect_dma source(%arg10 : memref<80x128xf32, #tpu.memory_space<vmem>>) target(%dma_start3A_138 : memref<10240x128xf32, #tpu.memory_space<vmem_shared>>) offsets(%arg7 : memref<80xi32, #tpu.memory_space<vmem>>) semaphore(%run_scoped3A : memref<!tpu.dma_semaphore, #tpu.memory_space<semaphore_mem>>) {add = true}
        %dma_wait3A_139 = arith.constant 0 : i32
        %dma_wait3A_140 = arith.constant 0 : i32
        %dma_wait3A_141 = tpu.memref_slice %arg13[%dma_wait3A_139, %dma_wait3A_140] : memref<10240x128xf32, #tpu.memory_space<vmem_shared>> -> memref<10240x128xf32, #tpu.memory_space<vmem_shared>>
        tpu.wait_indirect_dma semaphore(%run_scoped3A : memref<!tpu.dma_semaphore, #tpu.memory_space<semaphore_mem>>) src(%arg10 : memref<80x128xf32, #tpu.memory_space<vmem>>) dst(%dma_wait3A_141 : memref<10240x128xf32, #tpu.memory_space<vmem_shared>>)
        tpu.yield
      }) : () -> ()
      %add3A_99 = arith.constant 2 : i32
      %add3A_100 = arith.addi %mul3A_81, %add3A_99 : i32
      %mul3A_101 = arith.constant 80 : i32
      %mul3A_102 = arith.muli %add3A_100, %mul3A_101 : i32
      %add3A_103 = arith.addi %mul3A_2, %mul3A_102 : i32
      %dma_start3A_104 = tpu.memref_slice %arg3[%add3A_103] : memref<320000xi32, #tpu.memory_space<hbm>> -> memref<80xi32, #tpu.memory_space<hbm>>
      %dma_start3A_105 = tpu.memref_slice %arg3[%add3A_103] : memref<320000xi32, #tpu.memory_space<hbm>> -> memref<80xi32, #tpu.memory_space<hbm>>
      tpu.enqueue_dma source(%dma_start3A_105 : memref<80xi32, #tpu.memory_space<hbm>>) target(%arg6 : memref<80xi32, #tpu.memory_space<vmem>>) target_semaphore(%arg14 : memref<!tpu.dma_semaphore, #tpu.memory_space<semaphore_mem>>)
      %dma_start3A_106 = tpu.memref_slice %arg4[%add3A_103] : memref<320000xi32, #tpu.memory_space<hbm>> -> memref<80xi32, #tpu.memory_space<hbm>>
      %dma_start3A_107 = tpu.memref_slice %arg4[%add3A_103] : memref<320000xi32, #tpu.memory_space<hbm>> -> memref<80xi32, #tpu.memory_space<hbm>>
      tpu.enqueue_dma source(%dma_start3A_107 : memref<80xi32, #tpu.memory_space<hbm>>) target(%arg7 : memref<80xi32, #tpu.memory_space<vmem>>) target_semaphore(%arg14 : memref<!tpu.dma_semaphore, #tpu.memory_space<semaphore_mem>>)
      %add3A_108 = arith.constant 2 : i32
      %add3A_109 = arith.addi %mul3A_81, %add3A_108 : i32
      %mul3A_110 = arith.constant 80 : i32
      %mul3A_111 = arith.muli %add3A_109, %mul3A_110 : i32
      %add3A_112 = arith.addi %mul3A_2, %mul3A_111 : i32
      %dma_wait3A_113 = tpu.memref_slice %arg3[%add3A_112] : memref<320000xi32, #tpu.memory_space<hbm>> -> memref<80xi32, #tpu.memory_space<hbm>>
      %dma_wait3A_114 = tpu.memref_slice %arg3[%add3A_112] : memref<320000xi32, #tpu.memory_space<hbm>> -> memref<80xi32, #tpu.memory_space<hbm>>
      tpu.wait_dma2 semaphore(%arg14 : memref<!tpu.dma_semaphore, #tpu.memory_space<semaphore_mem>>) src(%dma_wait3A_114 : memref<80xi32, #tpu.memory_space<hbm>>) dst(%arg6 : memref<80xi32, #tpu.memory_space<vmem>>)
      %dma_wait3A_115 = tpu.memref_slice %arg4[%add3A_112] : memref<320000xi32, #tpu.memory_space<hbm>> -> memref<80xi32, #tpu.memory_space<hbm>>
      %dma_wait3A_116 = tpu.memref_slice %arg4[%add3A_112] : memref<320000xi32, #tpu.memory_space<hbm>> -> memref<80xi32, #tpu.memory_space<hbm>>
      tpu.wait_dma2 semaphore(%arg14 : memref<!tpu.dma_semaphore, #tpu.memory_space<semaphore_mem>>) src(%dma_wait3A_116 : memref<80xi32, #tpu.memory_space<hbm>>) dst(%arg7 : memref<80xi32, #tpu.memory_space<vmem>>)
      %add3A_117 = arith.constant 2 : i32
      %add3A_118 = arith.addi %mul3A_81, %add3A_117 : i32
      %dma_start3A_119 = arith.constant 0 : i32
      %dma_start3A_120 = arith.constant 0 : i32
      %dma_start3A_121 = tpu.memref_slice %arg2[%dma_start3A_119, %dma_start3A_120] : memref<10240x128xf32, #tpu.memory_space<hbm>> -> memref<10240x128xf32, #tpu.memory_space<hbm>>
      tpu.enqueue_indirect_dma source(%dma_start3A_121 : memref<10240x128xf32, #tpu.memory_space<hbm>>) target(%arg10 : memref<80x128xf32, #tpu.memory_space<vmem>>) offsets(%arg6 : memref<80xi32, #tpu.memory_space<vmem>>) semaphore(%arg16 : memref<!tpu.dma_semaphore, #tpu.memory_space<semaphore_mem>>)
      %add3A_122 = arith.constant 1 : i32
      %add3A_123 = arith.addi %mul3A_81, %add3A_122 : i32
      %dma_wait3A_124 = arith.constant 0 : i32
      %dma_wait3A_125 = arith.constant 0 : i32
      %dma_wait3A_126 = tpu.memref_slice %arg2[%dma_wait3A_124, %dma_wait3A_125] : memref<10240x128xf32, #tpu.memory_space<hbm>> -> memref<10240x128xf32, #tpu.memory_space<hbm>>
      tpu.wait_indirect_dma semaphore(%arg17 : memref<!tpu.dma_semaphore, #tpu.memory_space<semaphore_mem>>) src(%dma_wait3A_126 : memref<10240x128xf32, #tpu.memory_space<hbm>>) dst(%arg11 : memref<80x128xf32, #tpu.memory_space<vmem>>)
      "tpu.region"() ({
        %run_scoped3A = tpu.sem_alloc : memref<!tpu.dma_semaphore, #tpu.memory_space<semaphore_mem>>
        %dma_start3A_136 = arith.constant 0 : i32
        %dma_start3A_137 = arith.constant 0 : i32
        %dma_start3A_138 = tpu.memref_slice %arg13[%dma_start3A_136, %dma_start3A_137] : memref<10240x128xf32, #tpu.memory_space<vmem_shared>> -> memref<10240x128xf32, #tpu.memory_space<vmem_shared>>
        tpu.enqueue_indirect_dma source(%arg11 : memref<80x128xf32, #tpu.memory_space<vmem>>) target(%dma_start3A_138 : memref<10240x128xf32, #tpu.memory_space<vmem_shared>>) offsets(%arg9 : memref<80xi32, #tpu.memory_space<vmem>>) semaphore(%run_scoped3A : memref<!tpu.dma_semaphore, #tpu.memory_space<semaphore_mem>>) {add = true}
        %dma_wait3A_139 = arith.constant 0 : i32
        %dma_wait3A_140 = arith.constant 0 : i32
        %dma_wait3A_141 = tpu.memref_slice %arg13[%dma_wait3A_139, %dma_wait3A_140] : memref<10240x128xf32, #tpu.memory_space<vmem_shared>> -> memref<10240x128xf32, #tpu.memory_space<vmem_shared>>
        tpu.wait_indirect_dma semaphore(%run_scoped3A : memref<!tpu.dma_semaphore, #tpu.memory_space<semaphore_mem>>) src(%arg11 : memref<80x128xf32, #tpu.memory_space<vmem>>) dst(%dma_wait3A_141 : memref<10240x128xf32, #tpu.memory_space<vmem_shared>>)
        tpu.yield
      }) : () -> ()
      %add3A_127 = arith.constant 3 : i32
      %add3A_128 = arith.addi %mul3A_81, %add3A_127 : i32
      %mul3A_129 = arith.constant 80 : i32
      %mul3A_130 = arith.muli %add3A_128, %mul3A_129 : i32
      %add3A_131 = arith.addi %mul3A_2, %mul3A_130 : i32
      %dma_start3A_132 = tpu.memref_slice %arg3[%add3A_131] : memref<320000xi32, #tpu.memory_space<hbm>> -> memref<80xi32, #tpu.memory_space<hbm>>
      %dma_start3A_133 = tpu.memref_slice %arg3[%add3A_131] : memref<320000xi32, #tpu.memory_space<hbm>> -> memref<80xi32, #tpu.memory_space<hbm>>
      tpu.enqueue_dma source(%dma_start3A_133 : memref<80xi32, #tpu.memory_space<hbm>>) target(%arg8 : memref<80xi32, #tpu.memory_space<vmem>>) target_semaphore(%arg15 : memref<!tpu.dma_semaphore, #tpu.memory_space<semaphore_mem>>)
      %dma_start3A_134 = tpu.memref_slice %arg4[%add3A_131] : memref<320000xi32, #tpu.memory_space<hbm>> -> memref<80xi32, #tpu.memory_space<hbm>>
      %dma_start3A_135 = tpu.memref_slice %arg4[%add3A_131] : memref<320000xi32, #tpu.memory_space<hbm>> -> memref<80xi32, #tpu.memory_space<hbm>>
      tpu.enqueue_dma source(%dma_start3A_135 : memref<80xi32, #tpu.memory_space<hbm>>) target(%arg9 : memref<80xi32, #tpu.memory_space<vmem>>) target_semaphore(%arg15 : memref<!tpu.dma_semaphore, #tpu.memory_space<semaphore_mem>>)
    }
    %scan3A_35 = arith.constant 61 : i32
    %add3A_36 = arith.constant 9840 : i32
    %add3A_37 = arith.addi %mul3A_2, %add3A_36 : i32
    %dma_wait3A_38 = tpu.memref_slice %arg3[%add3A_37] : memref<320000xi32, #tpu.memory_space<hbm>> -> memref<80xi32, #tpu.memory_space<hbm>>
    %dma_wait3A_39 = tpu.memref_slice %arg3[%add3A_37] : memref<320000xi32, #tpu.memory_space<hbm>> -> memref<80xi32, #tpu.memory_space<hbm>>
    tpu.wait_dma2 semaphore(%arg15 : memref<!tpu.dma_semaphore, #tpu.memory_space<semaphore_mem>>) src(%dma_wait3A_39 : memref<80xi32, #tpu.memory_space<hbm>>) dst(%arg8 : memref<80xi32, #tpu.memory_space<vmem>>)
    %dma_wait3A_40 = tpu.memref_slice %arg4[%add3A_37] : memref<320000xi32, #tpu.memory_space<hbm>> -> memref<80xi32, #tpu.memory_space<hbm>>
    %dma_wait3A_41 = tpu.memref_slice %arg4[%add3A_37] : memref<320000xi32, #tpu.memory_space<hbm>> -> memref<80xi32, #tpu.memory_space<hbm>>
    tpu.wait_dma2 semaphore(%arg15 : memref<!tpu.dma_semaphore, #tpu.memory_space<semaphore_mem>>) src(%dma_wait3A_41 : memref<80xi32, #tpu.memory_space<hbm>>) dst(%arg9 : memref<80xi32, #tpu.memory_space<vmem>>)
    %dma_start3A_42 = arith.constant 0 : i32
    %dma_start3A_43 = arith.constant 0 : i32
    %dma_start3A_44 = tpu.memref_slice %arg2[%dma_start3A_42, %dma_start3A_43] : memref<10240x128xf32, #tpu.memory_space<hbm>> -> memref<10240x128xf32, #tpu.memory_space<hbm>>
    tpu.enqueue_indirect_dma source(%dma_start3A_44 : memref<10240x128xf32, #tpu.memory_space<hbm>>) target(%arg11 : memref<80x128xf32, #tpu.memory_space<vmem>>) offsets(%arg8 : memref<80xi32, #tpu.memory_space<vmem>>) semaphore(%arg17 : memref<!tpu.dma_semaphore, #tpu.memory_space<semaphore_mem>>)
    %dma_wait3A_45 = arith.constant 0 : i32
    %dma_wait3A_46 = arith.constant 0 : i32
    %dma_wait3A_47 = tpu.memref_slice %arg2[%dma_wait3A_45, %dma_wait3A_46] : memref<10240x128xf32, #tpu.memory_space<hbm>> -> memref<10240x128xf32, #tpu.memory_space<hbm>>
    tpu.wait_indirect_dma semaphore(%arg16 : memref<!tpu.dma_semaphore, #tpu.memory_space<semaphore_mem>>) src(%dma_wait3A_47 : memref<10240x128xf32, #tpu.memory_space<hbm>>) dst(%arg10 : memref<80x128xf32, #tpu.memory_space<vmem>>)
    "tpu.region"() ({
      %run_scoped3A = tpu.sem_alloc : memref<!tpu.dma_semaphore, #tpu.memory_space<semaphore_mem>>
      %dma_start3A_75 = arith.constant 0 : i32
      %dma_start3A_76 = arith.constant 0 : i32
      %dma_start3A_77 = tpu.memref_slice %arg13[%dma_start3A_75, %dma_start3A_76] : memref<10240x128xf32, #tpu.memory_space<vmem_shared>> -> memref<10240x128xf32, #tpu.memory_space<vmem_shared>>
      tpu.enqueue_indirect_dma source(%arg10 : memref<80x128xf32, #tpu.memory_space<vmem>>) target(%dma_start3A_77 : memref<10240x128xf32, #tpu.memory_space<vmem_shared>>) offsets(%arg7 : memref<80xi32, #tpu.memory_space<vmem>>) semaphore(%run_scoped3A : memref<!tpu.dma_semaphore, #tpu.memory_space<semaphore_mem>>) {add = true}
      %dma_wait3A_78 = arith.constant 0 : i32
      %dma_wait3A_79 = arith.constant 0 : i32
      %dma_wait3A_80 = tpu.memref_slice %arg13[%dma_wait3A_78, %dma_wait3A_79] : memref<10240x128xf32, #tpu.memory_space<vmem_shared>> -> memref<10240x128xf32, #tpu.memory_space<vmem_shared>>
      tpu.wait_indirect_dma semaphore(%run_scoped3A : memref<!tpu.dma_semaphore, #tpu.memory_space<semaphore_mem>>) src(%arg10 : memref<80x128xf32, #tpu.memory_space<vmem>>) dst(%dma_wait3A_80 : memref<10240x128xf32, #tpu.memory_space<vmem_shared>>)
      tpu.yield
    }) : () -> ()
    %add3A_48 = arith.constant 9920 : i32
    %add3A_49 = arith.addi %mul3A_2, %add3A_48 : i32
    %dma_start3A_50 = tpu.memref_slice %arg3[%add3A_49] : memref<320000xi32, #tpu.memory_space<hbm>> -> memref<80xi32, #tpu.memory_space<hbm>>
    %dma_start3A_51 = tpu.memref_slice %arg3[%add3A_49] : memref<320000xi32, #tpu.memory_space<hbm>> -> memref<80xi32, #tpu.memory_space<hbm>>
    tpu.enqueue_dma source(%dma_start3A_51 : memref<80xi32, #tpu.memory_space<hbm>>) target(%arg6 : memref<80xi32, #tpu.memory_space<vmem>>) target_semaphore(%arg14 : memref<!tpu.dma_semaphore, #tpu.memory_space<semaphore_mem>>)
    %dma_start3A_52 = tpu.memref_slice %arg4[%add3A_49] : memref<320000xi32, #tpu.memory_space<hbm>> -> memref<80xi32, #tpu.memory_space<hbm>>
    %dma_start3A_53 = tpu.memref_slice %arg4[%add3A_49] : memref<320000xi32, #tpu.memory_space<hbm>> -> memref<80xi32, #tpu.memory_space<hbm>>
    tpu.enqueue_dma source(%dma_start3A_53 : memref<80xi32, #tpu.memory_space<hbm>>) target(%arg7 : memref<80xi32, #tpu.memory_space<vmem>>) target_semaphore(%arg14 : memref<!tpu.dma_semaphore, #tpu.memory_space<semaphore_mem>>)
    %add3A_54 = arith.constant 9920 : i32
    %add3A_55 = arith.addi %mul3A_2, %add3A_54 : i32
    %dma_wait3A_56 = tpu.memref_slice %arg3[%add3A_55] : memref<320000xi32, #tpu.memory_space<hbm>> -> memref<80xi32, #tpu.memory_space<hbm>>
    %dma_wait3A_57 = tpu.memref_slice %arg3[%add3A_55] : memref<320000xi32, #tpu.memory_space<hbm>> -> memref<80xi32, #tpu.memory_space<hbm>>
    tpu.wait_dma2 semaphore(%arg14 : memref<!tpu.dma_semaphore, #tpu.memory_space<semaphore_mem>>) src(%dma_wait3A_57 : memref<80xi32, #tpu.memory_space<hbm>>) dst(%arg6 : memref<80xi32, #tpu.memory_space<vmem>>)
    %dma_wait3A_58 = tpu.memref_slice %arg4[%add3A_55] : memref<320000xi32, #tpu.memory_space<hbm>> -> memref<80xi32, #tpu.memory_space<hbm>>
    %dma_wait3A_59 = tpu.memref_slice %arg4[%add3A_55] : memref<320000xi32, #tpu.memory_space<hbm>> -> memref<80xi32, #tpu.memory_space<hbm>>
    tpu.wait_dma2 semaphore(%arg14 : memref<!tpu.dma_semaphore, #tpu.memory_space<semaphore_mem>>) src(%dma_wait3A_59 : memref<80xi32, #tpu.memory_space<hbm>>) dst(%arg7 : memref<80xi32, #tpu.memory_space<vmem>>)
    %dma_start3A_60 = arith.constant 0 : i32
    %dma_start3A_61 = arith.constant 0 : i32
    %dma_start3A_62 = tpu.memref_slice %arg2[%dma_start3A_60, %dma_start3A_61] : memref<10240x128xf32, #tpu.memory_space<hbm>> -> memref<10240x128xf32, #tpu.memory_space<hbm>>
    tpu.enqueue_indirect_dma source(%dma_start3A_62 : memref<10240x128xf32, #tpu.memory_space<hbm>>) target(%arg10 : memref<80x128xf32, #tpu.memory_space<vmem>>) offsets(%arg6 : memref<80xi32, #tpu.memory_space<vmem>>) semaphore(%arg16 : memref<!tpu.dma_semaphore, #tpu.memory_space<semaphore_mem>>)
    %dma_wait3A_63 = arith.constant 0 : i32
    %dma_wait3A_64 = arith.constant 0 : i32
    %dma_wait3A_65 = tpu.memref_slice %arg2[%dma_wait3A_63, %dma_wait3A_64] : memref<10240x128xf32, #tpu.memory_space<hbm>> -> memref<10240x128xf32, #tpu.memory_space<hbm>>
    tpu.wait_indirect_dma semaphore(%arg17 : memref<!tpu.dma_semaphore, #tpu.memory_space<semaphore_mem>>) src(%dma_wait3A_65 : memref<10240x128xf32, #tpu.memory_space<hbm>>) dst(%arg11 : memref<80x128xf32, #tpu.memory_space<vmem>>)
    "tpu.region"() ({
      %run_scoped3A = tpu.sem_alloc : memref<!tpu.dma_semaphore, #tpu.memory_space<semaphore_mem>>
      %dma_start3A_75 = arith.constant 0 : i32
      %dma_start3A_76 = arith.constant 0 : i32
      %dma_start3A_77 = tpu.memref_slice %arg13[%dma_start3A_75, %dma_start3A_76] : memref<10240x128xf32, #tpu.memory_space<vmem_shared>> -> memref<10240x128xf32, #tpu.memory_space<vmem_shared>>
      tpu.enqueue_indirect_dma source(%arg11 : memref<80x128xf32, #tpu.memory_space<vmem>>) target(%dma_start3A_77 : memref<10240x128xf32, #tpu.memory_space<vmem_shared>>) offsets(%arg9 : memref<80xi32, #tpu.memory_space<vmem>>) semaphore(%run_scoped3A : memref<!tpu.dma_semaphore, #tpu.memory_space<semaphore_mem>>) {add = true}
      %dma_wait3A_78 = arith.constant 0 : i32
      %dma_wait3A_79 = arith.constant 0 : i32
      %dma_wait3A_80 = tpu.memref_slice %arg13[%dma_wait3A_78, %dma_wait3A_79] : memref<10240x128xf32, #tpu.memory_space<vmem_shared>> -> memref<10240x128xf32, #tpu.memory_space<vmem_shared>>
      tpu.wait_indirect_dma semaphore(%run_scoped3A : memref<!tpu.dma_semaphore, #tpu.memory_space<semaphore_mem>>) src(%arg11 : memref<80x128xf32, #tpu.memory_space<vmem>>) dst(%dma_wait3A_80 : memref<10240x128xf32, #tpu.memory_space<vmem_shared>>)
      tpu.yield
    }) : () -> ()
    %dma_wait3A_66 = arith.constant 0 : i32
    %dma_wait3A_67 = arith.constant 0 : i32
    %dma_wait3A_68 = tpu.memref_slice %arg2[%dma_wait3A_66, %dma_wait3A_67] : memref<10240x128xf32, #tpu.memory_space<hbm>> -> memref<10240x128xf32, #tpu.memory_space<hbm>>
    tpu.wait_indirect_dma semaphore(%arg16 : memref<!tpu.dma_semaphore, #tpu.memory_space<semaphore_mem>>) src(%dma_wait3A_68 : memref<10240x128xf32, #tpu.memory_space<hbm>>) dst(%arg10 : memref<80x128xf32, #tpu.memory_space<vmem>>)
    "tpu.region"() ({
      %run_scoped3A = tpu.sem_alloc : memref<!tpu.dma_semaphore, #tpu.memory_space<semaphore_mem>>
      %dma_start3A_75 = arith.constant 0 : i32
      %dma_start3A_76 = arith.constant 0 : i32
      %dma_start3A_77 = tpu.memref_slice %arg13[%dma_start3A_75, %dma_start3A_76] : memref<10240x128xf32, #tpu.memory_space<vmem_shared>> -> memref<10240x128xf32, #tpu.memory_space<vmem_shared>>
      tpu.enqueue_indirect_dma source(%arg10 : memref<80x128xf32, #tpu.memory_space<vmem>>) target(%dma_start3A_77 : memref<10240x128xf32, #tpu.memory_space<vmem_shared>>) offsets(%arg7 : memref<80xi32, #tpu.memory_space<vmem>>) semaphore(%run_scoped3A : memref<!tpu.dma_semaphore, #tpu.memory_space<semaphore_mem>>) {add = true}
      %dma_wait3A_78 = arith.constant 0 : i32
      %dma_wait3A_79 = arith.constant 0 : i32
      %dma_wait3A_80 = tpu.memref_slice %arg13[%dma_wait3A_78, %dma_wait3A_79] : memref<10240x128xf32, #tpu.memory_space<vmem_shared>> -> memref<10240x128xf32, #tpu.memory_space<vmem_shared>>
      tpu.wait_indirect_dma semaphore(%run_scoped3A : memref<!tpu.dma_semaphore, #tpu.memory_space<semaphore_mem>>) src(%arg10 : memref<80x128xf32, #tpu.memory_space<vmem>>) dst(%dma_wait3A_80 : memref<10240x128xf32, #tpu.memory_space<vmem_shared>>)
      tpu.yield
    }) : () -> ()
    %barrier3A_69 = arith.constant 0 : index
    tpu.barrier barrier_id(%barrier3A_69)
    %scan3A_70 = arith.constant 0 : i32
    %scan3A_71 = arith.constant 5 : i32
    %scan3A_72 = arith.addi %scan3A_70, %scan3A_71 : i32
    %scan3A_73 = arith.constant 1 : i32
    scf.for %scan3A_75 = %scan3A_70 to %scan3A_72 step %scan3A_73  : i32 {
      %mul3A_76 = arith.constant 1 : i32
      %mul3A_77 = arith.muli %scan3A_75, %mul3A_76 : i32
      %add3A_78 = arith.constant 0 : i32
      %add3A_79 = arith.addi %add3A_78, %mul3A_77 : i32
      %mul3A_80 = arith.constant 640 : i32
      %mul3A_81 = arith.muli %arg1, %mul3A_80 : i32
      %mul3A_82 = arith.constant 128 : i32
      %mul3A_83 = arith.muli %add3A_79, %mul3A_82 : i32
      %add3A_84 = arith.addi %mul3A_81, %mul3A_83 : i32
      "tpu.region"() ({
        %run_scoped3A = tpu.sem_alloc : memref<!tpu.dma_semaphore, #tpu.memory_space<semaphore_mem>>
        %dma_start3A_85 = arith.constant 0 : i32
        %dma_start3A_86 = tpu.memref_slice %arg5[%arg0, %add3A_84, %dma_start3A_85] : memref<2x10240x128xf32, #tpu.memory_space<hbm>> -> memref<1x128x128xf32, #tpu.memory_space<hbm>>
        %dma_start3A_87 = tpu.memref_squeeze %dma_start3A_86 : memref<1x128x128xf32, #tpu.memory_space<hbm>> -> memref<128x128xf32, #tpu.memory_space<hbm>>
        %dma_start3A_88 = arith.constant 0 : i32
        %dma_start3A_89 = tpu.memref_slice %arg13[%add3A_84, %dma_start3A_88] : memref<10240x128xf32, #tpu.memory_space<vmem_shared>> -> memref<128x128xf32, #tpu.memory_space<vmem_shared>>
        tpu.enqueue_dma source(%dma_start3A_89 : memref<128x128xf32, #tpu.memory_space<vmem_shared>>) target(%dma_start3A_87 : memref<128x128xf32, #tpu.memory_space<hbm>>) target_semaphore(%run_scoped3A : memref<!tpu.dma_semaphore, #tpu.memory_space<semaphore_mem>>)
        %dma_wait3A_90 = arith.constant 0 : i32
        %dma_wait3A_91 = tpu.memref_slice %arg5[%arg0, %add3A_84, %dma_wait3A_90] : memref<2x10240x128xf32, #tpu.memory_space<hbm>> -> memref<1x128x128xf32, #tpu.memory_space<hbm>>
        %dma_wait3A_92 = tpu.memref_squeeze %dma_wait3A_91 : memref<1x128x128xf32, #tpu.memory_space<hbm>> -> memref<128x128xf32, #tpu.memory_space<hbm>>
        %dma_wait3A_93 = arith.constant 0 : i32
        %dma_wait3A_94 = tpu.memref_slice %arg13[%add3A_84, %dma_wait3A_93] : memref<10240x128xf32, #tpu.memory_space<vmem_shared>> -> memref<128x128xf32, #tpu.memory_space<vmem_shared>>
        tpu.wait_dma2 semaphore(%run_scoped3A : memref<!tpu.dma_semaphore, #tpu.memory_space<semaphore_mem>>) src(%dma_wait3A_94 : memref<128x128xf32, #tpu.memory_space<vmem_shared>>) dst(%dma_wait3A_92 : memref<128x128xf32, #tpu.memory_space<hbm>>)
        tpu.yield
      }) : () -> ()
    }
    %scan3A_74 = arith.constant 5 : i32
    return
  }
}

#map = affine_map<(d0, d1) -> (0)>
#map1 = affine_map<(d0, d1) -> (0, 0, 0)>
module attributes {stable_mosaic.version = 14 : i64} {
  func.func @deg(%arg0: i32, %arg1: i32, %arg2: memref<320000xi32, #tpu.memory_space<hbm>>, %arg3: memref<2x10240x16xf32, #tpu.memory_space<hbm>>, %arg4: memref<80xi32, #tpu.memory_space<vmem>>, %arg5: memref<80xi32, #tpu.memory_space<vmem>>, %arg6: memref<80x16xf32, #tpu.memory_space<vmem>>, %arg7: memref<32x16xf32, #tpu.memory_space<vmem>>, %arg8: memref<10240x16xf32, #tpu.memory_space<vmem_shared>>, %arg9: memref<!tpu.dma_semaphore, #tpu.memory_space<semaphore_mem>>, %arg10: memref<!tpu.dma_semaphore, #tpu.memory_space<semaphore_mem>>, %arg11: memref<!tpu.dma_semaphore, #tpu.memory_space<semaphore_mem>>, %arg12: memref<!tpu.dma_semaphore, #tpu.memory_space<semaphore_mem>>) attributes {dimension_semantics = [#tpu.dimension_semantics<core_parallel>, #tpu.dimension_semantics<subcore_parallel>], iteration_bounds = array<i64: 2, 16>, scalar_prefetch = 0 : i64, scratch_operands = 9 : i64, tpu.core_type = #tpu.core_type<sc_vector_subcore>, window_params = [{transform_indices = #map}, {transform_indices = #map1}]} {
    %mul3A = arith.constant 16 : i32
    %mul3A_0 = arith.muli %arg0, %mul3A : i32
    %add3A = arith.addi %mul3A_0, %arg1 : i32
    %mul3A_1 = arith.constant 10000 : i32
    %mul3A_2 = arith.muli %add3A, %mul3A_1 : i32
    %add3A_3 = arith.constant 0 : i32
    %add3A_4 = arith.addi %mul3A_2, %add3A_3 : i32
    %dma_start3A = tpu.memref_slice %arg2[%add3A_4] : memref<320000xi32, #tpu.memory_space<hbm>> -> memref<80xi32, #tpu.memory_space<hbm>>
    %dma_start3A_5 = tpu.memref_slice %arg2[%add3A_4] : memref<320000xi32, #tpu.memory_space<hbm>> -> memref<80xi32, #tpu.memory_space<hbm>>
    tpu.enqueue_dma source(%dma_start3A_5 : memref<80xi32, #tpu.memory_space<hbm>>) target(%arg4 : memref<80xi32, #tpu.memory_space<vmem>>) target_semaphore(%arg9 : memref<!tpu.dma_semaphore, #tpu.memory_space<semaphore_mem>>)
    %scan3A = arith.constant 0 : i32
    %scan3A_6 = arith.constant 32 : i32
    %scan3A_7 = arith.addi %scan3A, %scan3A_6 : i32
    %scan3A_8 = arith.constant 1 : i32
    scf.for %scan3A_68 = %scan3A to %scan3A_7 step %scan3A_8  : i32 {
      %mul3A_69 = arith.constant 1 : i32
      %mul3A_70 = arith.muli %scan3A_68, %mul3A_69 : i32
      %add3A_71 = arith.constant 0 : i32
      %add3A_72 = arith.addi %add3A_71, %mul3A_70 : i32
      %broadcast_in_dim3A = arith.constant 0.000000e+00 : f32
      %broadcast_in_dim3A_73 = vector.broadcast %broadcast_in_dim3A : f32 to vector<16xf32>
      %swap3A = arith.index_cast %add3A_72 : i32 to index
      %swap3A_74 = arith.constant 0 : index
      %swap3A_75 = tpu.vector_load %arg7[%swap3A, %swap3A_74] {strides = array<i32>} : memref<32x16xf32, #tpu.memory_space<vmem>>, vector<1x16xf32>,
      %swap3A_76 = vector.shape_cast %swap3A_75 : vector<1x16xf32> to vector<16xf32>
      %swap3A_77 = vector.shape_cast %broadcast_in_dim3A_73 : vector<16xf32> to vector<1x16xf32>
      tpu.vector_store %arg7[%swap3A, %swap3A_74], %swap3A_77 {strides = array<i32>} : memref<32x16xf32, #tpu.memory_space<vmem>>, vector<1x16xf32>,
    }
    %scan3A_9 = arith.constant 32 : i32
    %scan3A_10 = arith.constant 0 : i32
    %scan3A_11 = arith.constant 80 : i32
    %scan3A_12 = arith.addi %scan3A_10, %scan3A_11 : i32
    %scan3A_13 = arith.constant 1 : i32
    scf.for %scan3A_68 = %scan3A_10 to %scan3A_12 step %scan3A_13  : i32 {
      %mul3A_69 = arith.constant 1 : i32
      %mul3A_70 = arith.muli %scan3A_68, %mul3A_69 : i32
      %add3A_71 = arith.constant 0 : i32
      %add3A_72 = arith.addi %add3A_71, %mul3A_70 : i32
      %broadcast_in_dim3A = arith.constant 1.000000e+00 : f32
      %broadcast_in_dim3A_73 = vector.broadcast %broadcast_in_dim3A : f32 to vector<16xf32>
      %swap3A = arith.index_cast %add3A_72 : i32 to index
      %swap3A_74 = arith.constant 0 : index
      %swap3A_75 = tpu.vector_load %arg6[%swap3A, %swap3A_74] {strides = array<i32>} : memref<80x16xf32, #tpu.memory_space<vmem>>, vector<1x16xf32>,
      %swap3A_76 = vector.shape_cast %swap3A_75 : vector<1x16xf32> to vector<16xf32>
      %swap3A_77 = vector.shape_cast %broadcast_in_dim3A_73 : vector<16xf32> to vector<1x16xf32>
      tpu.vector_store %arg6[%swap3A, %swap3A_74], %swap3A_77 {strides = array<i32>} : memref<80x16xf32, #tpu.memory_space<vmem>>, vector<1x16xf32>,
    }
    %scan3A_14 = arith.constant 80 : i32
    %scan3A_15 = arith.constant 0 : i32
    %scan3A_16 = arith.constant 20 : i32
    %scan3A_17 = arith.addi %scan3A_15, %scan3A_16 : i32
    %scan3A_18 = arith.constant 1 : i32
    scf.for %scan3A_68 = %scan3A_15 to %scan3A_17 step %scan3A_18  : i32 {
      %mul3A_69 = arith.constant 1 : i32
      %mul3A_70 = arith.muli %scan3A_68, %mul3A_69 : i32
      %add3A_71 = arith.constant 0 : i32
      %add3A_72 = arith.addi %add3A_71, %mul3A_70 : i32
      %mul3A_73 = arith.constant 640 : i32
      %mul3A_74 = arith.muli %arg1, %mul3A_73 : i32
      %mul3A_75 = arith.constant 32 : i32
      %mul3A_76 = arith.muli %add3A_72, %mul3A_75 : i32
      %add3A_77 = arith.addi %mul3A_74, %mul3A_76 : i32
      "tpu.region"() ({
        %run_scoped3A = tpu.sem_alloc : memref<!tpu.dma_semaphore, #tpu.memory_space<semaphore_mem>>
        %dma_start3A_78 = arith.constant 0 : i32
        %dma_start3A_79 = tpu.memref_slice %arg8[%add3A_77, %dma_start3A_78] : memref<10240x16xf32, #tpu.memory_space<vmem_shared>> -> memref<32x16xf32, #tpu.memory_space<vmem_shared>>
        %dma_start3A_80 = arith.constant 0 : i32
        %dma_start3A_81 = tpu.memref_slice %arg8[%add3A_77, %dma_start3A_80] : memref<10240x16xf32, #tpu.memory_space<vmem_shared>> -> memref<32x16xf32, #tpu.memory_space<vmem_shared>>
        tpu.enqueue_dma source(%arg7 : memref<32x16xf32, #tpu.memory_space<vmem>>) target(%dma_start3A_81 : memref<32x16xf32, #tpu.memory_space<vmem_shared>>) target_semaphore(%run_scoped3A : memref<!tpu.dma_semaphore, #tpu.memory_space<semaphore_mem>>)
        %dma_wait3A_82 = arith.constant 0 : i32
        %dma_wait3A_83 = tpu.memref_slice %arg8[%add3A_77, %dma_wait3A_82] : memref<10240x16xf32, #tpu.memory_space<vmem_shared>> -> memref<32x16xf32, #tpu.memory_space<vmem_shared>>
        %dma_wait3A_84 = arith.constant 0 : i32
        %dma_wait3A_85 = tpu.memref_slice %arg8[%add3A_77, %dma_wait3A_84] : memref<10240x16xf32, #tpu.memory_space<vmem_shared>> -> memref<32x16xf32, #tpu.memory_space<vmem_shared>>
        tpu.wait_dma2 semaphore(%run_scoped3A : memref<!tpu.dma_semaphore, #tpu.memory_space<semaphore_mem>>) src(%arg7 : memref<32x16xf32, #tpu.memory_space<vmem>>) dst(%dma_wait3A_85 : memref<32x16xf32, #tpu.memory_space<vmem_shared>>)
        tpu.yield
      }) : () -> ()
    }
    %scan3A_19 = arith.constant 20 : i32
    %barrier3A = arith.constant 0 : index
    tpu.barrier barrier_id(%barrier3A)
    %add3A_20 = arith.constant 0 : i32
    %add3A_21 = arith.addi %mul3A_2, %add3A_20 : i32
    %dma_wait3A = tpu.memref_slice %arg2[%add3A_21] : memref<320000xi32, #tpu.memory_space<hbm>> -> memref<80xi32, #tpu.memory_space<hbm>>
    %dma_wait3A_22 = tpu.memref_slice %arg2[%add3A_21] : memref<320000xi32, #tpu.memory_space<hbm>> -> memref<80xi32, #tpu.memory_space<hbm>>
    tpu.wait_dma2 semaphore(%arg9 : memref<!tpu.dma_semaphore, #tpu.memory_space<semaphore_mem>>) src(%dma_wait3A_22 : memref<80xi32, #tpu.memory_space<hbm>>) dst(%arg4 : memref<80xi32, #tpu.memory_space<vmem>>)
    %dma_start3A_23 = arith.constant 0 : i32
    %dma_start3A_24 = arith.constant 0 : i32
    %dma_start3A_25 = tpu.memref_slice %arg8[%dma_start3A_23, %dma_start3A_24] : memref<10240x16xf32, #tpu.memory_space<vmem_shared>> -> memref<10240x16xf32, #tpu.memory_space<vmem_shared>>
    tpu.enqueue_indirect_dma source(%arg6 : memref<80x16xf32, #tpu.memory_space<vmem>>) target(%dma_start3A_25 : memref<10240x16xf32, #tpu.memory_space<vmem_shared>>) offsets(%arg4 : memref<80xi32, #tpu.memory_space<vmem>>) semaphore(%arg11 : memref<!tpu.dma_semaphore, #tpu.memory_space<semaphore_mem>>) {add = true}
    %add3A_26 = arith.constant 80 : i32
    %add3A_27 = arith.addi %mul3A_2, %add3A_26 : i32
    %dma_start3A_28 = tpu.memref_slice %arg2[%add3A_27] : memref<320000xi32, #tpu.memory_space<hbm>> -> memref<80xi32, #tpu.memory_space<hbm>>
    %dma_start3A_29 = tpu.memref_slice %arg2[%add3A_27] : memref<320000xi32, #tpu.memory_space<hbm>> -> memref<80xi32, #tpu.memory_space<hbm>>
    tpu.enqueue_dma source(%dma_start3A_29 : memref<80xi32, #tpu.memory_space<hbm>>) target(%arg5 : memref<80xi32, #tpu.memory_space<vmem>>) target_semaphore(%arg10 : memref<!tpu.dma_semaphore, #tpu.memory_space<semaphore_mem>>)
    %scan3A_30 = arith.constant 0 : i32
    %scan3A_31 = arith.constant 61 : i32
    %scan3A_32 = arith.addi %scan3A_30, %scan3A_31 : i32
    %scan3A_33 = arith.constant 1 : i32
    scf.for %scan3A_68 = %scan3A_30 to %scan3A_32 step %scan3A_33  : i32 {
      %mul3A_69 = arith.constant 1 : i32
      %mul3A_70 = arith.muli %scan3A_68, %mul3A_69 : i32
      %add3A_71 = arith.constant 0 : i32
      %add3A_72 = arith.addi %add3A_71, %mul3A_70 : i32
      %mul3A_73 = arith.constant 2 : i32
      %mul3A_74 = arith.muli %add3A_72, %mul3A_73 : i32
      %add3A_75 = arith.constant 1 : i32
      %add3A_76 = arith.addi %mul3A_74, %add3A_75 : i32
      %mul3A_77 = arith.constant 80 : i32
      %mul3A_78 = arith.muli %add3A_76, %mul3A_77 : i32
      %add3A_79 = arith.addi %mul3A_2, %mul3A_78 : i32
      %dma_wait3A_80 = tpu.memref_slice %arg2[%add3A_79] : memref<320000xi32, #tpu.memory_space<hbm>> -> memref<80xi32, #tpu.memory_space<hbm>>
      %dma_wait3A_81 = tpu.memref_slice %arg2[%add3A_79] : memref<320000xi32, #tpu.memory_space<hbm>> -> memref<80xi32, #tpu.memory_space<hbm>>
      tpu.wait_dma2 semaphore(%arg10 : memref<!tpu.dma_semaphore, #tpu.memory_space<semaphore_mem>>) src(%dma_wait3A_81 : memref<80xi32, #tpu.memory_space<hbm>>) dst(%arg5 : memref<80xi32, #tpu.memory_space<vmem>>)
      %dma_start3A_82 = arith.constant 0 : i32
      %dma_start3A_83 = arith.constant 0 : i32
      %dma_start3A_84 = tpu.memref_slice %arg8[%dma_start3A_82, %dma_start3A_83] : memref<10240x16xf32, #tpu.memory_space<vmem_shared>> -> memref<10240x16xf32, #tpu.memory_space<vmem_shared>>
      tpu.enqueue_indirect_dma source(%arg6 : memref<80x16xf32, #tpu.memory_space<vmem>>) target(%dma_start3A_84 : memref<10240x16xf32, #tpu.memory_space<vmem_shared>>) offsets(%arg5 : memref<80xi32, #tpu.memory_space<vmem>>) semaphore(%arg12 : memref<!tpu.dma_semaphore, #tpu.memory_space<semaphore_mem>>) {add = true}
      %dma_wait3A_85 = arith.constant 0 : i32
      %dma_wait3A_86 = arith.constant 0 : i32
      %dma_wait3A_87 = tpu.memref_slice %arg8[%dma_wait3A_85, %dma_wait3A_86] : memref<10240x16xf32, #tpu.memory_space<vmem_shared>> -> memref<10240x16xf32, #tpu.memory_space<vmem_shared>>
      tpu.wait_indirect_dma semaphore(%arg11 : memref<!tpu.dma_semaphore, #tpu.memory_space<semaphore_mem>>) src(%arg6 : memref<80x16xf32, #tpu.memory_space<vmem>>) dst(%dma_wait3A_87 : memref<10240x16xf32, #tpu.memory_space<vmem_shared>>)
      %add3A_88 = arith.constant 2 : i32
      %add3A_89 = arith.addi %mul3A_74, %add3A_88 : i32
      %mul3A_90 = arith.constant 80 : i32
      %mul3A_91 = arith.muli %add3A_89, %mul3A_90 : i32
      %add3A_92 = arith.addi %mul3A_2, %mul3A_91 : i32
      %dma_start3A_93 = tpu.memref_slice %arg2[%add3A_92] : memref<320000xi32, #tpu.memory_space<hbm>> -> memref<80xi32, #tpu.memory_space<hbm>>
      %dma_start3A_94 = tpu.memref_slice %arg2[%add3A_92] : memref<320000xi32, #tpu.memory_space<hbm>> -> memref<80xi32, #tpu.memory_space<hbm>>
      tpu.enqueue_dma source(%dma_start3A_94 : memref<80xi32, #tpu.memory_space<hbm>>) target(%arg4 : memref<80xi32, #tpu.memory_space<vmem>>) target_semaphore(%arg9 : memref<!tpu.dma_semaphore, #tpu.memory_space<semaphore_mem>>)
      %add3A_95 = arith.constant 2 : i32
      %add3A_96 = arith.addi %mul3A_74, %add3A_95 : i32
      %mul3A_97 = arith.constant 80 : i32
      %mul3A_98 = arith.muli %add3A_96, %mul3A_97 : i32
      %add3A_99 = arith.addi %mul3A_2, %mul3A_98 : i32
      %dma_wait3A_100 = tpu.memref_slice %arg2[%add3A_99] : memref<320000xi32, #tpu.memory_space<hbm>> -> memref<80xi32, #tpu.memory_space<hbm>>
      %dma_wait3A_101 = tpu.memref_slice %arg2[%add3A_99] : memref<320000xi32, #tpu.memory_space<hbm>> -> memref<80xi32, #tpu.memory_space<hbm>>
      tpu.wait_dma2 semaphore(%arg9 : memref<!tpu.dma_semaphore, #tpu.memory_space<semaphore_mem>>) src(%dma_wait3A_101 : memref<80xi32, #tpu.memory_space<hbm>>) dst(%arg4 : memref<80xi32, #tpu.memory_space<vmem>>)
      %dma_start3A_102 = arith.constant 0 : i32
      %dma_start3A_103 = arith.constant 0 : i32
      %dma_start3A_104 = tpu.memref_slice %arg8[%dma_start3A_102, %dma_start3A_103] : memref<10240x16xf32, #tpu.memory_space<vmem_shared>> -> memref<10240x16xf32, #tpu.memory_space<vmem_shared>>
      tpu.enqueue_indirect_dma source(%arg6 : memref<80x16xf32, #tpu.memory_space<vmem>>) target(%dma_start3A_104 : memref<10240x16xf32, #tpu.memory_space<vmem_shared>>) offsets(%arg4 : memref<80xi32, #tpu.memory_space<vmem>>) semaphore(%arg11 : memref<!tpu.dma_semaphore, #tpu.memory_space<semaphore_mem>>) {add = true}
      %dma_wait3A_105 = arith.constant 0 : i32
      %dma_wait3A_106 = arith.constant 0 : i32
      %dma_wait3A_107 = tpu.memref_slice %arg8[%dma_wait3A_105, %dma_wait3A_106] : memref<10240x16xf32, #tpu.memory_space<vmem_shared>> -> memref<10240x16xf32, #tpu.memory_space<vmem_shared>>
      tpu.wait_indirect_dma semaphore(%arg12 : memref<!tpu.dma_semaphore, #tpu.memory_space<semaphore_mem>>) src(%arg6 : memref<80x16xf32, #tpu.memory_space<vmem>>) dst(%dma_wait3A_107 : memref<10240x16xf32, #tpu.memory_space<vmem_shared>>)
      %add3A_108 = arith.constant 3 : i32
      %add3A_109 = arith.addi %mul3A_74, %add3A_108 : i32
      %mul3A_110 = arith.constant 80 : i32
      %mul3A_111 = arith.muli %add3A_109, %mul3A_110 : i32
      %add3A_112 = arith.addi %mul3A_2, %mul3A_111 : i32
      %dma_start3A_113 = tpu.memref_slice %arg2[%add3A_112] : memref<320000xi32, #tpu.memory_space<hbm>> -> memref<80xi32, #tpu.memory_space<hbm>>
      %dma_start3A_114 = tpu.memref_slice %arg2[%add3A_112] : memref<320000xi32, #tpu.memory_space<hbm>> -> memref<80xi32, #tpu.memory_space<hbm>>
      tpu.enqueue_dma source(%dma_start3A_114 : memref<80xi32, #tpu.memory_space<hbm>>) target(%arg5 : memref<80xi32, #tpu.memory_space<vmem>>) target_semaphore(%arg10 : memref<!tpu.dma_semaphore, #tpu.memory_space<semaphore_mem>>)
    }
    %scan3A_34 = arith.constant 61 : i32
    %add3A_35 = arith.constant 9840 : i32
    %add3A_36 = arith.addi %mul3A_2, %add3A_35 : i32
    %dma_wait3A_37 = tpu.memref_slice %arg2[%add3A_36] : memref<320000xi32, #tpu.memory_space<hbm>> -> memref<80xi32, #tpu.memory_space<hbm>>
    %dma_wait3A_38 = tpu.memref_slice %arg2[%add3A_36] : memref<320000xi32, #tpu.memory_space<hbm>> -> memref<80xi32, #tpu.memory_space<hbm>>
    tpu.wait_dma2 semaphore(%arg10 : memref<!tpu.dma_semaphore, #tpu.memory_space<semaphore_mem>>) src(%dma_wait3A_38 : memref<80xi32, #tpu.memory_space<hbm>>) dst(%arg5 : memref<80xi32, #tpu.memory_space<vmem>>)
    %dma_start3A_39 = arith.constant 0 : i32
    %dma_start3A_40 = arith.constant 0 : i32
    %dma_start3A_41 = tpu.memref_slice %arg8[%dma_start3A_39, %dma_start3A_40] : memref<10240x16xf32, #tpu.memory_space<vmem_shared>> -> memref<10240x16xf32, #tpu.memory_space<vmem_shared>>
    tpu.enqueue_indirect_dma source(%arg6 : memref<80x16xf32, #tpu.memory_space<vmem>>) target(%dma_start3A_41 : memref<10240x16xf32, #tpu.memory_space<vmem_shared>>) offsets(%arg5 : memref<80xi32, #tpu.memory_space<vmem>>) semaphore(%arg12 : memref<!tpu.dma_semaphore, #tpu.memory_space<semaphore_mem>>) {add = true}
    %dma_wait3A_42 = arith.constant 0 : i32
    %dma_wait3A_43 = arith.constant 0 : i32
    %dma_wait3A_44 = tpu.memref_slice %arg8[%dma_wait3A_42, %dma_wait3A_43] : memref<10240x16xf32, #tpu.memory_space<vmem_shared>> -> memref<10240x16xf32, #tpu.memory_space<vmem_shared>>
    tpu.wait_indirect_dma semaphore(%arg11 : memref<!tpu.dma_semaphore, #tpu.memory_space<semaphore_mem>>) src(%arg6 : memref<80x16xf32, #tpu.memory_space<vmem>>) dst(%dma_wait3A_44 : memref<10240x16xf32, #tpu.memory_space<vmem_shared>>)
    %add3A_45 = arith.constant 9920 : i32
    %add3A_46 = arith.addi %mul3A_2, %add3A_45 : i32
    %dma_start3A_47 = tpu.memref_slice %arg2[%add3A_46] : memref<320000xi32, #tpu.memory_space<hbm>> -> memref<80xi32, #tpu.memory_space<hbm>>
    %dma_start3A_48 = tpu.memref_slice %arg2[%add3A_46] : memref<320000xi32, #tpu.memory_space<hbm>> -> memref<80xi32, #tpu.memory_space<hbm>>
    tpu.enqueue_dma source(%dma_start3A_48 : memref<80xi32, #tpu.memory_space<hbm>>) target(%arg4 : memref<80xi32, #tpu.memory_space<vmem>>) target_semaphore(%arg9 : memref<!tpu.dma_semaphore, #tpu.memory_space<semaphore_mem>>)
    %add3A_49 = arith.constant 9920 : i32
    %add3A_50 = arith.addi %mul3A_2, %add3A_49 : i32
    %dma_wait3A_51 = tpu.memref_slice %arg2[%add3A_50] : memref<320000xi32, #tpu.memory_space<hbm>> -> memref<80xi32, #tpu.memory_space<hbm>>
    %dma_wait3A_52 = tpu.memref_slice %arg2[%add3A_50] : memref<320000xi32, #tpu.memory_space<hbm>> -> memref<80xi32, #tpu.memory_space<hbm>>
    tpu.wait_dma2 semaphore(%arg9 : memref<!tpu.dma_semaphore, #tpu.memory_space<semaphore_mem>>) src(%dma_wait3A_52 : memref<80xi32, #tpu.memory_space<hbm>>) dst(%arg4 : memref<80xi32, #tpu.memory_space<vmem>>)
    %dma_start3A_53 = arith.constant 0 : i32
    %dma_start3A_54 = arith.constant 0 : i32
    %dma_start3A_55 = tpu.memref_slice %arg8[%dma_start3A_53, %dma_start3A_54] : memref<10240x16xf32, #tpu.memory_space<vmem_shared>> -> memref<10240x16xf32, #tpu.memory_space<vmem_shared>>
    tpu.enqueue_indirect_dma source(%arg6 : memref<80x16xf32, #tpu.memory_space<vmem>>) target(%dma_start3A_55 : memref<10240x16xf32, #tpu.memory_space<vmem_shared>>) offsets(%arg4 : memref<80xi32, #tpu.memory_space<vmem>>) semaphore(%arg11 : memref<!tpu.dma_semaphore, #tpu.memory_space<semaphore_mem>>) {add = true}
    %dma_wait3A_56 = arith.constant 0 : i32
    %dma_wait3A_57 = arith.constant 0 : i32
    %dma_wait3A_58 = tpu.memref_slice %arg8[%dma_wait3A_56, %dma_wait3A_57] : memref<10240x16xf32, #tpu.memory_space<vmem_shared>> -> memref<10240x16xf32, #tpu.memory_space<vmem_shared>>
    tpu.wait_indirect_dma semaphore(%arg12 : memref<!tpu.dma_semaphore, #tpu.memory_space<semaphore_mem>>) src(%arg6 : memref<80x16xf32, #tpu.memory_space<vmem>>) dst(%dma_wait3A_58 : memref<10240x16xf32, #tpu.memory_space<vmem_shared>>)
    %dma_wait3A_59 = arith.constant 0 : i32
    %dma_wait3A_60 = arith.constant 0 : i32
    %dma_wait3A_61 = tpu.memref_slice %arg8[%dma_wait3A_59, %dma_wait3A_60] : memref<10240x16xf32, #tpu.memory_space<vmem_shared>> -> memref<10240x16xf32, #tpu.memory_space<vmem_shared>>
    tpu.wait_indirect_dma semaphore(%arg11 : memref<!tpu.dma_semaphore, #tpu.memory_space<semaphore_mem>>) src(%arg6 : memref<80x16xf32, #tpu.memory_space<vmem>>) dst(%dma_wait3A_61 : memref<10240x16xf32, #tpu.memory_space<vmem_shared>>)
    %barrier3A_62 = arith.constant 0 : index
    tpu.barrier barrier_id(%barrier3A_62)
    %scan3A_63 = arith.constant 0 : i32
    %scan3A_64 = arith.constant 5 : i32
    %scan3A_65 = arith.addi %scan3A_63, %scan3A_64 : i32
    %scan3A_66 = arith.constant 1 : i32
    scf.for %scan3A_68 = %scan3A_63 to %scan3A_65 step %scan3A_66  : i32 {
      %mul3A_69 = arith.constant 1 : i32
      %mul3A_70 = arith.muli %scan3A_68, %mul3A_69 : i32
      %add3A_71 = arith.constant 0 : i32
      %add3A_72 = arith.addi %add3A_71, %mul3A_70 : i32
      %mul3A_73 = arith.constant 640 : i32
      %mul3A_74 = arith.muli %arg1, %mul3A_73 : i32
      %mul3A_75 = arith.constant 128 : i32
      %mul3A_76 = arith.muli %add3A_72, %mul3A_75 : i32
      %add3A_77 = arith.addi %mul3A_74, %mul3A_76 : i32
      "tpu.region"() ({
        %run_scoped3A = tpu.sem_alloc : memref<!tpu.dma_semaphore, #tpu.memory_space<semaphore_mem>>
        %dma_start3A_78 = arith.constant 0 : i32
        %dma_start3A_79 = tpu.memref_slice %arg3[%arg0, %add3A_77, %dma_start3A_78] : memref<2x10240x16xf32, #tpu.memory_space<hbm>> -> memref<1x128x16xf32, #tpu.memory_space<hbm>>
        %dma_start3A_80 = tpu.memref_squeeze %dma_start3A_79 : memref<1x128x16xf32, #tpu.memory_space<hbm>> -> memref<128x16xf32, #tpu.memory_space<hbm>>
        %dma_start3A_81 = arith.constant 0 : i32
        %dma_start3A_82 = tpu.memref_slice %arg8[%add3A_77, %dma_start3A_81] : memref<10240x16xf32, #tpu.memory_space<vmem_shared>> -> memref<128x16xf32, #tpu.memory_space<vmem_shared>>
        tpu.enqueue_dma source(%dma_start3A_82 : memref<128x16xf32, #tpu.memory_space<vmem_shared>>) target(%dma_start3A_80 : memref<128x16xf32, #tpu.memory_space<hbm>>) target_semaphore(%run_scoped3A : memref<!tpu.dma_semaphore, #tpu.memory_space<semaphore_mem>>)
        %dma_wait3A_83 = arith.constant 0 : i32
        %dma_wait3A_84 = tpu.memref_slice %arg3[%arg0, %add3A_77, %dma_wait3A_83] : memref<2x10240x16xf32, #tpu.memory_space<hbm>> -> memref<1x128x16xf32, #tpu.memory_space<hbm>>
        %dma_wait3A_85 = tpu.memref_squeeze %dma_wait3A_84 : memref<1x128x16xf32, #tpu.memory_space<hbm>> -> memref<128x16xf32, #tpu.memory_space<hbm>>
        %dma_wait3A_86 = arith.constant 0 : i32
        %dma_wait3A_87 = tpu.memref_slice %arg8[%add3A_77, %dma_wait3A_86] : memref<10240x16xf32, #tpu.memory_space<vmem_shared>> -> memref<128x16xf32, #tpu.memory_space<vmem_shared>>
        tpu.wait_dma2 semaphore(%run_scoped3A : memref<!tpu.dma_semaphore, #tpu.memory_space<semaphore_mem>>) src(%dma_wait3A_87 : memref<128x16xf32, #tpu.memory_space<vmem_shared>>) dst(%dma_wait3A_85 : memref<128x16xf32, #tpu.memory_space<hbm>>)
        tpu.yield
      }) : () -> ()
    }
    %scan3A_67 = arith.constant 5 : i32
    return
  }
}

#map = affine_map<(d0, d1) -> (0, 0)>
#map1 = affine_map<(d0, d1) -> (0)>
#map2 = affine_map<(d0, d1) -> (0, 0, 0)>
module attributes {stable_mosaic.version = 14 : i64} {
  func.func @agg(%arg0: i32, %arg1: i32, %arg2: memref<10240x128xf32, #tpu.memory_space<hbm>>, %arg3: memref<320000xi32, #tpu.memory_space<hbm>>, %arg4: memref<320000xi32, #tpu.memory_space<hbm>>, %arg5: memref<2x10240x128xf32, #tpu.memory_space<hbm>>, %arg6: memref<80xi32, #tpu.memory_space<vmem>>, %arg7: memref<80xi32, #tpu.memory_space<vmem>>, %arg8: memref<80xi32, #tpu.memory_space<vmem>>, %arg9: memref<80xi32, #tpu.memory_space<vmem>>, %arg10: memref<80x128xf32, #tpu.memory_space<vmem>>, %arg11: memref<80x128xf32, #tpu.memory_space<vmem>>, %arg12: memref<32x128xf32, #tpu.memory_space<vmem>>, %arg13: memref<10240x128xf32, #tpu.memory_space<vmem_shared>>, %arg14: memref<!tpu.dma_semaphore, #tpu.memory_space<semaphore_mem>>, %arg15: memref<!tpu.dma_semaphore, #tpu.memory_space<semaphore_mem>>, %arg16: memref<!tpu.dma_semaphore, #tpu.memory_space<semaphore_mem>>, %arg17: memref<!tpu.dma_semaphore, #tpu.memory_space<semaphore_mem>>) attributes {dimension_semantics = [#tpu.dimension_semantics<core_parallel>, #tpu.dimension_semantics<subcore_parallel>], iteration_bounds = array<i64: 2, 16>, scalar_prefetch = 0 : i64, scratch_operands = 12 : i64, tpu.core_type = #tpu.core_type<sc_vector_subcore>, window_params = [{transform_indices = #map}, {transform_indices = #map1}, {transform_indices = #map1}, {transform_indices = #map2}]} {
    %mul3A = arith.constant 16 : i32
    %mul3A_0 = arith.muli %arg0, %mul3A : i32
    %add3A = arith.addi %mul3A_0, %arg1 : i32
    %mul3A_1 = arith.constant 10000 : i32
    %mul3A_2 = arith.muli %add3A, %mul3A_1 : i32
    %add3A_3 = arith.constant 0 : i32
    %add3A_4 = arith.addi %mul3A_2, %add3A_3 : i32
    %dma_start3A = tpu.memref_slice %arg3[%add3A_4] : memref<320000xi32, #tpu.memory_space<hbm>> -> memref<80xi32, #tpu.memory_space<hbm>>
    %dma_start3A_5 = tpu.memref_slice %arg3[%add3A_4] : memref<320000xi32, #tpu.memory_space<hbm>> -> memref<80xi32, #tpu.memory_space<hbm>>
    tpu.enqueue_dma source(%dma_start3A_5 : memref<80xi32, #tpu.memory_space<hbm>>) target(%arg6 : memref<80xi32, #tpu.memory_space<vmem>>) target_semaphore(%arg14 : memref<!tpu.dma_semaphore, #tpu.memory_space<semaphore_mem>>)
    %dma_start3A_6 = tpu.memref_slice %arg4[%add3A_4] : memref<320000xi32, #tpu.memory_space<hbm>> -> memref<80xi32, #tpu.memory_space<hbm>>
    %dma_start3A_7 = tpu.memref_slice %arg4[%add3A_4] : memref<320000xi32, #tpu.memory_space<hbm>> -> memref<80xi32, #tpu.memory_space<hbm>>
    tpu.enqueue_dma source(%dma_start3A_7 : memref<80xi32, #tpu.memory_space<hbm>>) target(%arg7 : memref<80xi32, #tpu.memory_space<vmem>>) target_semaphore(%arg14 : memref<!tpu.dma_semaphore, #tpu.memory_space<semaphore_mem>>)
    %scan3A = arith.constant 0 : i32
    %scan3A_8 = arith.constant 32 : i32
    %scan3A_9 = arith.addi %scan3A, %scan3A_8 : i32
    %scan3A_10 = arith.constant 1 : i32
    scf.for %scan3A_75 = %scan3A to %scan3A_9 step %scan3A_10  : i32 {
      %mul3A_76 = arith.constant 1 : i32
      %mul3A_77 = arith.muli %scan3A_75, %mul3A_76 : i32
      %add3A_78 = arith.constant 0 : i32
      %add3A_79 = arith.addi %add3A_78, %mul3A_77 : i32
      %broadcast_in_dim3A = arith.constant 0.000000e+00 : f32
      %broadcast_in_dim3A_80 = vector.broadcast %broadcast_in_dim3A : f32 to vector<16xf32>
      %swap3A = arith.index_cast %add3A_79 : i32 to index
      %swap3A_81 = arith.constant 0 : index
      %swap3A_82 = tpu.vector_load %arg12[%swap3A, %swap3A_81] {strides = array<i32>} : memref<32x128xf32, #tpu.memory_space<vmem>>, vector<1x16xf32>,
      %swap3A_83 = vector.shape_cast %swap3A_82 : vector<1x16xf32> to vector<16xf32>
      %swap3A_84 = vector.shape_cast %broadcast_in_dim3A_80 : vector<16xf32> to vector<1x16xf32>
      tpu.vector_store %arg12[%swap3A, %swap3A_81], %swap3A_84 {strides = array<i32>} : memref<32x128xf32, #tpu.memory_space<vmem>>, vector<1x16xf32>,
      %broadcast_in_dim3A_85 = arith.constant 0.000000e+00 : f32
      %broadcast_in_dim3A_86 = vector.broadcast %broadcast_in_dim3A_85 : f32 to vector<16xf32>
      %swap3A_87 = arith.index_cast %add3A_79 : i32 to index
      %swap3A_88 = arith.constant 16 : index
      %swap3A_89 = tpu.vector_load %arg12[%swap3A_87, %swap3A_88] {strides = array<i32>} : memref<32x128xf32, #tpu.memory_space<vmem>>, vector<1x16xf32>,
      %swap3A_90 = vector.shape_cast %swap3A_89 : vector<1x16xf32> to vector<16xf32>
      %swap3A_91 = vector.shape_cast %broadcast_in_dim3A_86 : vector<16xf32> to vector<1x16xf32>
      tpu.vector_store %arg12[%swap3A_87, %swap3A_88], %swap3A_91 {strides = array<i32>} : memref<32x128xf32, #tpu.memory_space<vmem>>, vector<1x16xf32>,
      %broadcast_in_dim3A_92 = arith.constant 0.000000e+00 : f32
      %broadcast_in_dim3A_93 = vector.broadcast %broadcast_in_dim3A_92 : f32 to vector<16xf32>
      %swap3A_94 = arith.index_cast %add3A_79 : i32 to index
      %swap3A_95 = arith.constant 32 : index
      %swap3A_96 = tpu.vector_load %arg12[%swap3A_94, %swap3A_95] {strides = array<i32>} : memref<32x128xf32, #tpu.memory_space<vmem>>, vector<1x16xf32>,
      %swap3A_97 = vector.shape_cast %swap3A_96 : vector<1x16xf32> to vector<16xf32>
      %swap3A_98 = vector.shape_cast %broadcast_in_dim3A_93 : vector<16xf32> to vector<1x16xf32>
      tpu.vector_store %arg12[%swap3A_94, %swap3A_95], %swap3A_98 {strides = array<i32>} : memref<32x128xf32, #tpu.memory_space<vmem>>, vector<1x16xf32>,
      %broadcast_in_dim3A_99 = arith.constant 0.000000e+00 : f32
      %broadcast_in_dim3A_100 = vector.broadcast %broadcast_in_dim3A_99 : f32 to vector<16xf32>
      %swap3A_101 = arith.index_cast %add3A_79 : i32 to index
      %swap3A_102 = arith.constant 48 : index
      %swap3A_103 = tpu.vector_load %arg12[%swap3A_101, %swap3A_102] {strides = array<i32>} : memref<32x128xf32, #tpu.memory_space<vmem>>, vector<1x16xf32>,
      %swap3A_104 = vector.shape_cast %swap3A_103 : vector<1x16xf32> to vector<16xf32>
      %swap3A_105 = vector.shape_cast %broadcast_in_dim3A_100 : vector<16xf32> to vector<1x16xf32>
      tpu.vector_store %arg12[%swap3A_101, %swap3A_102], %swap3A_105 {strides = array<i32>} : memref<32x128xf32, #tpu.memory_space<vmem>>, vector<1x16xf32>,
      %broadcast_in_dim3A_106 = arith.constant 0.000000e+00 : f32
      %broadcast_in_dim3A_107 = vector.broadcast %broadcast_in_dim3A_106 : f32 to vector<16xf32>
      %swap3A_108 = arith.index_cast %add3A_79 : i32 to index
      %swap3A_109 = arith.constant 64 : index
      %swap3A_110 = tpu.vector_load %arg12[%swap3A_108, %swap3A_109] {strides = array<i32>} : memref<32x128xf32, #tpu.memory_space<vmem>>, vector<1x16xf32>,
      %swap3A_111 = vector.shape_cast %swap3A_110 : vector<1x16xf32> to vector<16xf32>
      %swap3A_112 = vector.shape_cast %broadcast_in_dim3A_107 : vector<16xf32> to vector<1x16xf32>
      tpu.vector_store %arg12[%swap3A_108, %swap3A_109], %swap3A_112 {strides = array<i32>} : memref<32x128xf32, #tpu.memory_space<vmem>>, vector<1x16xf32>,
      %broadcast_in_dim3A_113 = arith.constant 0.000000e+00 : f32
      %broadcast_in_dim3A_114 = vector.broadcast %broadcast_in_dim3A_113 : f32 to vector<16xf32>
      %swap3A_115 = arith.index_cast %add3A_79 : i32 to index
      %swap3A_116 = arith.constant 80 : index
      %swap3A_117 = tpu.vector_load %arg12[%swap3A_115, %swap3A_116] {strides = array<i32>} : memref<32x128xf32, #tpu.memory_space<vmem>>, vector<1x16xf32>,
      %swap3A_118 = vector.shape_cast %swap3A_117 : vector<1x16xf32> to vector<16xf32>
      %swap3A_119 = vector.shape_cast %broadcast_in_dim3A_114 : vector<16xf32> to vector<1x16xf32>
      tpu.vector_store %arg12[%swap3A_115, %swap3A_116], %swap3A_119 {strides = array<i32>} : memref<32x128xf32, #tpu.memory_space<vmem>>, vector<1x16xf32>,
      %broadcast_in_dim3A_120 = arith.constant 0.000000e+00 : f32
      %broadcast_in_dim3A_121 = vector.broadcast %broadcast_in_dim3A_120 : f32 to vector<16xf32>
      %swap3A_122 = arith.index_cast %add3A_79 : i32 to index
      %swap3A_123 = arith.constant 96 : index
      %swap3A_124 = tpu.vector_load %arg12[%swap3A_122, %swap3A_123] {strides = array<i32>} : memref<32x128xf32, #tpu.memory_space<vmem>>, vector<1x16xf32>,
      %swap3A_125 = vector.shape_cast %swap3A_124 : vector<1x16xf32> to vector<16xf32>
      %swap3A_126 = vector.shape_cast %broadcast_in_dim3A_121 : vector<16xf32> to vector<1x16xf32>
      tpu.vector_store %arg12[%swap3A_122, %swap3A_123], %swap3A_126 {strides = array<i32>} : memref<32x128xf32, #tpu.memory_space<vmem>>, vector<1x16xf32>,
      %broadcast_in_dim3A_127 = arith.constant 0.000000e+00 : f32
      %broadcast_in_dim3A_128 = vector.broadcast %broadcast_in_dim3A_127 : f32 to vector<16xf32>
      %swap3A_129 = arith.index_cast %add3A_79 : i32 to index
      %swap3A_130 = arith.constant 112 : index
      %swap3A_131 = tpu.vector_load %arg12[%swap3A_129, %swap3A_130] {strides = array<i32>} : memref<32x128xf32, #tpu.memory_space<vmem>>, vector<1x16xf32>,
      %swap3A_132 = vector.shape_cast %swap3A_131 : vector<1x16xf32> to vector<16xf32>
      %swap3A_133 = vector.shape_cast %broadcast_in_dim3A_128 : vector<16xf32> to vector<1x16xf32>
      tpu.vector_store %arg12[%swap3A_129, %swap3A_130], %swap3A_133 {strides = array<i32>} : memref<32x128xf32, #tpu.memory_space<vmem>>, vector<1x16xf32>,
    }
    %scan3A_11 = arith.constant 32 : i32
    %scan3A_12 = arith.constant 0 : i32
    %scan3A_13 = arith.constant 20 : i32
    %scan3A_14 = arith.addi %scan3A_12, %scan3A_13 : i32
    %scan3A_15 = arith.constant 1 : i32
    scf.for %scan3A_75 = %scan3A_12 to %scan3A_14 step %scan3A_15  : i32 {
      %mul3A_76 = arith.constant 1 : i32
      %mul3A_77 = arith.muli %scan3A_75, %mul3A_76 : i32
      %add3A_78 = arith.constant 0 : i32
      %add3A_79 = arith.addi %add3A_78, %mul3A_77 : i32
      %mul3A_80 = arith.constant 640 : i32
      %mul3A_81 = arith.muli %arg1, %mul3A_80 : i32
      %mul3A_82 = arith.constant 32 : i32
      %mul3A_83 = arith.muli %add3A_79, %mul3A_82 : i32
      %add3A_84 = arith.addi %mul3A_81, %mul3A_83 : i32
      "tpu.region"() ({
        %run_scoped3A = tpu.sem_alloc : memref<!tpu.dma_semaphore, #tpu.memory_space<semaphore_mem>>
        %dma_start3A_85 = arith.constant 0 : i32
        %dma_start3A_86 = tpu.memref_slice %arg13[%add3A_84, %dma_start3A_85] : memref<10240x128xf32, #tpu.memory_space<vmem_shared>> -> memref<32x128xf32, #tpu.memory_space<vmem_shared>>
        %dma_start3A_87 = arith.constant 0 : i32
        %dma_start3A_88 = tpu.memref_slice %arg13[%add3A_84, %dma_start3A_87] : memref<10240x128xf32, #tpu.memory_space<vmem_shared>> -> memref<32x128xf32, #tpu.memory_space<vmem_shared>>
        tpu.enqueue_dma source(%arg12 : memref<32x128xf32, #tpu.memory_space<vmem>>) target(%dma_start3A_88 : memref<32x128xf32, #tpu.memory_space<vmem_shared>>) target_semaphore(%run_scoped3A : memref<!tpu.dma_semaphore, #tpu.memory_space<semaphore_mem>>)
        %dma_wait3A_89 = arith.constant 0 : i32
        %dma_wait3A_90 = tpu.memref_slice %arg13[%add3A_84, %dma_wait3A_89] : memref<10240x128xf32, #tpu.memory_space<vmem_shared>> -> memref<32x128xf32, #tpu.memory_space<vmem_shared>>
        %dma_wait3A_91 = arith.constant 0 : i32
        %dma_wait3A_92 = tpu.memref_slice %arg13[%add3A_84, %dma_wait3A_91] : memref<10240x128xf32, #tpu.memory_space<vmem_shared>> -> memref<32x128xf32, #tpu.memory_space<vmem_shared>>
        tpu.wait_dma2 semaphore(%run_scoped3A : memref<!tpu.dma_semaphore, #tpu.memory_space<semaphore_mem>>) src(%arg12 : memref<32x128xf32, #tpu.memory_space<vmem>>) dst(%dma_wait3A_92 : memref<32x128xf32, #tpu.memory_space<vmem_shared>>)
        tpu.yield
      }) : () -> ()
    }
    %scan3A_16 = arith.constant 20 : i32
    %barrier3A = arith.constant 0 : index
    tpu.barrier barrier_id(%barrier3A)
    %add3A_17 = arith.constant 0 : i32
    %add3A_18 = arith.addi %mul3A_2, %add3A_17 : i32
    %dma_wait3A = tpu.memref_slice %arg3[%add3A_18] : memref<320000xi32, #tpu.memory_space<hbm>> -> memref<80xi32, #tpu.memory_space<hbm>>
    %dma_wait3A_19 = tpu.memref_slice %arg3[%add3A_18] : memref<320000xi32, #tpu.memory_space<hbm>> -> memref<80xi32, #tpu.memory_space<hbm>>
    tpu.wait_dma2 semaphore(%arg14 : memref<!tpu.dma_semaphore, #tpu.memory_space<semaphore_mem>>) src(%dma_wait3A_19 : memref<80xi32, #tpu.memory_space<hbm>>) dst(%arg6 : memref<80xi32, #tpu.memory_space<vmem>>)
    %dma_wait3A_20 = tpu.memref_slice %arg4[%add3A_18] : memref<320000xi32, #tpu.memory_space<hbm>> -> memref<80xi32, #tpu.memory_space<hbm>>
    %dma_wait3A_21 = tpu.memref_slice %arg4[%add3A_18] : memref<320000xi32, #tpu.memory_space<hbm>> -> memref<80xi32, #tpu.memory_space<hbm>>
    tpu.wait_dma2 semaphore(%arg14 : memref<!tpu.dma_semaphore, #tpu.memory_space<semaphore_mem>>) src(%dma_wait3A_21 : memref<80xi32, #tpu.memory_space<hbm>>) dst(%arg7 : memref<80xi32, #tpu.memory_space<vmem>>)
    %dma_start3A_22 = arith.constant 0 : i32
    %dma_start3A_23 = arith.constant 0 : i32
    %dma_start3A_24 = tpu.memref_slice %arg2[%dma_start3A_22, %dma_start3A_23] : memref<10240x128xf32, #tpu.memory_space<hbm>> -> memref<10240x128xf32, #tpu.memory_space<hbm>>
    tpu.enqueue_indirect_dma source(%dma_start3A_24 : memref<10240x128xf32, #tpu.memory_space<hbm>>) target(%arg10 : memref<80x128xf32, #tpu.memory_space<vmem>>) offsets(%arg6 : memref<80xi32, #tpu.memory_space<vmem>>) semaphore(%arg16 : memref<!tpu.dma_semaphore, #tpu.memory_space<semaphore_mem>>)
    %add3A_25 = arith.constant 80 : i32
    %add3A_26 = arith.addi %mul3A_2, %add3A_25 : i32
    %dma_start3A_27 = tpu.memref_slice %arg3[%add3A_26] : memref<320000xi32, #tpu.memory_space<hbm>> -> memref<80xi32, #tpu.memory_space<hbm>>
    %dma_start3A_28 = tpu.memref_slice %arg3[%add3A_26] : memref<320000xi32, #tpu.memory_space<hbm>> -> memref<80xi32, #tpu.memory_space<hbm>>
    tpu.enqueue_dma source(%dma_start3A_28 : memref<80xi32, #tpu.memory_space<hbm>>) target(%arg8 : memref<80xi32, #tpu.memory_space<vmem>>) target_semaphore(%arg15 : memref<!tpu.dma_semaphore, #tpu.memory_space<semaphore_mem>>)
    %dma_start3A_29 = tpu.memref_slice %arg4[%add3A_26] : memref<320000xi32, #tpu.memory_space<hbm>> -> memref<80xi32, #tpu.memory_space<hbm>>
    %dma_start3A_30 = tpu.memref_slice %arg4[%add3A_26] : memref<320000xi32, #tpu.memory_space<hbm>> -> memref<80xi32, #tpu.memory_space<hbm>>
    tpu.enqueue_dma source(%dma_start3A_30 : memref<80xi32, #tpu.memory_space<hbm>>) target(%arg9 : memref<80xi32, #tpu.memory_space<vmem>>) target_semaphore(%arg15 : memref<!tpu.dma_semaphore, #tpu.memory_space<semaphore_mem>>)
    %scan3A_31 = arith.constant 0 : i32
    %scan3A_32 = arith.constant 61 : i32
    %scan3A_33 = arith.addi %scan3A_31, %scan3A_32 : i32
    %scan3A_34 = arith.constant 1 : i32
    scf.for %scan3A_75 = %scan3A_31 to %scan3A_33 step %scan3A_34  : i32 {
      %mul3A_76 = arith.constant 1 : i32
      %mul3A_77 = arith.muli %scan3A_75, %mul3A_76 : i32
      %add3A_78 = arith.constant 0 : i32
      %add3A_79 = arith.addi %add3A_78, %mul3A_77 : i32
      %mul3A_80 = arith.constant 2 : i32
      %mul3A_81 = arith.muli %add3A_79, %mul3A_80 : i32
      %add3A_82 = arith.constant 1 : i32
      %add3A_83 = arith.addi %mul3A_81, %add3A_82 : i32
      %mul3A_84 = arith.constant 80 : i32
      %mul3A_85 = arith.muli %add3A_83, %mul3A_84 : i32
      %add3A_86 = arith.addi %mul3A_2, %mul3A_85 : i32
      %dma_wait3A_87 = tpu.memref_slice %arg3[%add3A_86] : memref<320000xi32, #tpu.memory_space<hbm>> -> memref<80xi32, #tpu.memory_space<hbm>>
      %dma_wait3A_88 = tpu.memref_slice %arg3[%add3A_86] : memref<320000xi32, #tpu.memory_space<hbm>> -> memref<80xi32, #tpu.memory_space<hbm>>
      tpu.wait_dma2 semaphore(%arg15 : memref<!tpu.dma_semaphore, #tpu.memory_space<semaphore_mem>>) src(%dma_wait3A_88 : memref<80xi32, #tpu.memory_space<hbm>>) dst(%arg8 : memref<80xi32, #tpu.memory_space<vmem>>)
      %dma_wait3A_89 = tpu.memref_slice %arg4[%add3A_86] : memref<320000xi32, #tpu.memory_space<hbm>> -> memref<80xi32, #tpu.memory_space<hbm>>
      %dma_wait3A_90 = tpu.memref_slice %arg4[%add3A_86] : memref<320000xi32, #tpu.memory_space<hbm>> -> memref<80xi32, #tpu.memory_space<hbm>>
      tpu.wait_dma2 semaphore(%arg15 : memref<!tpu.dma_semaphore, #tpu.memory_space<semaphore_mem>>) src(%dma_wait3A_90 : memref<80xi32, #tpu.memory_space<hbm>>) dst(%arg9 : memref<80xi32, #tpu.memory_space<vmem>>)
      %add3A_91 = arith.constant 1 : i32
      %add3A_92 = arith.addi %mul3A_81, %add3A_91 : i32
      %dma_start3A_93 = arith.constant 0 : i32
      %dma_start3A_94 = arith.constant 0 : i32
      %dma_start3A_95 = tpu.memref_slice %arg2[%dma_start3A_93, %dma_start3A_94] : memref<10240x128xf32, #tpu.memory_space<hbm>> -> memref<10240x128xf32, #tpu.memory_space<hbm>>
      tpu.enqueue_indirect_dma source(%dma_start3A_95 : memref<10240x128xf32, #tpu.memory_space<hbm>>) target(%arg11 : memref<80x128xf32, #tpu.memory_space<vmem>>) offsets(%arg8 : memref<80xi32, #tpu.memory_space<vmem>>) semaphore(%arg17 : memref<!tpu.dma_semaphore, #tpu.memory_space<semaphore_mem>>)
      %dma_wait3A_96 = arith.constant 0 : i32
      %dma_wait3A_97 = arith.constant 0 : i32
      %dma_wait3A_98 = tpu.memref_slice %arg2[%dma_wait3A_96, %dma_wait3A_97] : memref<10240x128xf32, #tpu.memory_space<hbm>> -> memref<10240x128xf32, #tpu.memory_space<hbm>>
      tpu.wait_indirect_dma semaphore(%arg16 : memref<!tpu.dma_semaphore, #tpu.memory_space<semaphore_mem>>) src(%dma_wait3A_98 : memref<10240x128xf32, #tpu.memory_space<hbm>>) dst(%arg10 : memref<80x128xf32, #tpu.memory_space<vmem>>)
      "tpu.region"() ({
        %run_scoped3A = tpu.sem_alloc : memref<!tpu.dma_semaphore, #tpu.memory_space<semaphore_mem>>
        %dma_start3A_136 = arith.constant 0 : i32
        %dma_start3A_137 = arith.constant 0 : i32
        %dma_start3A_138 = tpu.memref_slice %arg13[%dma_start3A_136, %dma_start3A_137] : memref<10240x128xf32, #tpu.memory_space<vmem_shared>> -> memref<10240x128xf32, #tpu.memory_space<vmem_shared>>
        tpu.enqueue_indirect_dma source(%arg10 : memref<80x128xf32, #tpu.memory_space<vmem>>) target(%dma_start3A_138 : memref<10240x128xf32, #tpu.memory_space<vmem_shared>>) offsets(%arg7 : memref<80xi32, #tpu.memory_space<vmem>>) semaphore(%run_scoped3A : memref<!tpu.dma_semaphore, #tpu.memory_space<semaphore_mem>>) {add = true}
        %dma_wait3A_139 = arith.constant 0 : i32
        %dma_wait3A_140 = arith.constant 0 : i32
        %dma_wait3A_141 = tpu.memref_slice %arg13[%dma_wait3A_139, %dma_wait3A_140] : memref<10240x128xf32, #tpu.memory_space<vmem_shared>> -> memref<10240x128xf32, #tpu.memory_space<vmem_shared>>
        tpu.wait_indirect_dma semaphore(%run_scoped3A : memref<!tpu.dma_semaphore, #tpu.memory_space<semaphore_mem>>) src(%arg10 : memref<80x128xf32, #tpu.memory_space<vmem>>) dst(%dma_wait3A_141 : memref<10240x128xf32, #tpu.memory_space<vmem_shared>>)
        tpu.yield
      }) : () -> ()
      %add3A_99 = arith.constant 2 : i32
      %add3A_100 = arith.addi %mul3A_81, %add3A_99 : i32
      %mul3A_101 = arith.constant 80 : i32
      %mul3A_102 = arith.muli %add3A_100, %mul3A_101 : i32
      %add3A_103 = arith.addi %mul3A_2, %mul3A_102 : i32
      %dma_start3A_104 = tpu.memref_slice %arg3[%add3A_103] : memref<320000xi32, #tpu.memory_space<hbm>> -> memref<80xi32, #tpu.memory_space<hbm>>
      %dma_start3A_105 = tpu.memref_slice %arg3[%add3A_103] : memref<320000xi32, #tpu.memory_space<hbm>> -> memref<80xi32, #tpu.memory_space<hbm>>
      tpu.enqueue_dma source(%dma_start3A_105 : memref<80xi32, #tpu.memory_space<hbm>>) target(%arg6 : memref<80xi32, #tpu.memory_space<vmem>>) target_semaphore(%arg14 : memref<!tpu.dma_semaphore, #tpu.memory_space<semaphore_mem>>)
      %dma_start3A_106 = tpu.memref_slice %arg4[%add3A_103] : memref<320000xi32, #tpu.memory_space<hbm>> -> memref<80xi32, #tpu.memory_space<hbm>>
      %dma_start3A_107 = tpu.memref_slice %arg4[%add3A_103] : memref<320000xi32, #tpu.memory_space<hbm>> -> memref<80xi32, #tpu.memory_space<hbm>>
      tpu.enqueue_dma source(%dma_start3A_107 : memref<80xi32, #tpu.memory_space<hbm>>) target(%arg7 : memref<80xi32, #tpu.memory_space<vmem>>) target_semaphore(%arg14 : memref<!tpu.dma_semaphore, #tpu.memory_space<semaphore_mem>>)
      %add3A_108 = arith.constant 2 : i32
      %add3A_109 = arith.addi %mul3A_81, %add3A_108 : i32
      %mul3A_110 = arith.constant 80 : i32
      %mul3A_111 = arith.muli %add3A_109, %mul3A_110 : i32
      %add3A_112 = arith.addi %mul3A_2, %mul3A_111 : i32
      %dma_wait3A_113 = tpu.memref_slice %arg3[%add3A_112] : memref<320000xi32, #tpu.memory_space<hbm>> -> memref<80xi32, #tpu.memory_space<hbm>>
      %dma_wait3A_114 = tpu.memref_slice %arg3[%add3A_112] : memref<320000xi32, #tpu.memory_space<hbm>> -> memref<80xi32, #tpu.memory_space<hbm>>
      tpu.wait_dma2 semaphore(%arg14 : memref<!tpu.dma_semaphore, #tpu.memory_space<semaphore_mem>>) src(%dma_wait3A_114 : memref<80xi32, #tpu.memory_space<hbm>>) dst(%arg6 : memref<80xi32, #tpu.memory_space<vmem>>)
      %dma_wait3A_115 = tpu.memref_slice %arg4[%add3A_112] : memref<320000xi32, #tpu.memory_space<hbm>> -> memref<80xi32, #tpu.memory_space<hbm>>
      %dma_wait3A_116 = tpu.memref_slice %arg4[%add3A_112] : memref<320000xi32, #tpu.memory_space<hbm>> -> memref<80xi32, #tpu.memory_space<hbm>>
      tpu.wait_dma2 semaphore(%arg14 : memref<!tpu.dma_semaphore, #tpu.memory_space<semaphore_mem>>) src(%dma_wait3A_116 : memref<80xi32, #tpu.memory_space<hbm>>) dst(%arg7 : memref<80xi32, #tpu.memory_space<vmem>>)
      %add3A_117 = arith.constant 2 : i32
      %add3A_118 = arith.addi %mul3A_81, %add3A_117 : i32
      %dma_start3A_119 = arith.constant 0 : i32
      %dma_start3A_120 = arith.constant 0 : i32
      %dma_start3A_121 = tpu.memref_slice %arg2[%dma_start3A_119, %dma_start3A_120] : memref<10240x128xf32, #tpu.memory_space<hbm>> -> memref<10240x128xf32, #tpu.memory_space<hbm>>
      tpu.enqueue_indirect_dma source(%dma_start3A_121 : memref<10240x128xf32, #tpu.memory_space<hbm>>) target(%arg10 : memref<80x128xf32, #tpu.memory_space<vmem>>) offsets(%arg6 : memref<80xi32, #tpu.memory_space<vmem>>) semaphore(%arg16 : memref<!tpu.dma_semaphore, #tpu.memory_space<semaphore_mem>>)
      %add3A_122 = arith.constant 1 : i32
      %add3A_123 = arith.addi %mul3A_81, %add3A_122 : i32
      %dma_wait3A_124 = arith.constant 0 : i32
      %dma_wait3A_125 = arith.constant 0 : i32
      %dma_wait3A_126 = tpu.memref_slice %arg2[%dma_wait3A_124, %dma_wait3A_125] : memref<10240x128xf32, #tpu.memory_space<hbm>> -> memref<10240x128xf32, #tpu.memory_space<hbm>>
      tpu.wait_indirect_dma semaphore(%arg17 : memref<!tpu.dma_semaphore, #tpu.memory_space<semaphore_mem>>) src(%dma_wait3A_126 : memref<10240x128xf32, #tpu.memory_space<hbm>>) dst(%arg11 : memref<80x128xf32, #tpu.memory_space<vmem>>)
      "tpu.region"() ({
        %run_scoped3A = tpu.sem_alloc : memref<!tpu.dma_semaphore, #tpu.memory_space<semaphore_mem>>
        %dma_start3A_136 = arith.constant 0 : i32
        %dma_start3A_137 = arith.constant 0 : i32
        %dma_start3A_138 = tpu.memref_slice %arg13[%dma_start3A_136, %dma_start3A_137] : memref<10240x128xf32, #tpu.memory_space<vmem_shared>> -> memref<10240x128xf32, #tpu.memory_space<vmem_shared>>
        tpu.enqueue_indirect_dma source(%arg11 : memref<80x128xf32, #tpu.memory_space<vmem>>) target(%dma_start3A_138 : memref<10240x128xf32, #tpu.memory_space<vmem_shared>>) offsets(%arg9 : memref<80xi32, #tpu.memory_space<vmem>>) semaphore(%run_scoped3A : memref<!tpu.dma_semaphore, #tpu.memory_space<semaphore_mem>>) {add = true}
        %dma_wait3A_139 = arith.constant 0 : i32
        %dma_wait3A_140 = arith.constant 0 : i32
        %dma_wait3A_141 = tpu.memref_slice %arg13[%dma_wait3A_139, %dma_wait3A_140] : memref<10240x128xf32, #tpu.memory_space<vmem_shared>> -> memref<10240x128xf32, #tpu.memory_space<vmem_shared>>
        tpu.wait_indirect_dma semaphore(%run_scoped3A : memref<!tpu.dma_semaphore, #tpu.memory_space<semaphore_mem>>) src(%arg11 : memref<80x128xf32, #tpu.memory_space<vmem>>) dst(%dma_wait3A_141 : memref<10240x128xf32, #tpu.memory_space<vmem_shared>>)
        tpu.yield
      }) : () -> ()
      %add3A_127 = arith.constant 3 : i32
      %add3A_128 = arith.addi %mul3A_81, %add3A_127 : i32
      %mul3A_129 = arith.constant 80 : i32
      %mul3A_130 = arith.muli %add3A_128, %mul3A_129 : i32
      %add3A_131 = arith.addi %mul3A_2, %mul3A_130 : i32
      %dma_start3A_132 = tpu.memref_slice %arg3[%add3A_131] : memref<320000xi32, #tpu.memory_space<hbm>> -> memref<80xi32, #tpu.memory_space<hbm>>
      %dma_start3A_133 = tpu.memref_slice %arg3[%add3A_131] : memref<320000xi32, #tpu.memory_space<hbm>> -> memref<80xi32, #tpu.memory_space<hbm>>
      tpu.enqueue_dma source(%dma_start3A_133 : memref<80xi32, #tpu.memory_space<hbm>>) target(%arg8 : memref<80xi32, #tpu.memory_space<vmem>>) target_semaphore(%arg15 : memref<!tpu.dma_semaphore, #tpu.memory_space<semaphore_mem>>)
      %dma_start3A_134 = tpu.memref_slice %arg4[%add3A_131] : memref<320000xi32, #tpu.memory_space<hbm>> -> memref<80xi32, #tpu.memory_space<hbm>>
      %dma_start3A_135 = tpu.memref_slice %arg4[%add3A_131] : memref<320000xi32, #tpu.memory_space<hbm>> -> memref<80xi32, #tpu.memory_space<hbm>>
      tpu.enqueue_dma source(%dma_start3A_135 : memref<80xi32, #tpu.memory_space<hbm>>) target(%arg9 : memref<80xi32, #tpu.memory_space<vmem>>) target_semaphore(%arg15 : memref<!tpu.dma_semaphore, #tpu.memory_space<semaphore_mem>>)
    }
    %scan3A_35 = arith.constant 61 : i32
    %add3A_36 = arith.constant 9840 : i32
    %add3A_37 = arith.addi %mul3A_2, %add3A_36 : i32
    %dma_wait3A_38 = tpu.memref_slice %arg3[%add3A_37] : memref<320000xi32, #tpu.memory_space<hbm>> -> memref<80xi32, #tpu.memory_space<hbm>>
    %dma_wait3A_39 = tpu.memref_slice %arg3[%add3A_37] : memref<320000xi32, #tpu.memory_space<hbm>> -> memref<80xi32, #tpu.memory_space<hbm>>
    tpu.wait_dma2 semaphore(%arg15 : memref<!tpu.dma_semaphore, #tpu.memory_space<semaphore_mem>>) src(%dma_wait3A_39 : memref<80xi32, #tpu.memory_space<hbm>>) dst(%arg8 : memref<80xi32, #tpu.memory_space<vmem>>)
    %dma_wait3A_40 = tpu.memref_slice %arg4[%add3A_37] : memref<320000xi32, #tpu.memory_space<hbm>> -> memref<80xi32, #tpu.memory_space<hbm>>
    %dma_wait3A_41 = tpu.memref_slice %arg4[%add3A_37] : memref<320000xi32, #tpu.memory_space<hbm>> -> memref<80xi32, #tpu.memory_space<hbm>>
    tpu.wait_dma2 semaphore(%arg15 : memref<!tpu.dma_semaphore, #tpu.memory_space<semaphore_mem>>) src(%dma_wait3A_41 : memref<80xi32, #tpu.memory_space<hbm>>) dst(%arg9 : memref<80xi32, #tpu.memory_space<vmem>>)
    %dma_start3A_42 = arith.constant 0 : i32
    %dma_start3A_43 = arith.constant 0 : i32
    %dma_start3A_44 = tpu.memref_slice %arg2[%dma_start3A_42, %dma_start3A_43] : memref<10240x128xf32, #tpu.memory_space<hbm>> -> memref<10240x128xf32, #tpu.memory_space<hbm>>
    tpu.enqueue_indirect_dma source(%dma_start3A_44 : memref<10240x128xf32, #tpu.memory_space<hbm>>) target(%arg11 : memref<80x128xf32, #tpu.memory_space<vmem>>) offsets(%arg8 : memref<80xi32, #tpu.memory_space<vmem>>) semaphore(%arg17 : memref<!tpu.dma_semaphore, #tpu.memory_space<semaphore_mem>>)
    %dma_wait3A_45 = arith.constant 0 : i32
    %dma_wait3A_46 = arith.constant 0 : i32
    %dma_wait3A_47 = tpu.memref_slice %arg2[%dma_wait3A_45, %dma_wait3A_46] : memref<10240x128xf32, #tpu.memory_space<hbm>> -> memref<10240x128xf32, #tpu.memory_space<hbm>>
    tpu.wait_indirect_dma semaphore(%arg16 : memref<!tpu.dma_semaphore, #tpu.memory_space<semaphore_mem>>) src(%dma_wait3A_47 : memref<10240x128xf32, #tpu.memory_space<hbm>>) dst(%arg10 : memref<80x128xf32, #tpu.memory_space<vmem>>)
    "tpu.region"() ({
      %run_scoped3A = tpu.sem_alloc : memref<!tpu.dma_semaphore, #tpu.memory_space<semaphore_mem>>
      %dma_start3A_75 = arith.constant 0 : i32
      %dma_start3A_76 = arith.constant 0 : i32
      %dma_start3A_77 = tpu.memref_slice %arg13[%dma_start3A_75, %dma_start3A_76] : memref<10240x128xf32, #tpu.memory_space<vmem_shared>> -> memref<10240x128xf32, #tpu.memory_space<vmem_shared>>
      tpu.enqueue_indirect_dma source(%arg10 : memref<80x128xf32, #tpu.memory_space<vmem>>) target(%dma_start3A_77 : memref<10240x128xf32, #tpu.memory_space<vmem_shared>>) offsets(%arg7 : memref<80xi32, #tpu.memory_space<vmem>>) semaphore(%run_scoped3A : memref<!tpu.dma_semaphore, #tpu.memory_space<semaphore_mem>>) {add = true}
      %dma_wait3A_78 = arith.constant 0 : i32
      %dma_wait3A_79 = arith.constant 0 : i32
      %dma_wait3A_80 = tpu.memref_slice %arg13[%dma_wait3A_78, %dma_wait3A_79] : memref<10240x128xf32, #tpu.memory_space<vmem_shared>> -> memref<10240x128xf32, #tpu.memory_space<vmem_shared>>
      tpu.wait_indirect_dma semaphore(%run_scoped3A : memref<!tpu.dma_semaphore, #tpu.memory_space<semaphore_mem>>) src(%arg10 : memref<80x128xf32, #tpu.memory_space<vmem>>) dst(%dma_wait3A_80 : memref<10240x128xf32, #tpu.memory_space<vmem_shared>>)
      tpu.yield
    }) : () -> ()
    %add3A_48 = arith.constant 9920 : i32
    %add3A_49 = arith.addi %mul3A_2, %add3A_48 : i32
    %dma_start3A_50 = tpu.memref_slice %arg3[%add3A_49] : memref<320000xi32, #tpu.memory_space<hbm>> -> memref<80xi32, #tpu.memory_space<hbm>>
    %dma_start3A_51 = tpu.memref_slice %arg3[%add3A_49] : memref<320000xi32, #tpu.memory_space<hbm>> -> memref<80xi32, #tpu.memory_space<hbm>>
    tpu.enqueue_dma source(%dma_start3A_51 : memref<80xi32, #tpu.memory_space<hbm>>) target(%arg6 : memref<80xi32, #tpu.memory_space<vmem>>) target_semaphore(%arg14 : memref<!tpu.dma_semaphore, #tpu.memory_space<semaphore_mem>>)
    %dma_start3A_52 = tpu.memref_slice %arg4[%add3A_49] : memref<320000xi32, #tpu.memory_space<hbm>> -> memref<80xi32, #tpu.memory_space<hbm>>
    %dma_start3A_53 = tpu.memref_slice %arg4[%add3A_49] : memref<320000xi32, #tpu.memory_space<hbm>> -> memref<80xi32, #tpu.memory_space<hbm>>
    tpu.enqueue_dma source(%dma_start3A_53 : memref<80xi32, #tpu.memory_space<hbm>>) target(%arg7 : memref<80xi32, #tpu.memory_space<vmem>>) target_semaphore(%arg14 : memref<!tpu.dma_semaphore, #tpu.memory_space<semaphore_mem>>)
    %add3A_54 = arith.constant 9920 : i32
    %add3A_55 = arith.addi %mul3A_2, %add3A_54 : i32
    %dma_wait3A_56 = tpu.memref_slice %arg3[%add3A_55] : memref<320000xi32, #tpu.memory_space<hbm>> -> memref<80xi32, #tpu.memory_space<hbm>>
    %dma_wait3A_57 = tpu.memref_slice %arg3[%add3A_55] : memref<320000xi32, #tpu.memory_space<hbm>> -> memref<80xi32, #tpu.memory_space<hbm>>
    tpu.wait_dma2 semaphore(%arg14 : memref<!tpu.dma_semaphore, #tpu.memory_space<semaphore_mem>>) src(%dma_wait3A_57 : memref<80xi32, #tpu.memory_space<hbm>>) dst(%arg6 : memref<80xi32, #tpu.memory_space<vmem>>)
    %dma_wait3A_58 = tpu.memref_slice %arg4[%add3A_55] : memref<320000xi32, #tpu.memory_space<hbm>> -> memref<80xi32, #tpu.memory_space<hbm>>
    %dma_wait3A_59 = tpu.memref_slice %arg4[%add3A_55] : memref<320000xi32, #tpu.memory_space<hbm>> -> memref<80xi32, #tpu.memory_space<hbm>>
    tpu.wait_dma2 semaphore(%arg14 : memref<!tpu.dma_semaphore, #tpu.memory_space<semaphore_mem>>) src(%dma_wait3A_59 : memref<80xi32, #tpu.memory_space<hbm>>) dst(%arg7 : memref<80xi32, #tpu.memory_space<vmem>>)
    %dma_start3A_60 = arith.constant 0 : i32
    %dma_start3A_61 = arith.constant 0 : i32
    %dma_start3A_62 = tpu.memref_slice %arg2[%dma_start3A_60, %dma_start3A_61] : memref<10240x128xf32, #tpu.memory_space<hbm>> -> memref<10240x128xf32, #tpu.memory_space<hbm>>
    tpu.enqueue_indirect_dma source(%dma_start3A_62 : memref<10240x128xf32, #tpu.memory_space<hbm>>) target(%arg10 : memref<80x128xf32, #tpu.memory_space<vmem>>) offsets(%arg6 : memref<80xi32, #tpu.memory_space<vmem>>) semaphore(%arg16 : memref<!tpu.dma_semaphore, #tpu.memory_space<semaphore_mem>>)
    %dma_wait3A_63 = arith.constant 0 : i32
    %dma_wait3A_64 = arith.constant 0 : i32
    %dma_wait3A_65 = tpu.memref_slice %arg2[%dma_wait3A_63, %dma_wait3A_64] : memref<10240x128xf32, #tpu.memory_space<hbm>> -> memref<10240x128xf32, #tpu.memory_space<hbm>>
    tpu.wait_indirect_dma semaphore(%arg17 : memref<!tpu.dma_semaphore, #tpu.memory_space<semaphore_mem>>) src(%dma_wait3A_65 : memref<10240x128xf32, #tpu.memory_space<hbm>>) dst(%arg11 : memref<80x128xf32, #tpu.memory_space<vmem>>)
    "tpu.region"() ({
      %run_scoped3A = tpu.sem_alloc : memref<!tpu.dma_semaphore, #tpu.memory_space<semaphore_mem>>
      %dma_start3A_75 = arith.constant 0 : i32
      %dma_start3A_76 = arith.constant 0 : i32
      %dma_start3A_77 = tpu.memref_slice %arg13[%dma_start3A_75, %dma_start3A_76] : memref<10240x128xf32, #tpu.memory_space<vmem_shared>> -> memref<10240x128xf32, #tpu.memory_space<vmem_shared>>
      tpu.enqueue_indirect_dma source(%arg11 : memref<80x128xf32, #tpu.memory_space<vmem>>) target(%dma_start3A_77 : memref<10240x128xf32, #tpu.memory_space<vmem_shared>>) offsets(%arg9 : memref<80xi32, #tpu.memory_space<vmem>>) semaphore(%run_scoped3A : memref<!tpu.dma_semaphore, #tpu.memory_space<semaphore_mem>>) {add = true}
      %dma_wait3A_78 = arith.constant 0 : i32
      %dma_wait3A_79 = arith.constant 0 : i32
      %dma_wait3A_80 = tpu.memref_slice %arg13[%dma_wait3A_78, %dma_wait3A_79] : memref<10240x128xf32, #tpu.memory_space<vmem_shared>> -> memref<10240x128xf32, #tpu.memory_space<vmem_shared>>
      tpu.wait_indirect_dma semaphore(%run_scoped3A : memref<!tpu.dma_semaphore, #tpu.memory_space<semaphore_mem>>) src(%arg11 : memref<80x128xf32, #tpu.memory_space<vmem>>) dst(%dma_wait3A_80 : memref<10240x128xf32, #tpu.memory_space<vmem_shared>>)
      tpu.yield
    }) : () -> ()
    %dma_wait3A_66 = arith.constant 0 : i32
    %dma_wait3A_67 = arith.constant 0 : i32
    %dma_wait3A_68 = tpu.memref_slice %arg2[%dma_wait3A_66, %dma_wait3A_67] : memref<10240x128xf32, #tpu.memory_space<hbm>> -> memref<10240x128xf32, #tpu.memory_space<hbm>>
    tpu.wait_indirect_dma semaphore(%arg16 : memref<!tpu.dma_semaphore, #tpu.memory_space<semaphore_mem>>) src(%dma_wait3A_68 : memref<10240x128xf32, #tpu.memory_space<hbm>>) dst(%arg10 : memref<80x128xf32, #tpu.memory_space<vmem>>)
    "tpu.region"() ({
      %run_scoped3A = tpu.sem_alloc : memref<!tpu.dma_semaphore, #tpu.memory_space<semaphore_mem>>
      %dma_start3A_75 = arith.constant 0 : i32
      %dma_start3A_76 = arith.constant 0 : i32
      %dma_start3A_77 = tpu.memref_slice %arg13[%dma_start3A_75, %dma_start3A_76] : memref<10240x128xf32, #tpu.memory_space<vmem_shared>> -> memref<10240x128xf32, #tpu.memory_space<vmem_shared>>
      tpu.enqueue_indirect_dma source(%arg10 : memref<80x128xf32, #tpu.memory_space<vmem>>) target(%dma_start3A_77 : memref<10240x128xf32, #tpu.memory_space<vmem_shared>>) offsets(%arg7 : memref<80xi32, #tpu.memory_space<vmem>>) semaphore(%run_scoped3A : memref<!tpu.dma_semaphore, #tpu.memory_space<semaphore_mem>>) {add = true}
      %dma_wait3A_78 = arith.constant 0 : i32
      %dma_wait3A_79 = arith.constant 0 : i32
      %dma_wait3A_80 = tpu.memref_slice %arg13[%dma_wait3A_78, %dma_wait3A_79] : memref<10240x128xf32, #tpu.memory_space<vmem_shared>> -> memref<10240x128xf32, #tpu.memory_space<vmem_shared>>
      tpu.wait_indirect_dma semaphore(%run_scoped3A : memref<!tpu.dma_semaphore, #tpu.memory_space<semaphore_mem>>) src(%arg10 : memref<80x128xf32, #tpu.memory_space<vmem>>) dst(%dma_wait3A_80 : memref<10240x128xf32, #tpu.memory_space<vmem_shared>>)
      tpu.yield
    }) : () -> ()
    %barrier3A_69 = arith.constant 0 : index
    tpu.barrier barrier_id(%barrier3A_69)
    %scan3A_70 = arith.constant 0 : i32
    %scan3A_71 = arith.constant 5 : i32
    %scan3A_72 = arith.addi %scan3A_70, %scan3A_71 : i32
    %scan3A_73 = arith.constant 1 : i32
    scf.for %scan3A_75 = %scan3A_70 to %scan3A_72 step %scan3A_73  : i32 {
      %mul3A_76 = arith.constant 1 : i32
      %mul3A_77 = arith.muli %scan3A_75, %mul3A_76 : i32
      %add3A_78 = arith.constant 0 : i32
      %add3A_79 = arith.addi %add3A_78, %mul3A_77 : i32
      %mul3A_80 = arith.constant 640 : i32
      %mul3A_81 = arith.muli %arg1, %mul3A_80 : i32
      %mul3A_82 = arith.constant 128 : i32
      %mul3A_83 = arith.muli %add3A_79, %mul3A_82 : i32
      %add3A_84 = arith.addi %mul3A_81, %mul3A_83 : i32
      "tpu.region"() ({
        %run_scoped3A = tpu.sem_alloc : memref<!tpu.dma_semaphore, #tpu.memory_space<semaphore_mem>>
        %dma_start3A_85 = arith.constant 0 : i32
        %dma_start3A_86 = tpu.memref_slice %arg5[%arg0, %add3A_84, %dma_start3A_85] : memref<2x10240x128xf32, #tpu.memory_space<hbm>> -> memref<1x128x128xf32, #tpu.memory_space<hbm>>
        %dma_start3A_87 = tpu.memref_squeeze %dma_start3A_86 : memref<1x128x128xf32, #tpu.memory_space<hbm>> -> memref<128x128xf32, #tpu.memory_space<hbm>>
        %dma_start3A_88 = arith.constant 0 : i32
        %dma_start3A_89 = tpu.memref_slice %arg13[%add3A_84, %dma_start3A_88] : memref<10240x128xf32, #tpu.memory_space<vmem_shared>> -> memref<128x128xf32, #tpu.memory_space<vmem_shared>>
        tpu.enqueue_dma source(%dma_start3A_89 : memref<128x128xf32, #tpu.memory_space<vmem_shared>>) target(%dma_start3A_87 : memref<128x128xf32, #tpu.memory_space<hbm>>) target_semaphore(%run_scoped3A : memref<!tpu.dma_semaphore, #tpu.memory_space<semaphore_mem>>)
        %dma_wait3A_90 = arith.constant 0 : i32
        %dma_wait3A_91 = tpu.memref_slice %arg5[%arg0, %add3A_84, %dma_wait3A_90] : memref<2x10240x128xf32, #tpu.memory_space<hbm>> -> memref<1x128x128xf32, #tpu.memory_space<hbm>>
        %dma_wait3A_92 = tpu.memref_squeeze %dma_wait3A_91 : memref<1x128x128xf32, #tpu.memory_space<hbm>> -> memref<128x128xf32, #tpu.memory_space<hbm>>
        %dma_wait3A_93 = arith.constant 0 : i32
        %dma_wait3A_94 = tpu.memref_slice %arg13[%add3A_84, %dma_wait3A_93] : memref<10240x128xf32, #tpu.memory_space<vmem_shared>> -> memref<128x128xf32, #tpu.memory_space<vmem_shared>>
        tpu.wait_dma2 semaphore(%run_scoped3A : memref<!tpu.dma_semaphore, #tpu.memory_space<semaphore_mem>>) src(%dma_wait3A_94 : memref<128x128xf32, #tpu.memory_space<vmem_shared>>) dst(%dma_wait3A_92 : memref<128x128xf32, #tpu.memory_space<hbm>>)
        tpu.yield
      }) : () -> ()
    }
    %scan3A_74 = arith.constant 5 : i32
    return
  }
}

#map = affine_map<(d0, d1) -> (0, 0)>
#map1 = affine_map<(d0, d1) -> (0)>
#map2 = affine_map<(d0, d1) -> (0, 0, 0)>
module attributes {stable_mosaic.version = 14 : i64} {
  func.func @agg(%arg0: i32, %arg1: i32, %arg2: memref<10240x128xf32, #tpu.memory_space<hbm>>, %arg3: memref<320000xi32, #tpu.memory_space<hbm>>, %arg4: memref<320000xi32, #tpu.memory_space<hbm>>, %arg5: memref<2x10240x128xf32, #tpu.memory_space<hbm>>, %arg6: memref<80xi32, #tpu.memory_space<vmem>>, %arg7: memref<80xi32, #tpu.memory_space<vmem>>, %arg8: memref<80xi32, #tpu.memory_space<vmem>>, %arg9: memref<80xi32, #tpu.memory_space<vmem>>, %arg10: memref<80x128xf32, #tpu.memory_space<vmem>>, %arg11: memref<80x128xf32, #tpu.memory_space<vmem>>, %arg12: memref<32x128xf32, #tpu.memory_space<vmem>>, %arg13: memref<10240x128xf32, #tpu.memory_space<vmem_shared>>, %arg14: memref<!tpu.dma_semaphore, #tpu.memory_space<semaphore_mem>>, %arg15: memref<!tpu.dma_semaphore, #tpu.memory_space<semaphore_mem>>, %arg16: memref<!tpu.dma_semaphore, #tpu.memory_space<semaphore_mem>>, %arg17: memref<!tpu.dma_semaphore, #tpu.memory_space<semaphore_mem>>) attributes {dimension_semantics = [#tpu.dimension_semantics<core_parallel>, #tpu.dimension_semantics<subcore_parallel>], iteration_bounds = array<i64: 2, 16>, scalar_prefetch = 0 : i64, scratch_operands = 12 : i64, tpu.core_type = #tpu.core_type<sc_vector_subcore>, window_params = [{transform_indices = #map}, {transform_indices = #map1}, {transform_indices = #map1}, {transform_indices = #map2}]} {
    %mul3A = arith.constant 16 : i32
    %mul3A_0 = arith.muli %arg0, %mul3A : i32
    %add3A = arith.addi %mul3A_0, %arg1 : i32
    %mul3A_1 = arith.constant 10000 : i32
    %mul3A_2 = arith.muli %add3A, %mul3A_1 : i32
    %add3A_3 = arith.constant 0 : i32
    %add3A_4 = arith.addi %mul3A_2, %add3A_3 : i32
    %dma_start3A = tpu.memref_slice %arg3[%add3A_4] : memref<320000xi32, #tpu.memory_space<hbm>> -> memref<80xi32, #tpu.memory_space<hbm>>
    %dma_start3A_5 = tpu.memref_slice %arg3[%add3A_4] : memref<320000xi32, #tpu.memory_space<hbm>> -> memref<80xi32, #tpu.memory_space<hbm>>
    tpu.enqueue_dma source(%dma_start3A_5 : memref<80xi32, #tpu.memory_space<hbm>>) target(%arg6 : memref<80xi32, #tpu.memory_space<vmem>>) target_semaphore(%arg14 : memref<!tpu.dma_semaphore, #tpu.memory_space<semaphore_mem>>)
    %dma_start3A_6 = tpu.memref_slice %arg4[%add3A_4] : memref<320000xi32, #tpu.memory_space<hbm>> -> memref<80xi32, #tpu.memory_space<hbm>>
    %dma_start3A_7 = tpu.memref_slice %arg4[%add3A_4] : memref<320000xi32, #tpu.memory_space<hbm>> -> memref<80xi32, #tpu.memory_space<hbm>>
    tpu.enqueue_dma source(%dma_start3A_7 : memref<80xi32, #tpu.memory_space<hbm>>) target(%arg7 : memref<80xi32, #tpu.memory_space<vmem>>) target_semaphore(%arg14 : memref<!tpu.dma_semaphore, #tpu.memory_space<semaphore_mem>>)
    %scan3A = arith.constant 0 : i32
    %scan3A_8 = arith.constant 32 : i32
    %scan3A_9 = arith.addi %scan3A, %scan3A_8 : i32
    %scan3A_10 = arith.constant 1 : i32
    scf.for %scan3A_75 = %scan3A to %scan3A_9 step %scan3A_10  : i32 {
      %mul3A_76 = arith.constant 1 : i32
      %mul3A_77 = arith.muli %scan3A_75, %mul3A_76 : i32
      %add3A_78 = arith.constant 0 : i32
      %add3A_79 = arith.addi %add3A_78, %mul3A_77 : i32
      %broadcast_in_dim3A = arith.constant 0.000000e+00 : f32
      %broadcast_in_dim3A_80 = vector.broadcast %broadcast_in_dim3A : f32 to vector<16xf32>
      %swap3A = arith.index_cast %add3A_79 : i32 to index
      %swap3A_81 = arith.constant 0 : index
      %swap3A_82 = tpu.vector_load %arg12[%swap3A, %swap3A_81] {strides = array<i32>} : memref<32x128xf32, #tpu.memory_space<vmem>>, vector<1x16xf32>,
      %swap3A_83 = vector.shape_cast %swap3A_82 : vector<1x16xf32> to vector<16xf32>
      %swap3A_84 = vector.shape_cast %broadcast_in_dim3A_80 : vector<16xf32> to vector<1x16xf32>
      tpu.vector_store %arg12[%swap3A, %swap3A_81], %swap3A_84 {strides = array<i32>} : memref<32x128xf32, #tpu.memory_space<vmem>>, vector<1x16xf32>,
      %broadcast_in_dim3A_85 = arith.constant 0.000000e+00 : f32
      %broadcast_in_dim3A_86 = vector.broadcast %broadcast_in_dim3A_85 : f32 to vector<16xf32>
      %swap3A_87 = arith.index_cast %add3A_79 : i32 to index
      %swap3A_88 = arith.constant 16 : index
      %swap3A_89 = tpu.vector_load %arg12[%swap3A_87, %swap3A_88] {strides = array<i32>} : memref<32x128xf32, #tpu.memory_space<vmem>>, vector<1x16xf32>,
      %swap3A_90 = vector.shape_cast %swap3A_89 : vector<1x16xf32> to vector<16xf32>
      %swap3A_91 = vector.shape_cast %broadcast_in_dim3A_86 : vector<16xf32> to vector<1x16xf32>
      tpu.vector_store %arg12[%swap3A_87, %swap3A_88], %swap3A_91 {strides = array<i32>} : memref<32x128xf32, #tpu.memory_space<vmem>>, vector<1x16xf32>,
      %broadcast_in_dim3A_92 = arith.constant 0.000000e+00 : f32
      %broadcast_in_dim3A_93 = vector.broadcast %broadcast_in_dim3A_92 : f32 to vector<16xf32>
      %swap3A_94 = arith.index_cast %add3A_79 : i32 to index
      %swap3A_95 = arith.constant 32 : index
      %swap3A_96 = tpu.vector_load %arg12[%swap3A_94, %swap3A_95] {strides = array<i32>} : memref<32x128xf32, #tpu.memory_space<vmem>>, vector<1x16xf32>,
      %swap3A_97 = vector.shape_cast %swap3A_96 : vector<1x16xf32> to vector<16xf32>
      %swap3A_98 = vector.shape_cast %broadcast_in_dim3A_93 : vector<16xf32> to vector<1x16xf32>
      tpu.vector_store %arg12[%swap3A_94, %swap3A_95], %swap3A_98 {strides = array<i32>} : memref<32x128xf32, #tpu.memory_space<vmem>>, vector<1x16xf32>,
      %broadcast_in_dim3A_99 = arith.constant 0.000000e+00 : f32
      %broadcast_in_dim3A_100 = vector.broadcast %broadcast_in_dim3A_99 : f32 to vector<16xf32>
      %swap3A_101 = arith.index_cast %add3A_79 : i32 to index
      %swap3A_102 = arith.constant 48 : index
      %swap3A_103 = tpu.vector_load %arg12[%swap3A_101, %swap3A_102] {strides = array<i32>} : memref<32x128xf32, #tpu.memory_space<vmem>>, vector<1x16xf32>,
      %swap3A_104 = vector.shape_cast %swap3A_103 : vector<1x16xf32> to vector<16xf32>
      %swap3A_105 = vector.shape_cast %broadcast_in_dim3A_100 : vector<16xf32> to vector<1x16xf32>
      tpu.vector_store %arg12[%swap3A_101, %swap3A_102], %swap3A_105 {strides = array<i32>} : memref<32x128xf32, #tpu.memory_space<vmem>>, vector<1x16xf32>,
      %broadcast_in_dim3A_106 = arith.constant 0.000000e+00 : f32
      %broadcast_in_dim3A_107 = vector.broadcast %broadcast_in_dim3A_106 : f32 to vector<16xf32>
      %swap3A_108 = arith.index_cast %add3A_79 : i32 to index
      %swap3A_109 = arith.constant 64 : index
      %swap3A_110 = tpu.vector_load %arg12[%swap3A_108, %swap3A_109] {strides = array<i32>} : memref<32x128xf32, #tpu.memory_space<vmem>>, vector<1x16xf32>,
      %swap3A_111 = vector.shape_cast %swap3A_110 : vector<1x16xf32> to vector<16xf32>
      %swap3A_112 = vector.shape_cast %broadcast_in_dim3A_107 : vector<16xf32> to vector<1x16xf32>
      tpu.vector_store %arg12[%swap3A_108, %swap3A_109], %swap3A_112 {strides = array<i32>} : memref<32x128xf32, #tpu.memory_space<vmem>>, vector<1x16xf32>,
      %broadcast_in_dim3A_113 = arith.constant 0.000000e+00 : f32
      %broadcast_in_dim3A_114 = vector.broadcast %broadcast_in_dim3A_113 : f32 to vector<16xf32>
      %swap3A_115 = arith.index_cast %add3A_79 : i32 to index
      %swap3A_116 = arith.constant 80 : index
      %swap3A_117 = tpu.vector_load %arg12[%swap3A_115, %swap3A_116] {strides = array<i32>} : memref<32x128xf32, #tpu.memory_space<vmem>>, vector<1x16xf32>,
      %swap3A_118 = vector.shape_cast %swap3A_117 : vector<1x16xf32> to vector<16xf32>
      %swap3A_119 = vector.shape_cast %broadcast_in_dim3A_114 : vector<16xf32> to vector<1x16xf32>
      tpu.vector_store %arg12[%swap3A_115, %swap3A_116], %swap3A_119 {strides = array<i32>} : memref<32x128xf32, #tpu.memory_space<vmem>>, vector<1x16xf32>,
      %broadcast_in_dim3A_120 = arith.constant 0.000000e+00 : f32
      %broadcast_in_dim3A_121 = vector.broadcast %broadcast_in_dim3A_120 : f32 to vector<16xf32>
      %swap3A_122 = arith.index_cast %add3A_79 : i32 to index
      %swap3A_123 = arith.constant 96 : index
      %swap3A_124 = tpu.vector_load %arg12[%swap3A_122, %swap3A_123] {strides = array<i32>} : memref<32x128xf32, #tpu.memory_space<vmem>>, vector<1x16xf32>,
      %swap3A_125 = vector.shape_cast %swap3A_124 : vector<1x16xf32> to vector<16xf32>
      %swap3A_126 = vector.shape_cast %broadcast_in_dim3A_121 : vector<16xf32> to vector<1x16xf32>
      tpu.vector_store %arg12[%swap3A_122, %swap3A_123], %swap3A_126 {strides = array<i32>} : memref<32x128xf32, #tpu.memory_space<vmem>>, vector<1x16xf32>,
      %broadcast_in_dim3A_127 = arith.constant 0.000000e+00 : f32
      %broadcast_in_dim3A_128 = vector.broadcast %broadcast_in_dim3A_127 : f32 to vector<16xf32>
      %swap3A_129 = arith.index_cast %add3A_79 : i32 to index
      %swap3A_130 = arith.constant 112 : index
      %swap3A_131 = tpu.vector_load %arg12[%swap3A_129, %swap3A_130] {strides = array<i32>} : memref<32x128xf32, #tpu.memory_space<vmem>>, vector<1x16xf32>,
      %swap3A_132 = vector.shape_cast %swap3A_131 : vector<1x16xf32> to vector<16xf32>
      %swap3A_133 = vector.shape_cast %broadcast_in_dim3A_128 : vector<16xf32> to vector<1x16xf32>
      tpu.vector_store %arg12[%swap3A_129, %swap3A_130], %swap3A_133 {strides = array<i32>} : memref<32x128xf32, #tpu.memory_space<vmem>>, vector<1x16xf32>,
    }
    %scan3A_11 = arith.constant 32 : i32
    %scan3A_12 = arith.constant 0 : i32
    %scan3A_13 = arith.constant 20 : i32
    %scan3A_14 = arith.addi %scan3A_12, %scan3A_13 : i32
    %scan3A_15 = arith.constant 1 : i32
    scf.for %scan3A_75 = %scan3A_12 to %scan3A_14 step %scan3A_15  : i32 {
      %mul3A_76 = arith.constant 1 : i32
      %mul3A_77 = arith.muli %scan3A_75, %mul3A_76 : i32
      %add3A_78 = arith.constant 0 : i32
      %add3A_79 = arith.addi %add3A_78, %mul3A_77 : i32
      %mul3A_80 = arith.constant 640 : i32
      %mul3A_81 = arith.muli %arg1, %mul3A_80 : i32
      %mul3A_82 = arith.constant 32 : i32
      %mul3A_83 = arith.muli %add3A_79, %mul3A_82 : i32
      %add3A_84 = arith.addi %mul3A_81, %mul3A_83 : i32
      "tpu.region"() ({
        %run_scoped3A = tpu.sem_alloc : memref<!tpu.dma_semaphore, #tpu.memory_space<semaphore_mem>>
        %dma_start3A_85 = arith.constant 0 : i32
        %dma_start3A_86 = tpu.memref_slice %arg13[%add3A_84, %dma_start3A_85] : memref<10240x128xf32, #tpu.memory_space<vmem_shared>> -> memref<32x128xf32, #tpu.memory_space<vmem_shared>>
        %dma_start3A_87 = arith.constant 0 : i32
        %dma_start3A_88 = tpu.memref_slice %arg13[%add3A_84, %dma_start3A_87] : memref<10240x128xf32, #tpu.memory_space<vmem_shared>> -> memref<32x128xf32, #tpu.memory_space<vmem_shared>>
        tpu.enqueue_dma source(%arg12 : memref<32x128xf32, #tpu.memory_space<vmem>>) target(%dma_start3A_88 : memref<32x128xf32, #tpu.memory_space<vmem_shared>>) target_semaphore(%run_scoped3A : memref<!tpu.dma_semaphore, #tpu.memory_space<semaphore_mem>>)
        %dma_wait3A_89 = arith.constant 0 : i32
        %dma_wait3A_90 = tpu.memref_slice %arg13[%add3A_84, %dma_wait3A_89] : memref<10240x128xf32, #tpu.memory_space<vmem_shared>> -> memref<32x128xf32, #tpu.memory_space<vmem_shared>>
        %dma_wait3A_91 = arith.constant 0 : i32
        %dma_wait3A_92 = tpu.memref_slice %arg13[%add3A_84, %dma_wait3A_91] : memref<10240x128xf32, #tpu.memory_space<vmem_shared>> -> memref<32x128xf32, #tpu.memory_space<vmem_shared>>
        tpu.wait_dma2 semaphore(%run_scoped3A : memref<!tpu.dma_semaphore, #tpu.memory_space<semaphore_mem>>) src(%arg12 : memref<32x128xf32, #tpu.memory_space<vmem>>) dst(%dma_wait3A_92 : memref<32x128xf32, #tpu.memory_space<vmem_shared>>)
        tpu.yield
      }) : () -> ()
    }
    %scan3A_16 = arith.constant 20 : i32
    %barrier3A = arith.constant 0 : index
    tpu.barrier barrier_id(%barrier3A)
    %add3A_17 = arith.constant 0 : i32
    %add3A_18 = arith.addi %mul3A_2, %add3A_17 : i32
    %dma_wait3A = tpu.memref_slice %arg3[%add3A_18] : memref<320000xi32, #tpu.memory_space<hbm>> -> memref<80xi32, #tpu.memory_space<hbm>>
    %dma_wait3A_19 = tpu.memref_slice %arg3[%add3A_18] : memref<320000xi32, #tpu.memory_space<hbm>> -> memref<80xi32, #tpu.memory_space<hbm>>
    tpu.wait_dma2 semaphore(%arg14 : memref<!tpu.dma_semaphore, #tpu.memory_space<semaphore_mem>>) src(%dma_wait3A_19 : memref<80xi32, #tpu.memory_space<hbm>>) dst(%arg6 : memref<80xi32, #tpu.memory_space<vmem>>)
    %dma_wait3A_20 = tpu.memref_slice %arg4[%add3A_18] : memref<320000xi32, #tpu.memory_space<hbm>> -> memref<80xi32, #tpu.memory_space<hbm>>
    %dma_wait3A_21 = tpu.memref_slice %arg4[%add3A_18] : memref<320000xi32, #tpu.memory_space<hbm>> -> memref<80xi32, #tpu.memory_space<hbm>>
    tpu.wait_dma2 semaphore(%arg14 : memref<!tpu.dma_semaphore, #tpu.memory_space<semaphore_mem>>) src(%dma_wait3A_21 : memref<80xi32, #tpu.memory_space<hbm>>) dst(%arg7 : memref<80xi32, #tpu.memory_space<vmem>>)
    %dma_start3A_22 = arith.constant 0 : i32
    %dma_start3A_23 = arith.constant 0 : i32
    %dma_start3A_24 = tpu.memref_slice %arg2[%dma_start3A_22, %dma_start3A_23] : memref<10240x128xf32, #tpu.memory_space<hbm>> -> memref<10240x128xf32, #tpu.memory_space<hbm>>
    tpu.enqueue_indirect_dma source(%dma_start3A_24 : memref<10240x128xf32, #tpu.memory_space<hbm>>) target(%arg10 : memref<80x128xf32, #tpu.memory_space<vmem>>) offsets(%arg6 : memref<80xi32, #tpu.memory_space<vmem>>) semaphore(%arg16 : memref<!tpu.dma_semaphore, #tpu.memory_space<semaphore_mem>>)
    %add3A_25 = arith.constant 80 : i32
    %add3A_26 = arith.addi %mul3A_2, %add3A_25 : i32
    %dma_start3A_27 = tpu.memref_slice %arg3[%add3A_26] : memref<320000xi32, #tpu.memory_space<hbm>> -> memref<80xi32, #tpu.memory_space<hbm>>
    %dma_start3A_28 = tpu.memref_slice %arg3[%add3A_26] : memref<320000xi32, #tpu.memory_space<hbm>> -> memref<80xi32, #tpu.memory_space<hbm>>
    tpu.enqueue_dma source(%dma_start3A_28 : memref<80xi32, #tpu.memory_space<hbm>>) target(%arg8 : memref<80xi32, #tpu.memory_space<vmem>>) target_semaphore(%arg15 : memref<!tpu.dma_semaphore, #tpu.memory_space<semaphore_mem>>)
    %dma_start3A_29 = tpu.memref_slice %arg4[%add3A_26] : memref<320000xi32, #tpu.memory_space<hbm>> -> memref<80xi32, #tpu.memory_space<hbm>>
    %dma_start3A_30 = tpu.memref_slice %arg4[%add3A_26] : memref<320000xi32, #tpu.memory_space<hbm>> -> memref<80xi32, #tpu.memory_space<hbm>>
    tpu.enqueue_dma source(%dma_start3A_30 : memref<80xi32, #tpu.memory_space<hbm>>) target(%arg9 : memref<80xi32, #tpu.memory_space<vmem>>) target_semaphore(%arg15 : memref<!tpu.dma_semaphore, #tpu.memory_space<semaphore_mem>>)
    %scan3A_31 = arith.constant 0 : i32
    %scan3A_32 = arith.constant 61 : i32
    %scan3A_33 = arith.addi %scan3A_31, %scan3A_32 : i32
    %scan3A_34 = arith.constant 1 : i32
    scf.for %scan3A_75 = %scan3A_31 to %scan3A_33 step %scan3A_34  : i32 {
      %mul3A_76 = arith.constant 1 : i32
      %mul3A_77 = arith.muli %scan3A_75, %mul3A_76 : i32
      %add3A_78 = arith.constant 0 : i32
      %add3A_79 = arith.addi %add3A_78, %mul3A_77 : i32
      %mul3A_80 = arith.constant 2 : i32
      %mul3A_81 = arith.muli %add3A_79, %mul3A_80 : i32
      %add3A_82 = arith.constant 1 : i32
      %add3A_83 = arith.addi %mul3A_81, %add3A_82 : i32
      %mul3A_84 = arith.constant 80 : i32
      %mul3A_85 = arith.muli %add3A_83, %mul3A_84 : i32
      %add3A_86 = arith.addi %mul3A_2, %mul3A_85 : i32
      %dma_wait3A_87 = tpu.memref_slice %arg3[%add3A_86] : memref<320000xi32, #tpu.memory_space<hbm>> -> memref<80xi32, #tpu.memory_space<hbm>>
      %dma_wait3A_88 = tpu.memref_slice %arg3[%add3A_86] : memref<320000xi32, #tpu.memory_space<hbm>> -> memref<80xi32, #tpu.memory_space<hbm>>
      tpu.wait_dma2 semaphore(%arg15 : memref<!tpu.dma_semaphore, #tpu.memory_space<semaphore_mem>>) src(%dma_wait3A_88 : memref<80xi32, #tpu.memory_space<hbm>>) dst(%arg8 : memref<80xi32, #tpu.memory_space<vmem>>)
      %dma_wait3A_89 = tpu.memref_slice %arg4[%add3A_86] : memref<320000xi32, #tpu.memory_space<hbm>> -> memref<80xi32, #tpu.memory_space<hbm>>
      %dma_wait3A_90 = tpu.memref_slice %arg4[%add3A_86] : memref<320000xi32, #tpu.memory_space<hbm>> -> memref<80xi32, #tpu.memory_space<hbm>>
      tpu.wait_dma2 semaphore(%arg15 : memref<!tpu.dma_semaphore, #tpu.memory_space<semaphore_mem>>) src(%dma_wait3A_90 : memref<80xi32, #tpu.memory_space<hbm>>) dst(%arg9 : memref<80xi32, #tpu.memory_space<vmem>>)
      %add3A_91 = arith.constant 1 : i32
      %add3A_92 = arith.addi %mul3A_81, %add3A_91 : i32
      %dma_start3A_93 = arith.constant 0 : i32
      %dma_start3A_94 = arith.constant 0 : i32
      %dma_start3A_95 = tpu.memref_slice %arg2[%dma_start3A_93, %dma_start3A_94] : memref<10240x128xf32, #tpu.memory_space<hbm>> -> memref<10240x128xf32, #tpu.memory_space<hbm>>
      tpu.enqueue_indirect_dma source(%dma_start3A_95 : memref<10240x128xf32, #tpu.memory_space<hbm>>) target(%arg11 : memref<80x128xf32, #tpu.memory_space<vmem>>) offsets(%arg8 : memref<80xi32, #tpu.memory_space<vmem>>) semaphore(%arg17 : memref<!tpu.dma_semaphore, #tpu.memory_space<semaphore_mem>>)
      %dma_wait3A_96 = arith.constant 0 : i32
      %dma_wait3A_97 = arith.constant 0 : i32
      %dma_wait3A_98 = tpu.memref_slice %arg2[%dma_wait3A_96, %dma_wait3A_97] : memref<10240x128xf32, #tpu.memory_space<hbm>> -> memref<10240x128xf32, #tpu.memory_space<hbm>>
      tpu.wait_indirect_dma semaphore(%arg16 : memref<!tpu.dma_semaphore, #tpu.memory_space<semaphore_mem>>) src(%dma_wait3A_98 : memref<10240x128xf32, #tpu.memory_space<hbm>>) dst(%arg10 : memref<80x128xf32, #tpu.memory_space<vmem>>)
      "tpu.region"() ({
        %run_scoped3A = tpu.sem_alloc : memref<!tpu.dma_semaphore, #tpu.memory_space<semaphore_mem>>
        %dma_start3A_136 = arith.constant 0 : i32
        %dma_start3A_137 = arith.constant 0 : i32
        %dma_start3A_138 = tpu.memref_slice %arg13[%dma_start3A_136, %dma_start3A_137] : memref<10240x128xf32, #tpu.memory_space<vmem_shared>> -> memref<10240x128xf32, #tpu.memory_space<vmem_shared>>
        tpu.enqueue_indirect_dma source(%arg10 : memref<80x128xf32, #tpu.memory_space<vmem>>) target(%dma_start3A_138 : memref<10240x128xf32, #tpu.memory_space<vmem_shared>>) offsets(%arg7 : memref<80xi32, #tpu.memory_space<vmem>>) semaphore(%run_scoped3A : memref<!tpu.dma_semaphore, #tpu.memory_space<semaphore_mem>>) {add = true}
        %dma_wait3A_139 = arith.constant 0 : i32
        %dma_wait3A_140 = arith.constant 0 : i32
        %dma_wait3A_141 = tpu.memref_slice %arg13[%dma_wait3A_139, %dma_wait3A_140] : memref<10240x128xf32, #tpu.memory_space<vmem_shared>> -> memref<10240x128xf32, #tpu.memory_space<vmem_shared>>
        tpu.wait_indirect_dma semaphore(%run_scoped3A : memref<!tpu.dma_semaphore, #tpu.memory_space<semaphore_mem>>) src(%arg10 : memref<80x128xf32, #tpu.memory_space<vmem>>) dst(%dma_wait3A_141 : memref<10240x128xf32, #tpu.memory_space<vmem_shared>>)
        tpu.yield
      }) : () -> ()
      %add3A_99 = arith.constant 2 : i32
      %add3A_100 = arith.addi %mul3A_81, %add3A_99 : i32
      %mul3A_101 = arith.constant 80 : i32
      %mul3A_102 = arith.muli %add3A_100, %mul3A_101 : i32
      %add3A_103 = arith.addi %mul3A_2, %mul3A_102 : i32
      %dma_start3A_104 = tpu.memref_slice %arg3[%add3A_103] : memref<320000xi32, #tpu.memory_space<hbm>> -> memref<80xi32, #tpu.memory_space<hbm>>
      %dma_start3A_105 = tpu.memref_slice %arg3[%add3A_103] : memref<320000xi32, #tpu.memory_space<hbm>> -> memref<80xi32, #tpu.memory_space<hbm>>
      tpu.enqueue_dma source(%dma_start3A_105 : memref<80xi32, #tpu.memory_space<hbm>>) target(%arg6 : memref<80xi32, #tpu.memory_space<vmem>>) target_semaphore(%arg14 : memref<!tpu.dma_semaphore, #tpu.memory_space<semaphore_mem>>)
      %dma_start3A_106 = tpu.memref_slice %arg4[%add3A_103] : memref<320000xi32, #tpu.memory_space<hbm>> -> memref<80xi32, #tpu.memory_space<hbm>>
      %dma_start3A_107 = tpu.memref_slice %arg4[%add3A_103] : memref<320000xi32, #tpu.memory_space<hbm>> -> memref<80xi32, #tpu.memory_space<hbm>>
      tpu.enqueue_dma source(%dma_start3A_107 : memref<80xi32, #tpu.memory_space<hbm>>) target(%arg7 : memref<80xi32, #tpu.memory_space<vmem>>) target_semaphore(%arg14 : memref<!tpu.dma_semaphore, #tpu.memory_space<semaphore_mem>>)
      %add3A_108 = arith.constant 2 : i32
      %add3A_109 = arith.addi %mul3A_81, %add3A_108 : i32
      %mul3A_110 = arith.constant 80 : i32
      %mul3A_111 = arith.muli %add3A_109, %mul3A_110 : i32
      %add3A_112 = arith.addi %mul3A_2, %mul3A_111 : i32
      %dma_wait3A_113 = tpu.memref_slice %arg3[%add3A_112] : memref<320000xi32, #tpu.memory_space<hbm>> -> memref<80xi32, #tpu.memory_space<hbm>>
      %dma_wait3A_114 = tpu.memref_slice %arg3[%add3A_112] : memref<320000xi32, #tpu.memory_space<hbm>> -> memref<80xi32, #tpu.memory_space<hbm>>
      tpu.wait_dma2 semaphore(%arg14 : memref<!tpu.dma_semaphore, #tpu.memory_space<semaphore_mem>>) src(%dma_wait3A_114 : memref<80xi32, #tpu.memory_space<hbm>>) dst(%arg6 : memref<80xi32, #tpu.memory_space<vmem>>)
      %dma_wait3A_115 = tpu.memref_slice %arg4[%add3A_112] : memref<320000xi32, #tpu.memory_space<hbm>> -> memref<80xi32, #tpu.memory_space<hbm>>
      %dma_wait3A_116 = tpu.memref_slice %arg4[%add3A_112] : memref<320000xi32, #tpu.memory_space<hbm>> -> memref<80xi32, #tpu.memory_space<hbm>>
      tpu.wait_dma2 semaphore(%arg14 : memref<!tpu.dma_semaphore, #tpu.memory_space<semaphore_mem>>) src(%dma_wait3A_116 : memref<80xi32, #tpu.memory_space<hbm>>) dst(%arg7 : memref<80xi32, #tpu.memory_space<vmem>>)
      %add3A_117 = arith.constant 2 : i32
      %add3A_118 = arith.addi %mul3A_81, %add3A_117 : i32
      %dma_start3A_119 = arith.constant 0 : i32
      %dma_start3A_120 = arith.constant 0 : i32
      %dma_start3A_121 = tpu.memref_slice %arg2[%dma_start3A_119, %dma_start3A_120] : memref<10240x128xf32, #tpu.memory_space<hbm>> -> memref<10240x128xf32, #tpu.memory_space<hbm>>
      tpu.enqueue_indirect_dma source(%dma_start3A_121 : memref<10240x128xf32, #tpu.memory_space<hbm>>) target(%arg10 : memref<80x128xf32, #tpu.memory_space<vmem>>) offsets(%arg6 : memref<80xi32, #tpu.memory_space<vmem>>) semaphore(%arg16 : memref<!tpu.dma_semaphore, #tpu.memory_space<semaphore_mem>>)
      %add3A_122 = arith.constant 1 : i32
      %add3A_123 = arith.addi %mul3A_81, %add3A_122 : i32
      %dma_wait3A_124 = arith.constant 0 : i32
      %dma_wait3A_125 = arith.constant 0 : i32
      %dma_wait3A_126 = tpu.memref_slice %arg2[%dma_wait3A_124, %dma_wait3A_125] : memref<10240x128xf32, #tpu.memory_space<hbm>> -> memref<10240x128xf32, #tpu.memory_space<hbm>>
      tpu.wait_indirect_dma semaphore(%arg17 : memref<!tpu.dma_semaphore, #tpu.memory_space<semaphore_mem>>) src(%dma_wait3A_126 : memref<10240x128xf32, #tpu.memory_space<hbm>>) dst(%arg11 : memref<80x128xf32, #tpu.memory_space<vmem>>)
      "tpu.region"() ({
        %run_scoped3A = tpu.sem_alloc : memref<!tpu.dma_semaphore, #tpu.memory_space<semaphore_mem>>
        %dma_start3A_136 = arith.constant 0 : i32
        %dma_start3A_137 = arith.constant 0 : i32
        %dma_start3A_138 = tpu.memref_slice %arg13[%dma_start3A_136, %dma_start3A_137] : memref<10240x128xf32, #tpu.memory_space<vmem_shared>> -> memref<10240x128xf32, #tpu.memory_space<vmem_shared>>
        tpu.enqueue_indirect_dma source(%arg11 : memref<80x128xf32, #tpu.memory_space<vmem>>) target(%dma_start3A_138 : memref<10240x128xf32, #tpu.memory_space<vmem_shared>>) offsets(%arg9 : memref<80xi32, #tpu.memory_space<vmem>>) semaphore(%run_scoped3A : memref<!tpu.dma_semaphore, #tpu.memory_space<semaphore_mem>>) {add = true}
        %dma_wait3A_139 = arith.constant 0 : i32
        %dma_wait3A_140 = arith.constant 0 : i32
        %dma_wait3A_141 = tpu.memref_slice %arg13[%dma_wait3A_139, %dma_wait3A_140] : memref<10240x128xf32, #tpu.memory_space<vmem_shared>> -> memref<10240x128xf32, #tpu.memory_space<vmem_shared>>
        tpu.wait_indirect_dma semaphore(%run_scoped3A : memref<!tpu.dma_semaphore, #tpu.memory_space<semaphore_mem>>) src(%arg11 : memref<80x128xf32, #tpu.memory_space<vmem>>) dst(%dma_wait3A_141 : memref<10240x128xf32, #tpu.memory_space<vmem_shared>>)
        tpu.yield
      }) : () -> ()
      %add3A_127 = arith.constant 3 : i32
      %add3A_128 = arith.addi %mul3A_81, %add3A_127 : i32
      %mul3A_129 = arith.constant 80 : i32
      %mul3A_130 = arith.muli %add3A_128, %mul3A_129 : i32
      %add3A_131 = arith.addi %mul3A_2, %mul3A_130 : i32
      %dma_start3A_132 = tpu.memref_slice %arg3[%add3A_131] : memref<320000xi32, #tpu.memory_space<hbm>> -> memref<80xi32, #tpu.memory_space<hbm>>
      %dma_start3A_133 = tpu.memref_slice %arg3[%add3A_131] : memref<320000xi32, #tpu.memory_space<hbm>> -> memref<80xi32, #tpu.memory_space<hbm>>
      tpu.enqueue_dma source(%dma_start3A_133 : memref<80xi32, #tpu.memory_space<hbm>>) target(%arg8 : memref<80xi32, #tpu.memory_space<vmem>>) target_semaphore(%arg15 : memref<!tpu.dma_semaphore, #tpu.memory_space<semaphore_mem>>)
      %dma_start3A_134 = tpu.memref_slice %arg4[%add3A_131] : memref<320000xi32, #tpu.memory_space<hbm>> -> memref<80xi32, #tpu.memory_space<hbm>>
      %dma_start3A_135 = tpu.memref_slice %arg4[%add3A_131] : memref<320000xi32, #tpu.memory_space<hbm>> -> memref<80xi32, #tpu.memory_space<hbm>>
      tpu.enqueue_dma source(%dma_start3A_135 : memref<80xi32, #tpu.memory_space<hbm>>) target(%arg9 : memref<80xi32, #tpu.memory_space<vmem>>) target_semaphore(%arg15 : memref<!tpu.dma_semaphore, #tpu.memory_space<semaphore_mem>>)
    }
    %scan3A_35 = arith.constant 61 : i32
    %add3A_36 = arith.constant 9840 : i32
    %add3A_37 = arith.addi %mul3A_2, %add3A_36 : i32
    %dma_wait3A_38 = tpu.memref_slice %arg3[%add3A_37] : memref<320000xi32, #tpu.memory_space<hbm>> -> memref<80xi32, #tpu.memory_space<hbm>>
    %dma_wait3A_39 = tpu.memref_slice %arg3[%add3A_37] : memref<320000xi32, #tpu.memory_space<hbm>> -> memref<80xi32, #tpu.memory_space<hbm>>
    tpu.wait_dma2 semaphore(%arg15 : memref<!tpu.dma_semaphore, #tpu.memory_space<semaphore_mem>>) src(%dma_wait3A_39 : memref<80xi32, #tpu.memory_space<hbm>>) dst(%arg8 : memref<80xi32, #tpu.memory_space<vmem>>)
    %dma_wait3A_40 = tpu.memref_slice %arg4[%add3A_37] : memref<320000xi32, #tpu.memory_space<hbm>> -> memref<80xi32, #tpu.memory_space<hbm>>
    %dma_wait3A_41 = tpu.memref_slice %arg4[%add3A_37] : memref<320000xi32, #tpu.memory_space<hbm>> -> memref<80xi32, #tpu.memory_space<hbm>>
    tpu.wait_dma2 semaphore(%arg15 : memref<!tpu.dma_semaphore, #tpu.memory_space<semaphore_mem>>) src(%dma_wait3A_41 : memref<80xi32, #tpu.memory_space<hbm>>) dst(%arg9 : memref<80xi32, #tpu.memory_space<vmem>>)
    %dma_start3A_42 = arith.constant 0 : i32
    %dma_start3A_43 = arith.constant 0 : i32
    %dma_start3A_44 = tpu.memref_slice %arg2[%dma_start3A_42, %dma_start3A_43] : memref<10240x128xf32, #tpu.memory_space<hbm>> -> memref<10240x128xf32, #tpu.memory_space<hbm>>
    tpu.enqueue_indirect_dma source(%dma_start3A_44 : memref<10240x128xf32, #tpu.memory_space<hbm>>) target(%arg11 : memref<80x128xf32, #tpu.memory_space<vmem>>) offsets(%arg8 : memref<80xi32, #tpu.memory_space<vmem>>) semaphore(%arg17 : memref<!tpu.dma_semaphore, #tpu.memory_space<semaphore_mem>>)
    %dma_wait3A_45 = arith.constant 0 : i32
    %dma_wait3A_46 = arith.constant 0 : i32
    %dma_wait3A_47 = tpu.memref_slice %arg2[%dma_wait3A_45, %dma_wait3A_46] : memref<10240x128xf32, #tpu.memory_space<hbm>> -> memref<10240x128xf32, #tpu.memory_space<hbm>>
    tpu.wait_indirect_dma semaphore(%arg16 : memref<!tpu.dma_semaphore, #tpu.memory_space<semaphore_mem>>) src(%dma_wait3A_47 : memref<10240x128xf32, #tpu.memory_space<hbm>>) dst(%arg10 : memref<80x128xf32, #tpu.memory_space<vmem>>)
    "tpu.region"() ({
      %run_scoped3A = tpu.sem_alloc : memref<!tpu.dma_semaphore, #tpu.memory_space<semaphore_mem>>
      %dma_start3A_75 = arith.constant 0 : i32
      %dma_start3A_76 = arith.constant 0 : i32
      %dma_start3A_77 = tpu.memref_slice %arg13[%dma_start3A_75, %dma_start3A_76] : memref<10240x128xf32, #tpu.memory_space<vmem_shared>> -> memref<10240x128xf32, #tpu.memory_space<vmem_shared>>
      tpu.enqueue_indirect_dma source(%arg10 : memref<80x128xf32, #tpu.memory_space<vmem>>) target(%dma_start3A_77 : memref<10240x128xf32, #tpu.memory_space<vmem_shared>>) offsets(%arg7 : memref<80xi32, #tpu.memory_space<vmem>>) semaphore(%run_scoped3A : memref<!tpu.dma_semaphore, #tpu.memory_space<semaphore_mem>>) {add = true}
      %dma_wait3A_78 = arith.constant 0 : i32
      %dma_wait3A_79 = arith.constant 0 : i32
      %dma_wait3A_80 = tpu.memref_slice %arg13[%dma_wait3A_78, %dma_wait3A_79] : memref<10240x128xf32, #tpu.memory_space<vmem_shared>> -> memref<10240x128xf32, #tpu.memory_space<vmem_shared>>
      tpu.wait_indirect_dma semaphore(%run_scoped3A : memref<!tpu.dma_semaphore, #tpu.memory_space<semaphore_mem>>) src(%arg10 : memref<80x128xf32, #tpu.memory_space<vmem>>) dst(%dma_wait3A_80 : memref<10240x128xf32, #tpu.memory_space<vmem_shared>>)
      tpu.yield
    }) : () -> ()
    %add3A_48 = arith.constant 9920 : i32
    %add3A_49 = arith.addi %mul3A_2, %add3A_48 : i32
    %dma_start3A_50 = tpu.memref_slice %arg3[%add3A_49] : memref<320000xi32, #tpu.memory_space<hbm>> -> memref<80xi32, #tpu.memory_space<hbm>>
    %dma_start3A_51 = tpu.memref_slice %arg3[%add3A_49] : memref<320000xi32, #tpu.memory_space<hbm>> -> memref<80xi32, #tpu.memory_space<hbm>>
    tpu.enqueue_dma source(%dma_start3A_51 : memref<80xi32, #tpu.memory_space<hbm>>) target(%arg6 : memref<80xi32, #tpu.memory_space<vmem>>) target_semaphore(%arg14 : memref<!tpu.dma_semaphore, #tpu.memory_space<semaphore_mem>>)
    %dma_start3A_52 = tpu.memref_slice %arg4[%add3A_49] : memref<320000xi32, #tpu.memory_space<hbm>> -> memref<80xi32, #tpu.memory_space<hbm>>
    %dma_start3A_53 = tpu.memref_slice %arg4[%add3A_49] : memref<320000xi32, #tpu.memory_space<hbm>> -> memref<80xi32, #tpu.memory_space<hbm>>
    tpu.enqueue_dma source(%dma_start3A_53 : memref<80xi32, #tpu.memory_space<hbm>>) target(%arg7 : memref<80xi32, #tpu.memory_space<vmem>>) target_semaphore(%arg14 : memref<!tpu.dma_semaphore, #tpu.memory_space<semaphore_mem>>)
    %add3A_54 = arith.constant 9920 : i32
    %add3A_55 = arith.addi %mul3A_2, %add3A_54 : i32
    %dma_wait3A_56 = tpu.memref_slice %arg3[%add3A_55] : memref<320000xi32, #tpu.memory_space<hbm>> -> memref<80xi32, #tpu.memory_space<hbm>>
    %dma_wait3A_57 = tpu.memref_slice %arg3[%add3A_55] : memref<320000xi32, #tpu.memory_space<hbm>> -> memref<80xi32, #tpu.memory_space<hbm>>
    tpu.wait_dma2 semaphore(%arg14 : memref<!tpu.dma_semaphore, #tpu.memory_space<semaphore_mem>>) src(%dma_wait3A_57 : memref<80xi32, #tpu.memory_space<hbm>>) dst(%arg6 : memref<80xi32, #tpu.memory_space<vmem>>)
    %dma_wait3A_58 = tpu.memref_slice %arg4[%add3A_55] : memref<320000xi32, #tpu.memory_space<hbm>> -> memref<80xi32, #tpu.memory_space<hbm>>
    %dma_wait3A_59 = tpu.memref_slice %arg4[%add3A_55] : memref<320000xi32, #tpu.memory_space<hbm>> -> memref<80xi32, #tpu.memory_space<hbm>>
    tpu.wait_dma2 semaphore(%arg14 : memref<!tpu.dma_semaphore, #tpu.memory_space<semaphore_mem>>) src(%dma_wait3A_59 : memref<80xi32, #tpu.memory_space<hbm>>) dst(%arg7 : memref<80xi32, #tpu.memory_space<vmem>>)
    %dma_start3A_60 = arith.constant 0 : i32
    %dma_start3A_61 = arith.constant 0 : i32
    %dma_start3A_62 = tpu.memref_slice %arg2[%dma_start3A_60, %dma_start3A_61] : memref<10240x128xf32, #tpu.memory_space<hbm>> -> memref<10240x128xf32, #tpu.memory_space<hbm>>
    tpu.enqueue_indirect_dma source(%dma_start3A_62 : memref<10240x128xf32, #tpu.memory_space<hbm>>) target(%arg10 : memref<80x128xf32, #tpu.memory_space<vmem>>) offsets(%arg6 : memref<80xi32, #tpu.memory_space<vmem>>) semaphore(%arg16 : memref<!tpu.dma_semaphore, #tpu.memory_space<semaphore_mem>>)
    %dma_wait3A_63 = arith.constant 0 : i32
    %dma_wait3A_64 = arith.constant 0 : i32
    %dma_wait3A_65 = tpu.memref_slice %arg2[%dma_wait3A_63, %dma_wait3A_64] : memref<10240x128xf32, #tpu.memory_space<hbm>> -> memref<10240x128xf32, #tpu.memory_space<hbm>>
    tpu.wait_indirect_dma semaphore(%arg17 : memref<!tpu.dma_semaphore, #tpu.memory_space<semaphore_mem>>) src(%dma_wait3A_65 : memref<10240x128xf32, #tpu.memory_space<hbm>>) dst(%arg11 : memref<80x128xf32, #tpu.memory_space<vmem>>)
    "tpu.region"() ({
      %run_scoped3A = tpu.sem_alloc : memref<!tpu.dma_semaphore, #tpu.memory_space<semaphore_mem>>
      %dma_start3A_75 = arith.constant 0 : i32
      %dma_start3A_76 = arith.constant 0 : i32
      %dma_start3A_77 = tpu.memref_slice %arg13[%dma_start3A_75, %dma_start3A_76] : memref<10240x128xf32, #tpu.memory_space<vmem_shared>> -> memref<10240x128xf32, #tpu.memory_space<vmem_shared>>
      tpu.enqueue_indirect_dma source(%arg11 : memref<80x128xf32, #tpu.memory_space<vmem>>) target(%dma_start3A_77 : memref<10240x128xf32, #tpu.memory_space<vmem_shared>>) offsets(%arg9 : memref<80xi32, #tpu.memory_space<vmem>>) semaphore(%run_scoped3A : memref<!tpu.dma_semaphore, #tpu.memory_space<semaphore_mem>>) {add = true}
      %dma_wait3A_78 = arith.constant 0 : i32
      %dma_wait3A_79 = arith.constant 0 : i32
      %dma_wait3A_80 = tpu.memref_slice %arg13[%dma_wait3A_78, %dma_wait3A_79] : memref<10240x128xf32, #tpu.memory_space<vmem_shared>> -> memref<10240x128xf32, #tpu.memory_space<vmem_shared>>
      tpu.wait_indirect_dma semaphore(%run_scoped3A : memref<!tpu.dma_semaphore, #tpu.memory_space<semaphore_mem>>) src(%arg11 : memref<80x128xf32, #tpu.memory_space<vmem>>) dst(%dma_wait3A_80 : memref<10240x128xf32, #tpu.memory_space<vmem_shared>>)
      tpu.yield
    }) : () -> ()
    %dma_wait3A_66 = arith.constant 0 : i32
    %dma_wait3A_67 = arith.constant 0 : i32
    %dma_wait3A_68 = tpu.memref_slice %arg2[%dma_wait3A_66, %dma_wait3A_67] : memref<10240x128xf32, #tpu.memory_space<hbm>> -> memref<10240x128xf32, #tpu.memory_space<hbm>>
    tpu.wait_indirect_dma semaphore(%arg16 : memref<!tpu.dma_semaphore, #tpu.memory_space<semaphore_mem>>) src(%dma_wait3A_68 : memref<10240x128xf32, #tpu.memory_space<hbm>>) dst(%arg10 : memref<80x128xf32, #tpu.memory_space<vmem>>)
    "tpu.region"() ({
      %run_scoped3A = tpu.sem_alloc : memref<!tpu.dma_semaphore, #tpu.memory_space<semaphore_mem>>
      %dma_start3A_75 = arith.constant 0 : i32
      %dma_start3A_76 = arith.constant 0 : i32
      %dma_start3A_77 = tpu.memref_slice %arg13[%dma_start3A_75, %dma_start3A_76] : memref<10240x128xf32, #tpu.memory_space<vmem_shared>> -> memref<10240x128xf32, #tpu.memory_space<vmem_shared>>
      tpu.enqueue_indirect_dma source(%arg10 : memref<80x128xf32, #tpu.memory_space<vmem>>) target(%dma_start3A_77 : memref<10240x128xf32, #tpu.memory_space<vmem_shared>>) offsets(%arg7 : memref<80xi32, #tpu.memory_space<vmem>>) semaphore(%run_scoped3A : memref<!tpu.dma_semaphore, #tpu.memory_space<semaphore_mem>>) {add = true}
      %dma_wait3A_78 = arith.constant 0 : i32
      %dma_wait3A_79 = arith.constant 0 : i32
      %dma_wait3A_80 = tpu.memref_slice %arg13[%dma_wait3A_78, %dma_wait3A_79] : memref<10240x128xf32, #tpu.memory_space<vmem_shared>> -> memref<10240x128xf32, #tpu.memory_space<vmem_shared>>
      tpu.wait_indirect_dma semaphore(%run_scoped3A : memref<!tpu.dma_semaphore, #tpu.memory_space<semaphore_mem>>) src(%arg10 : memref<80x128xf32, #tpu.memory_space<vmem>>) dst(%dma_wait3A_80 : memref<10240x128xf32, #tpu.memory_space<vmem_shared>>)
      tpu.yield
    }) : () -> ()
    %barrier3A_69 = arith.constant 0 : index
    tpu.barrier barrier_id(%barrier3A_69)
    %scan3A_70 = arith.constant 0 : i32
    %scan3A_71 = arith.constant 5 : i32
    %scan3A_72 = arith.addi %scan3A_70, %scan3A_71 : i32
    %scan3A_73 = arith.constant 1 : i32
    scf.for %scan3A_75 = %scan3A_70 to %scan3A_72 step %scan3A_73  : i32 {
      %mul3A_76 = arith.constant 1 : i32
      %mul3A_77 = arith.muli %scan3A_75, %mul3A_76 : i32
      %add3A_78 = arith.constant 0 : i32
      %add3A_79 = arith.addi %add3A_78, %mul3A_77 : i32
      %mul3A_80 = arith.constant 640 : i32
      %mul3A_81 = arith.muli %arg1, %mul3A_80 : i32
      %mul3A_82 = arith.constant 128 : i32
      %mul3A_83 = arith.muli %add3A_79, %mul3A_82 : i32
      %add3A_84 = arith.addi %mul3A_81, %mul3A_83 : i32
      "tpu.region"() ({
        %run_scoped3A = tpu.sem_alloc : memref<!tpu.dma_semaphore, #tpu.memory_space<semaphore_mem>>
        %dma_start3A_85 = arith.constant 0 : i32
        %dma_start3A_86 = tpu.memref_slice %arg5[%arg0, %add3A_84, %dma_start3A_85] : memref<2x10240x128xf32, #tpu.memory_space<hbm>> -> memref<1x128x128xf32, #tpu.memory_space<hbm>>
        %dma_start3A_87 = tpu.memref_squeeze %dma_start3A_86 : memref<1x128x128xf32, #tpu.memory_space<hbm>> -> memref<128x128xf32, #tpu.memory_space<hbm>>
        %dma_start3A_88 = arith.constant 0 : i32
        %dma_start3A_89 = tpu.memref_slice %arg13[%add3A_84, %dma_start3A_88] : memref<10240x128xf32, #tpu.memory_space<vmem_shared>> -> memref<128x128xf32, #tpu.memory_space<vmem_shared>>
        tpu.enqueue_dma source(%dma_start3A_89 : memref<128x128xf32, #tpu.memory_space<vmem_shared>>) target(%dma_start3A_87 : memref<128x128xf32, #tpu.memory_space<hbm>>) target_semaphore(%run_scoped3A : memref<!tpu.dma_semaphore, #tpu.memory_space<semaphore_mem>>)
        %dma_wait3A_90 = arith.constant 0 : i32
        %dma_wait3A_91 = tpu.memref_slice %arg5[%arg0, %add3A_84, %dma_wait3A_90] : memref<2x10240x128xf32, #tpu.memory_space<hbm>> -> memref<1x128x128xf32, #tpu.memory_space<hbm>>
        %dma_wait3A_92 = tpu.memref_squeeze %dma_wait3A_91 : memref<1x128x128xf32, #tpu.memory_space<hbm>> -> memref<128x128xf32, #tpu.memory_space<hbm>>
        %dma_wait3A_93 = arith.constant 0 : i32
        %dma_wait3A_94 = tpu.memref_slice %arg13[%add3A_84, %dma_wait3A_93] : memref<10240x128xf32, #tpu.memory_space<vmem_shared>> -> memref<128x128xf32, #tpu.memory_space<vmem_shared>>
        tpu.wait_dma2 semaphore(%run_scoped3A : memref<!tpu.dma_semaphore, #tpu.memory_space<semaphore_mem>>) src(%dma_wait3A_94 : memref<128x128xf32, #tpu.memory_space<vmem_shared>>) dst(%dma_wait3A_92 : memref<128x128xf32, #tpu.memory_space<hbm>>)
        tpu.yield
      }) : () -> ()
    }
    %scan3A_74 = arith.constant 5 : i32
    return
  }
}

module attributes {stable_mosaic.version = 14 : i64} {
  func.func @_mid_layer(%arg0: i32, %arg1: memref<2x512x16xf32, #tpu.memory_space<vmem>>, %arg2: memref<2x512x128xf32, #tpu.memory_space<vmem>>, %arg3: memref<512x128xf32, #tpu.memory_space<vmem>>, %arg4: memref<1x128xf32, #tpu.memory_space<vmem>>, %arg5: memref<128x128xf32, #tpu.memory_space<vmem>>, %arg6: memref<512x128xf32, #tpu.memory_space<vmem>>) attributes {dimension_semantics = [#tpu.dimension_semantics<arbitrary>], iteration_bounds = array<i64: 20>, scalar_prefetch = 0 : i64, scratch_operands = 0 : i64, tpu.core_type = #tpu.core_type<tc>, window_params = [{transform_indices = @transform_0, window_bounds = array<i64: 2, 512, 16>}, {transform_indices = @transform_1, window_bounds = array<i64: 2, 512, 128>}, {transform_indices = @transform_2, window_bounds = array<i64: 512, 128>}, {pipeline_mode = #tpu.pipeline_mode<synchronous>, transform_indices = @transform_3, window_bounds = array<i64: 1, 128>}, {pipeline_mode = #tpu.pipeline_mode<synchronous>, transform_indices = @transform_4, window_bounds = array<i64: 128, 128>}, {transform_indices = @transform_5, window_bounds = array<i64: 512, 128>}]} {
    %get3A = arith.constant 0 : index
    %get3A_0 = arith.constant 0 : index
    %get3A_1 = arith.constant 0 : index
    %get3A_2 = vector.load %arg1[%get3A, %get3A_0, %get3A_1] : memref<2x512x16xf32, #tpu.memory_space<vmem>>, vector<2x512x16xf32>
    %slice3A = vector.extract_strided_slice %get3A_2 {offsets = [0, 0, 0], sizes = [1, 512, 1], strides = [1, 1, 1]} : vector<2x512x16xf32> to vector<1x512x1xf32>
    %squeeze3A = vector.shape_cast %slice3A : vector<1x512x1xf32> to vector<512xf32>
    %slice3A_3 = vector.extract_strided_slice %get3A_2 {offsets = [1, 0, 0], sizes = [1, 512, 1], strides = [1, 1, 1]} : vector<2x512x16xf32> to vector<1x512x1xf32>
    %squeeze3A_4 = vector.shape_cast %slice3A_3 : vector<1x512x1xf32> to vector<512xf32>
    %add3A = arith.addf %squeeze3A, %squeeze3A_4 : vector<512xf32>
    %add3A_5 = arith.constant 1.000000e+00 : f32
    %add3A_6 = vector.broadcast %add3A_5 : f32 to vector<512xf32>
    %add3A_7 = arith.addf %add3A, %add3A_6 : vector<512xf32>
    %rsqrt3A = math.rsqrt %add3A_7 : vector<512xf32>
    %get3A_8 = arith.constant 0 : index
    %get3A_9 = arith.constant 0 : index
    %get3A_10 = arith.constant 0 : index
    %get3A_11 = vector.load %arg2[%get3A_8, %get3A_9, %get3A_10] : memref<2x512x128xf32, #tpu.memory_space<vmem>>, vector<1x512x128xf32>
    %get3A_12 = vector.shape_cast %get3A_11 : vector<1x512x128xf32> to vector<512x128xf32>
    %get3A_13 = arith.constant 1 : index
    %get3A_14 = arith.constant 0 : index
    %get3A_15 = arith.constant 0 : index
    %get3A_16 = vector.load %arg2[%get3A_13, %get3A_14, %get3A_15] : memref<2x512x128xf32, #tpu.memory_space<vmem>>, vector<1x512x128xf32>
    %get3A_17 = vector.shape_cast %get3A_16 : vector<1x512x128xf32> to vector<512x128xf32>
    %add3A_18 = arith.addf %get3A_12, %get3A_17 : vector<512x128xf32>
    %get3A_19 = arith.constant 0 : index
    %get3A_20 = arith.constant 0 : index
    %get3A_21 = vector.load %arg3[%get3A_19, %get3A_20] : memref<512x128xf32, #tpu.memory_space<vmem>>, vector<512x128xf32>
    %add3A_22 = arith.addf %add3A_18, %get3A_21 : vector<512x128xf32>
    %broadcast_in_dim3A = vector.shape_cast %rsqrt3A : vector<512xf32> to vector<512x1xf32>
    %mul3A = vector.broadcast %broadcast_in_dim3A : vector<512x1xf32> to vector<512x128xf32>
    %mul3A_23 = arith.mulf %add3A_22, %mul3A : vector<512x128xf32>
    %get3A_24 = arith.constant 0 : index
    %get3A_25 = arith.constant 0 : index
    %get3A_26 = vector.load %arg4[%get3A_24, %get3A_25] : memref<1x128xf32, #tpu.memory_space<vmem>>, vector<1x128xf32>
    %add3A_27 = vector.broadcast %get3A_26 : vector<1x128xf32> to vector<512x128xf32>
    %add3A_28 = arith.addf %mul3A_23, %add3A_27 : vector<512x128xf32>
    %tanh3A = math.tanh %add3A_28 : vector<512x128xf32>
    %get3A_29 = arith.constant 0 : index
    %get3A_30 = arith.constant 0 : index
    %get3A_31 = vector.load %arg5[%get3A_29, %get3A_30] : memref<128x128xf32, #tpu.memory_space<vmem>>, vector<128x128xf32>
    %dot_general3A = arith.constant dense<0.000000e+00> : vector<512x128xf32>
    %dot_general3A_32 = tpu.matmul %tanh3A, %get3A_31, %dot_general3A {dimension_numbers = #tpu.dot_dimension_numbers<[1], [0], [0], [1], [0, 0, 1, 1], [], []>, transpose_lhs_hint = false} : vector<512x128xf32>, vector<128x128xf32>, vector<512x128xf32> -> vector<512x128xf32>
    %broadcast_in_dim3A_33 = vector.shape_cast %rsqrt3A : vector<512xf32> to vector<512x1xf32>
    %mul3A_34 = vector.broadcast %broadcast_in_dim3A_33 : vector<512x1xf32> to vector<512x128xf32>
    %mul3A_35 = arith.mulf %dot_general3A_32, %mul3A_34 : vector<512x128xf32>
    %swap3A = arith.constant 0 : index
    %swap3A_36 = arith.constant 0 : index
    %swap3A_37 = vector.load %arg6[%swap3A, %swap3A_36] : memref<512x128xf32, #tpu.memory_space<vmem>>, vector<512x128xf32>
    tpu.vector_store %arg6[%swap3A, %swap3A_36], %mul3A_35 {strides = array<i32>} : memref<512x128xf32, #tpu.memory_space<vmem>>, vector<512x128xf32>,
    return
  }
  func.func @transform_0(%arg0: i32) -> (i32, i32, i32) {
    %c0_i32 = arith.constant 0 : i32
    %c0_i32_0 = arith.constant 0 : i32
    %c0_i32_1 = arith.constant 0 : i32
    return %c0_i32, %arg0, %c0_i32_0 : i32, i32, i32
  }
  func.func @transform_1(%arg0: i32) -> (i32, i32, i32) {
    %c0_i32 = arith.constant 0 : i32
    %c0_i32_0 = arith.constant 0 : i32
    %c0_i32_1 = arith.constant 0 : i32
    return %c0_i32, %arg0, %c0_i32_0 : i32, i32, i32
  }
  func.func @transform_2(%arg0: i32) -> (i32, i32) {
    %c0_i32 = arith.constant 0 : i32
    %c0_i32_0 = arith.constant 0 : i32
    return %arg0, %c0_i32 : i32, i32
  }
  func.func @transform_3(%arg0: i32) -> (i32, i32) {
    %c0_i32 = arith.constant 0 : i32
    %c0_i32_0 = arith.constant 0 : i32
    %c0_i32_1 = arith.constant 0 : i32
    return %c0_i32, %c0_i32_0 : i32, i32
  }
  func.func @transform_4(%arg0: i32) -> (i32, i32) {
    %c0_i32 = arith.constant 0 : i32
    %c0_i32_0 = arith.constant 0 : i32
    %c0_i32_1 = arith.constant 0 : i32
    return %c0_i32, %c0_i32_0 : i32, i32
  }
  func.func @transform_5(%arg0: i32) -> (i32, i32) {
    %c0_i32 = arith.constant 0 : i32
    %c0_i32_0 = arith.constant 0 : i32
    return %arg0, %c0_i32 : i32, i32
  }
}

module attributes {stable_mosaic.version = 14 : i64} {
  func.func @_first_layer_pre(%arg0: i32, %arg1: memref<2x512x16xf32, #tpu.memory_space<vmem>>, %arg2: memref<512x128xf32, #tpu.memory_space<vmem>>, %arg3: memref<128x128xf32, #tpu.memory_space<vmem>>, %arg4: memref<512x128xf32, #tpu.memory_space<vmem>>) attributes {dimension_semantics = [#tpu.dimension_semantics<arbitrary>], iteration_bounds = array<i64: 20>, scalar_prefetch = 0 : i64, scratch_operands = 0 : i64, tpu.core_type = #tpu.core_type<tc>, window_params = [{transform_indices = @transform_0, window_bounds = array<i64: 2, 512, 16>}, {transform_indices = @transform_1, window_bounds = array<i64: 512, 128>}, {pipeline_mode = #tpu.pipeline_mode<synchronous>, transform_indices = @transform_2, window_bounds = array<i64: 128, 128>}, {transform_indices = @transform_3, window_bounds = array<i64: 512, 128>}]} {
    %get3A = arith.constant 0 : index
    %get3A_0 = arith.constant 0 : index
    %get3A_1 = arith.constant 0 : index
    %get3A_2 = vector.load %arg1[%get3A, %get3A_0, %get3A_1] : memref<2x512x16xf32, #tpu.memory_space<vmem>>, vector<2x512x16xf32>
    %slice3A = vector.extract_strided_slice %get3A_2 {offsets = [0, 0, 0], sizes = [1, 512, 1], strides = [1, 1, 1]} : vector<2x512x16xf32> to vector<1x512x1xf32>
    %squeeze3A = vector.shape_cast %slice3A : vector<1x512x1xf32> to vector<512xf32>
    %slice3A_3 = vector.extract_strided_slice %get3A_2 {offsets = [1, 0, 0], sizes = [1, 512, 1], strides = [1, 1, 1]} : vector<2x512x16xf32> to vector<1x512x1xf32>
    %squeeze3A_4 = vector.shape_cast %slice3A_3 : vector<1x512x1xf32> to vector<512xf32>
    %add3A = arith.addf %squeeze3A, %squeeze3A_4 : vector<512xf32>
    %add3A_5 = arith.constant 1.000000e+00 : f32
    %add3A_6 = vector.broadcast %add3A_5 : f32 to vector<512xf32>
    %add3A_7 = arith.addf %add3A, %add3A_6 : vector<512xf32>
    %rsqrt3A = math.rsqrt %add3A_7 : vector<512xf32>
    %get3A_8 = arith.constant 0 : index
    %get3A_9 = arith.constant 0 : index
    %get3A_10 = vector.load %arg2[%get3A_8, %get3A_9] : memref<512x128xf32, #tpu.memory_space<vmem>>, vector<512x128xf32>
    %get3A_11 = arith.constant 0 : index
    %get3A_12 = arith.constant 0 : index
    %get3A_13 = vector.load %arg3[%get3A_11, %get3A_12] : memref<128x128xf32, #tpu.memory_space<vmem>>, vector<128x128xf32>
    %dot_general3A = arith.constant dense<0.000000e+00> : vector<512x128xf32>
    %dot_general3A_14 = tpu.matmul %get3A_10, %get3A_13, %dot_general3A {dimension_numbers = #tpu.dot_dimension_numbers<[1], [0], [0], [1], [0, 0, 1, 1], [], []>, transpose_lhs_hint = false} : vector<512x128xf32>, vector<128x128xf32>, vector<512x128xf32> -> vector<512x128xf32>
    %broadcast_in_dim3A = vector.shape_cast %rsqrt3A : vector<512xf32> to vector<512x1xf32>
    %mul3A = vector.broadcast %broadcast_in_dim3A : vector<512x1xf32> to vector<512x128xf32>
    %mul3A_15 = arith.mulf %dot_general3A_14, %mul3A : vector<512x128xf32>
    %swap3A = arith.constant 0 : index
    %swap3A_16 = arith.constant 0 : index
    %swap3A_17 = vector.load %arg4[%swap3A, %swap3A_16] : memref<512x128xf32, #tpu.memory_space<vmem>>, vector<512x128xf32>
    tpu.vector_store %arg4[%swap3A, %swap3A_16], %mul3A_15 {strides = array<i32>} : memref<512x128xf32, #tpu.memory_space<vmem>>, vector<512x128xf32>,
    return
  }
  func.func @transform_0(%arg0: i32) -> (i32, i32, i32) {
    %c0_i32 = arith.constant 0 : i32
    %c0_i32_0 = arith.constant 0 : i32
    %c0_i32_1 = arith.constant 0 : i32
    return %c0_i32, %arg0, %c0_i32_0 : i32, i32, i32
  }
  func.func @transform_1(%arg0: i32) -> (i32, i32) {
    %c0_i32 = arith.constant 0 : i32
    %c0_i32_0 = arith.constant 0 : i32
    return %arg0, %c0_i32 : i32, i32
  }
  func.func @transform_2(%arg0: i32) -> (i32, i32) {
    %c0_i32 = arith.constant 0 : i32
    %c0_i32_0 = arith.constant 0 : i32
    %c0_i32_1 = arith.constant 0 : i32
    return %c0_i32, %c0_i32_0 : i32, i32
  }
  func.func @transform_3(%arg0: i32) -> (i32, i32) {
    %c0_i32 = arith.constant 0 : i32
    %c0_i32_0 = arith.constant 0 : i32
    return %arg0, %c0_i32 : i32, i32
  }
}

module attributes {stable_mosaic.version = 14 : i64} {
  func.func @_final_layer(%arg0: i32, %arg1: memref<2x512x16xf32, #tpu.memory_space<vmem>>, %arg2: memref<2x512x128xf32, #tpu.memory_space<vmem>>, %arg3: memref<512x128xf32, #tpu.memory_space<vmem>>, %arg4: memref<1x128xf32, #tpu.memory_space<vmem>>, %arg5: memref<128x128xf32, #tpu.memory_space<vmem>>, %arg6: memref<1x128xf32, #tpu.memory_space<vmem>>, %arg7: memref<512x128xf32, #tpu.memory_space<vmem>>) attributes {dimension_semantics = [#tpu.dimension_semantics<arbitrary>], iteration_bounds = array<i64: 20>, scalar_prefetch = 0 : i64, scratch_operands = 0 : i64, tpu.core_type = #tpu.core_type<tc>, window_params = [{transform_indices = @transform_0, window_bounds = array<i64: 2, 512, 16>}, {transform_indices = @transform_1, window_bounds = array<i64: 2, 512, 128>}, {transform_indices = @transform_2, window_bounds = array<i64: 512, 128>}, {pipeline_mode = #tpu.pipeline_mode<synchronous>, transform_indices = @transform_3, window_bounds = array<i64: 1, 128>}, {pipeline_mode = #tpu.pipeline_mode<synchronous>, transform_indices = @transform_4, window_bounds = array<i64: 128, 128>}, {pipeline_mode = #tpu.pipeline_mode<synchronous>, transform_indices = @transform_5, window_bounds = array<i64: 1, 128>}, {transform_indices = @transform_6, window_bounds = array<i64: 512, 128>}]} {
    %get3A = arith.constant 0 : index
    %get3A_0 = arith.constant 0 : index
    %get3A_1 = arith.constant 0 : index
    %get3A_2 = vector.load %arg1[%get3A, %get3A_0, %get3A_1] : memref<2x512x16xf32, #tpu.memory_space<vmem>>, vector<2x512x16xf32>
    %slice3A = vector.extract_strided_slice %get3A_2 {offsets = [0, 0, 0], sizes = [1, 512, 1], strides = [1, 1, 1]} : vector<2x512x16xf32> to vector<1x512x1xf32>
    %squeeze3A = vector.shape_cast %slice3A : vector<1x512x1xf32> to vector<512xf32>
    %slice3A_3 = vector.extract_strided_slice %get3A_2 {offsets = [1, 0, 0], sizes = [1, 512, 1], strides = [1, 1, 1]} : vector<2x512x16xf32> to vector<1x512x1xf32>
    %squeeze3A_4 = vector.shape_cast %slice3A_3 : vector<1x512x1xf32> to vector<512xf32>
    %add3A = arith.addf %squeeze3A, %squeeze3A_4 : vector<512xf32>
    %add3A_5 = arith.constant 1.000000e+00 : f32
    %add3A_6 = vector.broadcast %add3A_5 : f32 to vector<512xf32>
    %add3A_7 = arith.addf %add3A, %add3A_6 : vector<512xf32>
    %rsqrt3A = math.rsqrt %add3A_7 : vector<512xf32>
    %get3A_8 = arith.constant 0 : index
    %get3A_9 = arith.constant 0 : index
    %get3A_10 = arith.constant 0 : index
    %get3A_11 = vector.load %arg2[%get3A_8, %get3A_9, %get3A_10] : memref<2x512x128xf32, #tpu.memory_space<vmem>>, vector<1x512x128xf32>
    %get3A_12 = vector.shape_cast %get3A_11 : vector<1x512x128xf32> to vector<512x128xf32>
    %get3A_13 = arith.constant 1 : index
    %get3A_14 = arith.constant 0 : index
    %get3A_15 = arith.constant 0 : index
    %get3A_16 = vector.load %arg2[%get3A_13, %get3A_14, %get3A_15] : memref<2x512x128xf32, #tpu.memory_space<vmem>>, vector<1x512x128xf32>
    %get3A_17 = vector.shape_cast %get3A_16 : vector<1x512x128xf32> to vector<512x128xf32>
    %add3A_18 = arith.addf %get3A_12, %get3A_17 : vector<512x128xf32>
    %get3A_19 = arith.constant 0 : index
    %get3A_20 = arith.constant 0 : index
    %get3A_21 = vector.load %arg3[%get3A_19, %get3A_20] : memref<512x128xf32, #tpu.memory_space<vmem>>, vector<512x128xf32>
    %add3A_22 = arith.addf %add3A_18, %get3A_21 : vector<512x128xf32>
    %broadcast_in_dim3A = vector.shape_cast %rsqrt3A : vector<512xf32> to vector<512x1xf32>
    %mul3A = vector.broadcast %broadcast_in_dim3A : vector<512x1xf32> to vector<512x128xf32>
    %mul3A_23 = arith.mulf %add3A_22, %mul3A : vector<512x128xf32>
    %get3A_24 = arith.constant 0 : index
    %get3A_25 = arith.constant 0 : index
    %get3A_26 = vector.load %arg4[%get3A_24, %get3A_25] : memref<1x128xf32, #tpu.memory_space<vmem>>, vector<1x128xf32>
    %add3A_27 = vector.broadcast %get3A_26 : vector<1x128xf32> to vector<512x128xf32>
    %add3A_28 = arith.addf %mul3A_23, %add3A_27 : vector<512x128xf32>
    %tanh3A = math.tanh %add3A_28 : vector<512x128xf32>
    %get3A_29 = arith.constant 0 : index
    %get3A_30 = arith.constant 0 : index
    %get3A_31 = vector.load %arg5[%get3A_29, %get3A_30] : memref<128x128xf32, #tpu.memory_space<vmem>>, vector<128x128xf32>
    %dot_general3A = arith.constant dense<0.000000e+00> : vector<512x128xf32>
    %dot_general3A_32 = tpu.matmul %tanh3A, %get3A_31, %dot_general3A {dimension_numbers = #tpu.dot_dimension_numbers<[1], [0], [0], [1], [0, 0, 1, 1], [], []>, transpose_lhs_hint = false} : vector<512x128xf32>, vector<128x128xf32>, vector<512x128xf32> -> vector<512x128xf32>
    %get3A_33 = arith.constant 0 : index
    %get3A_34 = arith.constant 0 : index
    %get3A_35 = vector.load %arg6[%get3A_33, %get3A_34] : memref<1x128xf32, #tpu.memory_space<vmem>>, vector<1x128xf32>
    %add3A_36 = vector.broadcast %get3A_35 : vector<1x128xf32> to vector<512x128xf32>
    %add3A_37 = arith.addf %dot_general3A_32, %add3A_36 : vector<512x128xf32>
    %swap3A = arith.constant 0 : index
    %swap3A_38 = arith.constant 0 : index
    %swap3A_39 = vector.load %arg7[%swap3A, %swap3A_38] : memref<512x128xf32, #tpu.memory_space<vmem>>, vector<512x128xf32>
    tpu.vector_store %arg7[%swap3A, %swap3A_38], %add3A_37 {strides = array<i32>} : memref<512x128xf32, #tpu.memory_space<vmem>>, vector<512x128xf32>,
    return
  }
  func.func @transform_0(%arg0: i32) -> (i32, i32, i32) {
    %c0_i32 = arith.constant 0 : i32
    %c0_i32_0 = arith.constant 0 : i32
    %c0_i32_1 = arith.constant 0 : i32
    return %c0_i32, %arg0, %c0_i32_0 : i32, i32, i32
  }
  func.func @transform_1(%arg0: i32) -> (i32, i32, i32) {
    %c0_i32 = arith.constant 0 : i32
    %c0_i32_0 = arith.constant 0 : i32
    %c0_i32_1 = arith.constant 0 : i32
    return %c0_i32, %arg0, %c0_i32_0 : i32, i32, i32
  }
  func.func @transform_2(%arg0: i32) -> (i32, i32) {
    %c0_i32 = arith.constant 0 : i32
    %c0_i32_0 = arith.constant 0 : i32
    return %arg0, %c0_i32 : i32, i32
  }
  func.func @transform_3(%arg0: i32) -> (i32, i32) {
    %c0_i32 = arith.constant 0 : i32
    %c0_i32_0 = arith.constant 0 : i32
    %c0_i32_1 = arith.constant 0 : i32
    return %c0_i32, %c0_i32_0 : i32, i32
  }
  func.func @transform_4(%arg0: i32) -> (i32, i32) {
    %c0_i32 = arith.constant 0 : i32
    %c0_i32_0 = arith.constant 0 : i32
    %c0_i32_1 = arith.constant 0 : i32
    return %c0_i32, %c0_i32_0 : i32, i32
  }
  func.func @transform_5(%arg0: i32) -> (i32, i32) {
    %c0_i32 = arith.constant 0 : i32
    %c0_i32_0 = arith.constant 0 : i32
    %c0_i32_1 = arith.constant 0 : i32
    return %c0_i32, %c0_i32_0 : i32, i32
  }
  func.func @transform_6(%arg0: i32) -> (i32, i32) {
    %c0_i32 = arith.constant 0 : i32
    %c0_i32_0 = arith.constant 0 : i32
    return %arg0, %c0_i32 : i32, i32
  }
}

</mosaic_0001>

<sc_bundles>
// kernel: kernel.10.cloned.1.call-start
scs
__scs_entry_jumppad:
0x0: {  	(pc) =	sbr.rel $0x88, $3  }
0x1: {  	(tag) =	ssettag $0x0;
	lr =	simm.s32 $0x1  }
0x2: {  	[smem:$0x3F97] =	sst lr;
	_ =	strace $0xD0000000  }
0x3: {  	_ = 	snop  }
0x4: {  	_ = 	snop  }
0x5: {  	_ = 	snop  }
0x6: {  	_ = 	snop  }
0x7: {  	_ = 	snop  }
__scs_overlays_trampoline_lowered:
0x8: {  	[smem:$0x3FA6] =	sst s0  }
0x9: {  	[smem:$0x3FA7] =	sst s1  }
0xa: {  	[smem:$0x3FA8] =	sst s2  }
0xb: {  	[smem:$0x3FA9] =	sst s3  }
0xc: {  	[smem:$0x3FAA] =	sst s4  }
0xd: {  	[smem:$0x3FAB] =	sst s5  }
0xe: {  	[smem:$0x3FAC] =	sst s6  }
0xf: {  	[smem:$0x3FAD] =	sst s7  }
0x10: {  	[smem:$0x3FAE] =	sst s8  }
0x11: {  	[smem:$0x3FAF] =	sst s9;
	s0 =	simm.s32 @!p0 $0x0  }
0x12: {  	s1 =	sld [smem:$0x3F95];
	s0 =	simm.s32 @p0 $0x1  }
0x13: {  	[smem:$0x3FB0] =	sst s0;
	s0 =	simm.s32 @!p1 $0x0  }
0x14: {  	s2 =	sld [smem:$0x3F94];
	s0 =	simm.s32 @p1 $0x1  }
0x15: {  	[smem:$0x3FB1] =	sst s0;
	s0 =	simm.s32 @!p2 $0x0  }
0x16: {  	s3 =	sld [smem:$0x3FDB];
	s0 =	simm.s32 @p2 $0x1  }
0x17: {  	s4 =	simm.s32 $0x1BF5;
	[smem:$0x3FB3] =	sst s0  }
0x18: {  	s0 =	sld [smem:$0x3F96];
	_ =	swait.ge [sflag:s4], $0x0  }
0x19: {  	s7 =	sld [smem:$0x3F97]  }
0x1a: {  	s8 =	sadd.s32 $0xFFFFE003, lr  }
0x1b: {  	s9 =	sadd.s32 $0xFFFFFEF7, lr;
	s5 =	simm.s32 $0xFFFFFFFF;
	p2 =	slt.u32 s8, $0xFFFFF086  }
0x1c: {  	p1 =	slt.u32 s9, $0xF7A;
	s5 =	simm.s32 @!p2 $0x0  }
0x1d: {  	s5 =	simm.s32 @p1 $0x1;
	p0 =	seq.s32 s7, s2  }
0x1e: {  	s7 =	smul.u32 @!p0 $0xF7A, s2;
	p2 =	seq.s32 @!p0 s5, $0x0  }
0x1f: {  	s9 =	smul.u32 $0xF7A, s1;
	s8 =	simm.s32 @!p0 $0x1BF5;
	p2 =	por !p2, p0  }
0x20: {  	[sflag:s8] =	ssyncset.s32 @!p0 $0xFFFFF086;
	s6 =	sadd.s32 @!p0 s3, s7;
	s7 =	simm.s32 @!p0 $0x108  }
0x21: {  	s3 =	sadd.s32 s3, s9;
	s6 =	sadd.s32 @!p0 $0x88, s6;
	s7 =	simm.s32 @p2 $0x1082  }
0x22: {  	[simem:s7], [sflag:s8] =	dma.local @!p0 [hbm:s6], $0xF7A  }
0x23: {  	s9 =	sor.u32 $0xD0000000, s2;
	s6 =	simm.s32 $0x108;
	_ =	swait.ge @!p0 [sflag:s8], $0x0  }
0x24: {  	s3 =	sadd.s32 $0x88, s3;
	s6 =	simm.s32 @!p1 $0x1082;
	[sflag:s4] =	ssyncset.s32 $0xFFFFF086  }
0x25: {  	[simem:s6], [sflag:s4] =	dma.local [hbm:s3], $0xF7A  }
0x26: {  	[smem:$0x3F97] =	sst s1;
	(tag) =	ssettag s2;
	_ =	strace s9  }
0x27: {  	s1 =	sld [smem:$0x3FA7]  }
0x28: {  	s2 =	sld [smem:$0x3FA8]  }
0x29: {  	s4 =	sld [smem:$0x3FAA]  }
0x2a: {  	p0 =	seq.s32 s5, $0x0;
	s5 =	sld [smem:$0x3FAB]  }
0x2b: {  	s6 =	sld [smem:$0x3FAC]  }
0x2c: {  	s7 =	sld [smem:$0x3FAD]  }
0x2d: {  	s3 =	simm.s32 $0x108;
	s8 =	sld [smem:$0x3FAE]  }
0x2e: {  	s3 =	simm.s32 @!p0 $0x1082;
	s9 =	sld [smem:$0x3FAF]  }
0x2f: {  	lr =	sadd.s32 s0, s3;
	s0 =	sld [smem:$0x3FA6]  }
0x30: {  	s3 =	sld [smem:$0x3FA9]  }
0x31: {  	[smem:$0x3FB2] =	sst s10  }
0x32: {  	s10 =	sld [smem:$0x3FB0];
	_ =	sdelay $0x3  }
0x33: {  	p0 =	seq.s32 s10, $0x1;
	s10 =	sld [smem:$0x3FB2];
	_ =	sdelay $0x3  }
0x34: {  	[smem:$0x3FB2] =	sst s10  }
0x35: {  	s10 =	sld [smem:$0x3FB1];
	_ =	sdelay $0x3  }
0x36: {  	p1 =	seq.s32 s10, $0x1;
	s10 =	sld [smem:$0x3FB2];
	_ =	sdelay $0x3  }
0x37: {  	[smem:$0x3FB2] =	sst s10  }
0x38: {  	s10 =	sld [smem:$0x3FB3]  }
0x39: {  	_ = 	snop;
	(pc) =	sbr.ind lr, $3  }
0x3a: {  	_ = 	snop  }
0x3b: {  	_ = 	snop  }
0x3c: {  	p2 =	seq.s32 s10, $0x1;
	s10 =	sld [smem:$0x3FB2]  }
0x3d: {  	_ =	shalt  }
0x3e: {  	_ =	shalt  }
0x3f: {  	_ =	shalt  }
0x40: {  	_ =	shalt  }
0x41: {  	_ =	shalt  }
0x42: {  	_ =	shalt  }
0x43: {  	_ =	shalt  }
0x44: {  	_ =	shalt  }
0x45: {  	_ =	shalt  }
0x46: {  	_ =	shalt  }
0x47: {  	_ =	shalt  }
0x48: {  	_ =	shalt  }
0x49: {  	_ =	shalt  }
0x4a: {  	_ =	shalt  }
0x4b: {  	_ =	shalt  }
0x4c: {  	_ =	shalt  }
0x4d: {  	_ =	shalt  }
0x4e: {  	_ =	shalt  }
0x4f: {  	_ =	shalt  }
0x50: {  	_ =	shalt  }
0x51: {  	_ =	shalt  }
0x52: {  	_ =	shalt  }
0x53: {  	_ =	shalt  }
0x54: {  	_ =	shalt  }
0x55: {  	_ =	shalt  }
0x56: {  	_ =	shalt  }
0x57: {  	_ =	shalt  }
0x58: {  	_ =	shalt  }
0x59: {  	_ =	shalt  }
0x5a: {  	_ =	shalt  }
0x5b: {  	_ =	shalt  }
0x5c: {  	_ =	shalt  }
0x5d: {  	_ =	shalt  }
0x5e: {  	_ =	shalt  }
0x5f: {  	_ =	shalt  }
0x60: {  	_ =	shalt  }
0x61: {  	_ =	shalt  }
0x62: {  	_ =	shalt  }
0x63: {  	_ =	shalt  }
0x64: {  	_ =	shalt  }
0x65: {  	_ =	shalt  }
0x66: {  	_ =	shalt  }
0x67: {  	_ =	shalt  }
0x68: {  	_ =	shalt  }
0x69: {  	_ =	shalt  }
0x6a: {  	_ =	shalt  }
0x6b: {  	_ =	shalt  }
0x6c: {  	_ =	shalt  }
0x6d: {  	_ =	shalt  }
0x6e: {  	_ =	shalt  }
0x6f: {  	_ =	shalt  }
0x70: {  	_ =	shalt  }
0x71: {  	_ =	shalt  }
0x72: {  	_ =	shalt  }
0x73: {  	_ =	shalt  }
0x74: {  	_ =	shalt  }
0x75: {  	_ =	shalt  }
0x76: {  	_ =	shalt  }
0x77: {  	_ =	shalt  }
0x78: {  	_ =	shalt  }
0x79: {  	_ =	shalt  }
0x7a: {  	_ =	shalt  }
0x7b: {  	_ =	shalt  }
0x7c: {  	_ =	shalt  }
0x7d: {  	_ =	shalt  }
0x7e: {  	_ =	shalt  }
0x7f: {  	_ =	shalt  }
0x80: {  	_ =	shalt  }
0x81: {  	_ =	shalt  }
0x82: {  	_ =	shalt  }
0x83: {  	_ =	shalt  }
0x84: {  	_ =	shalt  }
0x85: {  	_ =	shalt  }
0x86: {  	_ =	shalt  }
0x87: {  	_ =	shalt  }
.Lfunc_end0:
.L_simem_size_0:
called_computation_lowered:
.L_overlay_start_0:
0x88: {  	s2 =	sld [smem:$0x3FD9]  }
0x89: {  	s3 =	sld [smem:$0x3FFE];
	_ =	sdelay $0x1  }
0x8a: {  	s1 =	srdreg.scid  }
0x8b: {  	s0 =	sand.u32 $0x1, s1  }
0x8c: {  	s16 =	sshll.u32 s0, $0xA;
	s2 =	sadd.s32 s3, s2  }
0x8d: {  	s2 =	sadd.s32 s2, s16  }
0x8e: {  	[smem:$0x3FBE] =	sst s2  }
0x8f: {  	_ = 	snop  }
0x90: {  	(tm) =	ssettm $0x1  }
0x91: {  	s17 =	sld [smem:$0x3FFB];
	_ =	sdelay $0x3  }
0x92: {  	_ =	strace s17  }
0x93: {  	s2 =	sld [smem:$0x3FFC];
	_ =	sdelay $0x3  }
0x94: {  	_ =	strace s2  }
0x95: {  	s2 =	sld [smem:$0x3FFD];
	_ =	sdelay $0x3  }
0x96: {  	_ =	strace s2  }
0x97: {  	_ =	strace $0x8FFFFFFF  }
0x98: {  	s18 =	sld [smem:$0x3FDB];
	_ =	sdelay $0x1  }
0x99: {  	s19 =	simm.s32 $_scs_section_size  }
0x9a: {  	s4 =	simm.s32 $_size__tile_overlayer_lowered;
	s5 =	simm.s32 $_tile_overlayer_lowered  }
0x9b: {  	s22 =	simm.s32 $0x1BFF;
	s21 =	sshll.u32 s5, $0x1;
	s2 =	sadd.s32 s19, s18  }
0x9c: {  	s6 =	simm.s32 $0x0;
	s20 =	sshll.u32 s4, $0x1;
	s4 =	sadd.s32 s21, s2  }
0x9d: {  	[timem:s6], [sflag:s22] =	dma.local [hbm:s4], s20  }
0x9e: {  	_ =	swait.ge [sflag:s22], s20  }
0x9f: {  	s3 =	ssub.s32 $0x0, s20;
	[sflag:s22] =	ssyncset.done $0x0  }
0xa0: {  	[sflag:s22] =	ssyncadd.s32 s3;
	_ =	sdelay $0x1  }
0xa1: {  	s23 =	simm.s32 $0x1B8B  }
0xa2: {  	_ =	swait.ge [sflag:s23], $0x1  }
0xa3: {  	[sflag:s23] =	ssyncset.done $0x0  }
0xa4: {  	s25 =	simm.s32 $0x1B8E;
	s24 =	sld [smem:$0x3FFE];
	[sflag:s23] =	ssyncadd.s32 $0xFFFFFFFF  }
0xa5: {  	s26 =	simm.s32 $execute0_lowered;
	[smem:$0x3FD2] =	sst s25  }
0xa6: {  	s4 =	sshll.u32 s26, $0x1;
	_ =	strace $0x80000046;
	[dreg:$0x1] =	wrdreg $0xFFFFFFFF  }
0xa7: {  	s28 =	simm.s32 $_size_execute0_lowered;
	s2 =	sadd.s32 s2, s4;
	[dreg:$0x0] =	wrdreg $0x0  }
0xa8: {  	s4 =	sshll.u32 s28, $0x1;
	[dreg:$0x2] =	wrdreg s2  }
0xa9: {  	[dreg:$0x3] =	wrdreg s4  }
0xaa: {  	[dreg:$0x4] =	wrdreg $0xC0  }
0xab: {  	_ =	task [dreg:s6], $0x5FFFF  }
0xac: {  	[dreg:$0x1] =	wrdreg $0xFFFFFFFF  }
0xad: {  	[dreg:$0x0] =	wrdreg $0x60  }
0xae: {  	[dreg:$0x2] =	wrdreg s24  }
0xaf: {  	[dreg:$0x3] =	wrdreg $0x39000  }
0xb0: {  	[dreg:$0x4] =	wrdreg $0x9  }
0xb1: {  	_ =	task.clear_ibuf [dreg:s6], $0x5FFFF;
	_ =	strace $0x90000046  }
0xb2: {  	s29 =	simm.s32 $0x9;
	_ =	strace $0x80000048  }
0xb3: {  	_ =	swait.ge [sflag:s29], $0x1  }
0xb4: {  	[sflag:s29] =	ssyncadd.s32 $0xFFFFFFFF  }
0xb5: {  	_ =	strace $0x90000048  }
0xb6: {  	_ =	sfence  }
0xb7: {  	s30 =	sld [smem:$0x0];
	_ =	sdelay $0x2  }
0xb8: {  	s31 =	sshll.u32 s1, $0xD;
	s1 =	sshrl.u32 s1, $0x2  }
0xb9: {  	s3 =	sand.u32 $0x4000, s31;
	s1 =	sadd.s32 s1, s30  }
0xba: {  	s0 =	sor.u32 s3, s0;
	s1 =	sshll.u32 s1, $0x11  }
0xbb: {  	s0 =	sor.u32 s1, s0  }
0xbc: {  	s0 =	sadd.s32 $0x8F2B, s0  }
0xbd: {  	[sflag:s0] =	ssyncadd.remote.s32 $0x1  }
0xbe: {  	_ =	sfence.sel $0xFFFF  }
0xbf: {  	[dreg:$0x0] =	wrdreg $0xFFFFFFFF;
	(pc) =	sbr.abs _section_cstart, $3  }
0xc0: {  	[dreg:$0x1] =	wrdreg $0xFFFFFFFF  }
0xc1: {  	_ =	task.clear_ibuf [dreg:s6], $0x2FFFF;
	_ =	strace $0x9FFFFFFF  }
0xc2: {  	(tm) =	ssettm $0x7FFFFFFF  }
0xc3: {  	_ =	shalt  }
tec
execute0_lowered:
.L_overlay_start_1:
0x0: {  	(tag) =	ssettag $0x1  }
0x1: {  	s11 =	stileid.u32  }
0x2: {  	s0 =	srdreg.scid;
	s6 =	smul.u32 $0x50000, s11  }
0x3: {  	s1 =	rddreg [dreg:$0x0];
	s0 =	sand.u32 $0x1, s0;
	s10 =	smul.u32 $0x14000, s11  }
0x4: {  	s2 =	rddreg [dreg:$0x1];
	s8 =	smul.u32 $0x140000, s0  }
0x5: {  	s3 =	sshll.u32 s0, $0x4;
	s7 =	ssub.s32 $0x2, s0;
	s0 =	smul.u32 $0x27100, s0  }
0x6: {  	s4 =	sor.u32 s11, s3;
	s3 =	simm.s32 $0x0;
	s9 =	sshrl.u32 s7, $0x1  }
0x7: {  	s19 =	sshrl.u32 s6, $0x2;
	s28 =	sadd.s32 $0x4000, s10;
	s11 =	smul.u32 $0x2710, s11  }
0x8: {  	s14 =	sadd.s32 $0x8000, s10;
	s16 =	sadd.s32 $0xC000, s10;
	s5 =	smul.u32 $0x2710, s4  }
0x9: {  	[smem:$0x7FF] =	sst s3;
	s4 =	sadd.s32 $0x3000, s1;
	s1 =	sadd.s32 $0xCE00, s1  }
0xa: {  	s7 =	ssub.s32 s7, s9;
	s20 =	sadd.s32 s8, s10;
	s6 =	sadd.s32 s19, s2  }
0xb: {  	s15 =	sadd.s32 s8, s14;
	s10 =	sadd.s32 $0x10000, s10;
	s17 =	sadd.s32 s8, s16  }
0xc: {  	_ =	strace $0x80000047;
	s22 =	sshrl.u32 s20, $0x3;
	s24 =	smax.u32 s7, $0x1  }
0xd: {  	s25 =	sadd.s32 $0x1000, s6;
	s26 =	sadd.s32 $0x2000, s6;
	[dreg:$0x7] =	wrdreg s24  }
0xe: {  	s29 =	sadd.s32 $0x3000, s6;
	s9 =	sadd.s32 $0x4000, s6;
	[dreg:$0x8] =	wrdreg s25  }
0xf: {  	s13 =	sadd.s32 $0x5000, s6;
	s0 =	sadd.s32 s11, s0;
	[dreg:$0x9] =	wrdreg s26  }
0x10: {  	s11 =	sshrl.u32 s17, $0x3;
	s19 =	sadd.s32 s10, s2;
	[dreg:$0xa] =	wrdreg s29  }
0x11: {  	s30 =	sadd.s32 $0x9000, s6;
	s31 =	sadd.s32 $0xA000, s6;
	[dreg:$0xb] =	wrdreg s9  }
0x12: {  	s17 =	simm.s32 $0x100;
	s5 =	sshrl.u32 s5, $0x3;
	[dreg:$0xc] =	wrdreg s13  }
0x13: {  	s9 =	sadd.s32 s14, s2;
	s11 =	sadd.s32 s1, s11;
	s18 =	sadd.s32 $0xF0, s0  }
0x14: {  	s25 =	sshrl.u32 s19, $0x3;
	s26 =	sadd.s32 $0x6000, s6;
	[dreg:$0xf] =	wrdreg s11  }
0x15: {  	s29 =	sadd.s32 $0x8000, s6;
	s13 =	sadd.s32 $0x13000, s6;
	[dreg:$0x14] =	wrdreg s25  }
0x16: {  	s14 =	simm.s32 $0x2900;
	s19 =	simm.s32 $0x2;
	[dreg:$0x15] =	wrdreg s26  }
0x17: {  	s12 =	sadd.s32 s4, s5;
	s5 =	sadd.s32 s1, s22;
	[dreg:$0x17] =	wrdreg s29  }
0x18: {  	s11 =	sadd.s32 $0x11000, s6;
	s21 =	sadd.s32 $0xA, s12;
	[dreg:$0x3] =	wrdreg s12  }
0x19: {  	s23 =	sadd.s32 $0x4D8, s12;
	[dreg:$0x6] =	wrdreg s5;
	s12 =	sadd.s32 s8, s28  }
0x1a: {  	s5 =	sadd.s32 s28, s2;
	s8 =	sadd.s32 s8, s10;
	[dreg:$0x4] =	wrdreg s21  }
0x1b: {  	s28 =	sadd.s32 $0x7000, s6;
	s10 =	sadd.s32 $0x10000, s6;
	[dreg:$0x5] =	wrdreg s23  }
0x1c: {  	s7 =	sshrl.u32 s12, $0x3;
	s8 =	sshrl.u32 s8, $0x3;
	s21 =	sadd.s32 $0xA0, s0  }
0x1d: {  	s22 =	sshrl.u32 s5, $0x3;
	s23 =	sshrl.u32 s9, $0x3;
	[dreg:$0x16] =	wrdreg s28  }
0x1e: {  	s0 =	sadd.s32 $0xC000, s6;
	s9 =	sadd.s32 $0xF000, s6;
	[dreg:$0x11] =	wrdreg s22  }
0x1f: {  	s12 =	sadd.s32 $0x12000, s6;
	s7 =	sadd.s32 s1, s7;
	[dreg:$0x12] =	wrdreg s23  }
0x20: {  	s5 =	simm.s32 $0x50;
	[dreg:$0xd] =	wrdreg s7;
	s7 =	sshrl.u32 s15, $0x3  }
0x21: {  	s22 =	simm.s32 $0x3;
	s23 =	simm.s32 $0x4;
	s7 =	sadd.s32 s1, s7  }
0x22: {  	s15 =	simm.s32 $0x5;
	s1 =	sadd.s32 s1, s8;
	[dreg:$0xe] =	wrdreg s7  }
0x23: {  	s8 =	sadd.s32 $0xE000, s6;
	[dreg:$0x10] =	wrdreg s1;
	s7 =	sadd.s32 s16, s2  }
0x24: {  	s1 =	sshrl.u32 s18, $0x3;
	s16 =	simm.s32 $0x1;
	s18 =	simm.s32 $0x80  }
0x25: {  	s20 =	sadd.s32 s1, s4;
	s24 =	sshrl.u32 s7, $0x3;
	s1 =	sadd.s32 $0xB000, s6  }
0x26: {  	v0 =	vimm.f32 $0.0e+00;
	v1 =	vimm.f32 $1.000000000e+00;
	s7 =	sadd.s32 $0xD000, s6;
	[dreg:$0x13] =	wrdreg s24;
	s24 =	simm.s32 $0x0  }
.LBB2_1:
0x27: {  	s25 =	rddreg [dreg:$0x3]  }
0x28: {  	[tilespmem:s3], [sflag:$0x1] =	stream.linear.gather [hbm4b:s25+s3], $0x50, $0x38;
	[tilespmem:$0x6100] =	vst v63  }
0x29: {  	[tilespmem:$0x2900] =	vst v0  }
0x2a: {  	[tilespmem:$0x2980] =	vst v0  }
0x2b: {  	[tilespmem:$0x2A00] =	vst v0  }
0x2c: {  	[tilespmem:$0x2A80] =	vst v0  }
0x2d: {  	[tilespmem:$0x2B00] =	vst v0  }
0x2e: {  	[tilespmem:$0x2B80] =	vst v0  }
0x2f: {  	[tilespmem:$0x2C00] =	vst v0  }
0x30: {  	[tilespmem:$0x2C80] =	vst v0  }
0x31: {  	[tilespmem:$0x2D00] =	vst v0  }
0x32: {  	[tilespmem:$0x2D80] =	vst v0  }
0x33: {  	[tilespmem:$0x2E00] =	vst v0  }
0x34: {  	[tilespmem:$0x2E80] =	vst v0  }
0x35: {  	[tilespmem:$0x2F00] =	vst v0  }
0x36: {  	[tilespmem:$0x2F80] =	vst v0  }
0x37: {  	[tilespmem:$0x3000] =	vst v0  }
0x38: {  	[tilespmem:$0x3080] =	vst v0  }
0x39: {  	[tilespmem:$0x3100] =	vst v0  }
0x3a: {  	[tilespmem:$0x3180] =	vst v0  }
0x3b: {  	[tilespmem:$0x3200] =	vst v0  }
0x3c: {  	[tilespmem:$0x3280] =	vst v0  }
0x3d: {  	[tilespmem:$0x3300] =	vst v0  }
0x3e: {  	[tilespmem:$0x3380] =	vst v0  }
0x3f: {  	[tilespmem:$0x3400] =	vst v0  }
0x40: {  	[tilespmem:$0x3480] =	vst v0  }
0x41: {  	[tilespmem:$0x3500] =	vst v0  }
0x42: {  	[tilespmem:$0x3580] =	vst v0  }
0x43: {  	[tilespmem:$0x3600] =	vst v0  }
0x44: {  	[tilespmem:$0x3680] =	vst v0  }
0x45: {  	[tilespmem:$0x3700] =	vst v0  }
0x46: {  	[tilespmem:$0x3780] =	vst v0  }
0x47: {  	[tilespmem:$0x3800] =	vst v0  }
0x48: {  	s26 =	simm.s32 $0x0;
	s25 =	simm.s32 $0x200;
	[tilespmem:$0x3880] =	vst v0  }
.LBB2_2:
0x49: {  	p0 =	sne.s32 s25, $0x9E00;
	[tilespmem:s26+$0x100] =	vst v1;
	s26 =	smov.u32 s25;
	s25 =	sadd.s32 $0x200, s25  }
.Ltmp0:
0x4a: {  	(pc) =	sbr.rel @p0 .LBB2_2-.Ltmp0, $2  }
0x4b: {  	_ =	sdelay $0x2  }
0x4c: {  	s26 =	sshra.s32 s26, $0x2  }
0x4d: {  	[tilespmem:s26+$0x100] =	vst v1  }
0x4e: {  	[spmem:s6] =	stream.linear.scatter [tilespmem:s14], [sflag:$0x5], $0x1000, $0x38;
	[tilespmem:$0x6100] =	vst v63  }
0x4f: {  	_ =	swait.ge [sflag:s15], $0x1000  }
0x50: {  	[sflag:s15] =	ssyncset.done $0x0  }
0x51: {  	s25 =	rddreg [dreg:$0x8];
	[sflag:s15] =	ssyncadd.s32 $0xFFFFF000  }
0x52: {  	[spmem:s25] =	stream.linear.scatter [tilespmem:s14], [sflag:$0x5], $0x1000, $0x38;
	[tilespmem:$0x6100] =	vst v63  }
0x53: {  	_ =	swait.ge [sflag:s15], $0x1000  }
0x54: {  	[sflag:s15] =	ssyncset.done $0x0  }
0x55: {  	s29 =	rddreg [dreg:$0x9];
	[sflag:s15] =	ssyncadd.s32 $0xFFFFF000  }
0x56: {  	[spmem:s29] =	stream.linear.scatter [tilespmem:s14], [sflag:$0x5], $0x1000, $0x38;
	[tilespmem:$0x6100] =	vst v63  }
0x57: {  	_ =	swait.ge [sflag:s15], $0x1000  }
0x58: {  	[sflag:s15] =	ssyncset.done $0x0  }
0x59: {  	s26 =	rddreg [dreg:$0xa];
	[sflag:s15] =	ssyncadd.s32 $0xFFFFF000  }
0x5a: {  	[spmem:s26] =	stream.linear.scatter [tilespmem:s14], [sflag:$0x5], $0x1000, $0x38;
	[tilespmem:$0x6100] =	vst v63  }
0x5b: {  	_ =	swait.ge [sflag:s15], $0x1000  }
0x5c: {  	[sflag:s15] =	ssyncset.done $0x0  }
0x5d: {  	s29 =	rddreg [dreg:$0xb];
	[sflag:s15] =	ssyncadd.s32 $0xFFFFF000  }
0x5e: {  	[spmem:s29] =	stream.linear.scatter [tilespmem:s14], [sflag:$0x5], $0x1000, $0x38;
	[tilespmem:$0x6100] =	vst v63  }
0x5f: {  	_ =	swait.ge [sflag:s15], $0x1000  }
0x60: {  	[sflag:s15] =	ssyncset.done $0x0  }
0x61: {  	s26 =	rddreg [dreg:$0xc];
	[sflag:s15] =	ssyncadd.s32 $0xFFFFF000  }
0x62: {  	[spmem:s26] =	stream.linear.scatter [tilespmem:s14], [sflag:$0x5], $0x1000, $0x38;
	[tilespmem:$0x6100] =	vst v63  }
0x63: {  	_ =	swait.ge [sflag:s15], $0x1000  }
0x64: {  	[sflag:s15] =	ssyncset.done $0x0  }
0x65: {  	s29 =	rddreg [dreg:$0x15];
	[sflag:s15] =	ssyncadd.s32 $0xFFFFF000  }
0x66: {  	[spmem:s29] =	stream.linear.scatter [tilespmem:s14], [sflag:$0x5], $0x1000, $0x38;
	[tilespmem:$0x6100] =	vst v63  }
0x67: {  	_ =	swait.ge [sflag:s15], $0x1000  }
0x68: {  	[sflag:s15] =	ssyncset.done $0x0  }
0x69: {  	s26 =	rddreg [dreg:$0x16];
	[sflag:s15] =	ssyncadd.s32 $0xFFFFF000  }
0x6a: {  	[spmem:s26] =	stream.linear.scatter [tilespmem:s14], [sflag:$0x5], $0x1000, $0x38;
	[tilespmem:$0x6100] =	vst v63  }
0x6b: {  	_ =	swait.ge [sflag:s15], $0x1000  }
0x6c: {  	[sflag:s15] =	ssyncset.done $0x0  }
0x6d: {  	s29 =	rddreg [dreg:$0x17];
	[sflag:s15] =	ssyncadd.s32 $0xFFFFF000  }
0x6e: {  	[spmem:s29] =	stream.linear.scatter [tilespmem:s14], [sflag:$0x5], $0x1000, $0x38;
	[tilespmem:$0x6100] =	vst v63  }
0x6f: {  	_ =	swait.ge [sflag:s15], $0x1000  }
0x70: {  	[sflag:s15] =	ssyncset.done $0x0  }
0x71: {  	[sflag:s15] =	ssyncadd.s32 $0xFFFFF000  }
0x72: {  	[spmem:s30] =	stream.linear.scatter [tilespmem:s14], [sflag:$0x5], $0x1000, $0x38;
	[tilespmem:$0x6100] =	vst v63  }
0x73: {  	_ =	swait.ge [sflag:s15], $0x1000  }
0x74: {  	[sflag:s15] =	ssyncset.done $0x0  }
0x75: {  	[sflag:s15] =	ssyncadd.s32 $0xFFFFF000  }
0x76: {  	[spmem:s31] =	stream.linear.scatter [tilespmem:s14], [sflag:$0x5], $0x1000, $0x38;
	[tilespmem:$0x6100] =	vst v63  }
0x77: {  	_ =	swait.ge [sflag:s15], $0x1000  }
0x78: {  	[sflag:s15] =	ssyncset.done $0x0  }
0x79: {  	[sflag:s15] =	ssyncadd.s32 $0xFFFFF000  }
0x7a: {  	[spmem:s1] =	stream.linear.scatter [tilespmem:s14], [sflag:$0x5], $0x1000, $0x38;
	[tilespmem:$0x6100] =	vst v63  }
0x7b: {  	_ =	swait.ge [sflag:s15], $0x1000  }
0x7c: {  	[sflag:s15] =	ssyncset.done $0x0  }
0x7d: {  	[sflag:s15] =	ssyncadd.s32 $0xFFFFF000  }
0x7e: {  	[spmem:s0] =	stream.linear.scatter [tilespmem:s14], [sflag:$0x5], $0x1000, $0x38;
	[tilespmem:$0x6100] =	vst v63  }
0x7f: {  	_ =	swait.ge [sflag:s15], $0x1000  }
0x80: {  	[sflag:s15] =	ssyncset.done $0x0  }
0x81: {  	[sflag:s15] =	ssyncadd.s32 $0xFFFFF000  }
0x82: {  	[spmem:s7] =	stream.linear.scatter [tilespmem:s14], [sflag:$0x5], $0x1000, $0x38;
	[tilespmem:$0x6100] =	vst v63  }
0x83: {  	_ =	swait.ge [sflag:s15], $0x1000  }
0x84: {  	[sflag:s15] =	ssyncset.done $0x0  }
0x85: {  	[sflag:s15] =	ssyncadd.s32 $0xFFFFF000  }
0x86: {  	[spmem:s8] =	stream.linear.scatter [tilespmem:s14], [sflag:$0x5], $0x1000, $0x38;
	[tilespmem:$0x6100] =	vst v63  }
0x87: {  	_ =	swait.ge [sflag:s15], $0x1000  }
0x88: {  	[sflag:s15] =	ssyncset.done $0x0  }
0x89: {  	[sflag:s15] =	ssyncadd.s32 $0xFFFFF000  }
0x8a: {  	[spmem:s9] =	stream.linear.scatter [tilespmem:s14], [sflag:$0x5], $0x1000, $0x38;
	[tilespmem:$0x6100] =	vst v63  }
0x8b: {  	_ =	swait.ge [sflag:s15], $0x1000  }
0x8c: {  	[sflag:s15] =	ssyncset.done $0x0  }
0x8d: {  	[sflag:s15] =	ssyncadd.s32 $0xFFFFF000  }
0x8e: {  	[spmem:s10] =	stream.linear.scatter [tilespmem:s14], [sflag:$0x5], $0x1000, $0x38;
	[tilespmem:$0x6100] =	vst v63  }
0x8f: {  	_ =	swait.ge [sflag:s15], $0x1000  }
0x90: {  	[sflag:s15] =	ssyncset.done $0x0  }
0x91: {  	[sflag:s15] =	ssyncadd.s32 $0xFFFFF000  }
0x92: {  	[spmem:s11] =	stream.linear.scatter [tilespmem:s14], [sflag:$0x5], $0x1000, $0x38;
	[tilespmem:$0x6100] =	vst v63  }
0x93: {  	_ =	swait.ge [sflag:s15], $0x1000  }
0x94: {  	[sflag:s15] =	ssyncset.done $0x0  }
0x95: {  	[sflag:s15] =	ssyncadd.s32 $0xFFFFF000  }
0x96: {  	[spmem:s12] =	stream.linear.scatter [tilespmem:s14], [sflag:$0x5], $0x1000, $0x38;
	[tilespmem:$0x6100] =	vst v63  }
0x97: {  	_ =	swait.ge [sflag:s15], $0x1000  }
0x98: {  	[sflag:s15] =	ssyncset.done $0x0  }
0x99: {  	[sflag:s15] =	ssyncadd.s32 $0xFFFFF000  }
0x9a: {  	[spmem:s13] =	stream.linear.scatter [tilespmem:s14], [sflag:$0x5], $0x1000, $0x38;
	[tilespmem:$0x6100] =	vst v63  }
0x9b: {  	_ =	swait.ge [sflag:s15], $0x1000  }
0x9c: {  	[sflag:s15] =	ssyncset.done $0x0  }
0x9d: {  	[sflag:s15] =	ssyncadd.s32 $0xFFFFF000  }
0x9e: {  	[bflag:$0x0] =	sbarrier.arrive $0xFFFF  }
0x9f: {  	_ =	swait.ge [sflag:s16], $0x50  }
0xa0: {  	[sflag:s16] =	ssyncset.done $0x0  }
0xa1: {  	s26 =	simm.s32 $0x0;
	[sflag:s16] =	ssyncadd.s32 $0xFFFFFFB0  }
0xa2: {  	[spmem:s2] =	stream.indirect.scatter.add.f32 [tilespmem:s17], [sflag:$0x3], $0x10, s26, s5, $0xb8;
	[tilespmem:$0x6100] =	vst v63  }
0xa3: {  	s29 =	rddreg [dreg:$0x4]  }
0xa4: {  	[tilespmem:s18], [sflag:$0x2] =	stream.linear.gather [hbm4b:s29+s26], $0x50, $0x38;
	[tilespmem:$0x6100] =	vst v63  }
0xa5: {  	_ =	swait.ge [sflag:s19], $0x50  }
0xa6: {  	[sflag:s19] =	ssyncset.done $0x0  }
0xa7: {  	[sflag:s19] =	ssyncadd.s32 $0xFFFFFFB0  }
0xa8: {  	[spmem:s2] =	stream.indirect.scatter.add.f32 [tilespmem:s17], [sflag:$0x4], $0x10, s18, s5, $0xb8;
	[tilespmem:$0x6100] =	vst v63  }
0xa9: {  	_ =	swait.ge [sflag:s22], $0x500  }
0xaa: {  	s29 =	sshrl.u32 s21, $0x3;
	[sflag:s22] =	ssyncset.done $0x0  }
0xab: {  	s25 =	sadd.s32 s4, s29;
	[sflag:s22] =	ssyncadd.s32 $0xFFFFFB00  }
0xac: {  	[tilespmem:s3], [sflag:$0x1] =	stream.linear.gather [hbm4b:s25+s3], $0x50, $0x38;
	[tilespmem:$0x6100] =	vst v63  }
0xad: {  	_ =	swait.ge [sflag:s16], $0x50  }
0xae: {  	[sflag:s16] =	ssyncset.done $0x0  }
0xaf: {  	[sflag:s16] =	ssyncadd.s32 $0xFFFFFFB0  }
0xb0: {  	[spmem:s2] =	stream.indirect.scatter.add.f32 [tilespmem:s17], [sflag:$0x3], $0x10, s3, s5, $0xb8;
	[tilespmem:$0x6100] =	vst v63  }
0xb1: {  	_ =	swait.ge [sflag:s23], $0x500  }
0xb2: {  	s28 =	sadd.s32 $0x0, s20;
	[sflag:s23] =	ssyncset.done $0x0  }
0xb3: {  	s26 =	sadd.s32 $0xA0, s21;
	s25 =	simm.s32 $0x14;
	[sflag:s23] =	ssyncadd.s32 $0xFFFFFB00  }
.LBB2_4:
0xb4: {  	[tilespmem:s18], [sflag:$0x2] =	stream.linear.gather [hbm4b:s28+s3], $0x50, $0x38;
	[tilespmem:$0x6100] =	vst v63  }
0xb5: {  	s28 =	smov.u32 s25  }
0xb6: {  	p0 =	sne.s32 s25, $0x4B0;
	s25 =	sadd.s32 $0x14, s25;
	_ =	swait.ge [sflag:s19], $0x50  }
0xb7: {  	[sflag:s19] =	ssyncset.done $0x0  }
0xb8: {  	[sflag:s19] =	ssyncadd.s32 $0xFFFFFFB0  }
0xb9: {  	[spmem:s2] =	stream.indirect.scatter.add.f32 [tilespmem:s17], [sflag:$0x4], $0x10, s18, s5, $0xb8;
	[tilespmem:$0x6100] =	vst v63  }
0xba: {  	_ =	swait.ge [sflag:s22], $0x500  }
0xbb: {  	s29 =	sshrl.u32 s26, $0x3;
	[sflag:s22] =	ssyncset.done $0x0  }
0xbc: {  	s29 =	sadd.s32 s4, s29;
	[sflag:s22] =	ssyncadd.s32 $0xFFFFFB00  }
0xbd: {  	[tilespmem:s3], [sflag:$0x1] =	stream.linear.gather [hbm4b:s29+s3], $0x50, $0x38;
	[tilespmem:$0x6100] =	vst v63  }
0xbe: {  	_ =	swait.ge [sflag:s16], $0x50  }
0xbf: {  	[sflag:s16] =	ssyncset.done $0x0  }
.Ltmp1:
0xc0: {  	[sflag:s16] =	ssyncadd.s32 $0xFFFFFFB0;
	(pc) =	sbr.rel @p0 .LBB2_4-.Ltmp1, $4  }
0xc1: {  	[spmem:s2] =	stream.indirect.scatter.add.f32 [tilespmem:s17], [sflag:$0x3], $0x10, s3, s5, $0xb8;
	[tilespmem:$0x6100] =	vst v63  }
0xc2: {  	_ =	swait.ge [sflag:s23], $0x500  }
0xc3: {  	[sflag:s23] =	ssyncset.done $0x0  }
0xc4: {  	s26 =	sadd.s32 $0xA0, s26;
	s28 =	sadd.s32 s28, s20;
	[sflag:s23] =	ssyncadd.s32 $0xFFFFFB00  }
0xc5: {  	[tilespmem:s18], [sflag:$0x2] =	stream.linear.gather [hbm4b:s28+s3], $0x50, $0x38;
	[tilespmem:$0x6100] =	vst v63  }
0xc6: {  	_ =	swait.ge [sflag:s19], $0x50  }
0xc7: {  	[sflag:s19] =	ssyncset.done $0x0  }
0xc8: {  	[sflag:s19] =	ssyncadd.s32 $0xFFFFFFB0  }
0xc9: {  	[spmem:s2] =	stream.indirect.scatter.add.f32 [tilespmem:s17], [sflag:$0x4], $0x10, s18, s5, $0xb8;
	[tilespmem:$0x6100] =	vst v63  }
0xca: {  	_ =	swait.ge [sflag:s22], $0x500  }
0xcb: {  	[sflag:s22] =	ssyncset.done $0x0  }
0xcc: {  	s25 =	rddreg [dreg:$0x5];
	[sflag:s22] =	ssyncadd.s32 $0xFFFFFB00  }
0xcd: {  	[tilespmem:s3], [sflag:$0x1] =	stream.linear.gather [hbm4b:s25+s3], $0x50, $0x38;
	[tilespmem:$0x6100] =	vst v63  }
0xce: {  	_ =	swait.ge [sflag:s16], $0x50  }
0xcf: {  	[sflag:s16] =	ssyncset.done $0x0  }
0xd0: {  	[sflag:s16] =	ssyncadd.s32 $0xFFFFFFB0  }
0xd1: {  	[spmem:s2] =	stream.indirect.scatter.add.f32 [tilespmem:s17], [sflag:$0x3], $0x10, s3, s5, $0xb8;
	[tilespmem:$0x6100] =	vst v63  }
0xd2: {  	_ =	swait.ge [sflag:s23], $0x500  }
0xd3: {  	[sflag:s23] =	ssyncset.done $0x0  }
0xd4: {  	[sflag:s23] =	ssyncadd.s32 $0xFFFFFB00  }
0xd5: {  	_ =	swait.ge [sflag:s22], $0x500  }
0xd6: {  	[sflag:s22] =	ssyncset.done $0x0  }
0xd7: {  	s28 =	stileid.u32;
	[sflag:s22] =	ssyncadd.s32 $0xFFFFFB00  }
0xd8: {  	s25 =	sshll.u32 s28, $0x6;
	[bflag:$0x0] =	sbarrier.arrive $0xFFFF  }
0xd9: {  	s26 =	sshrl.u32 s6, $0x3;
	s25 =	sor.u32 $0x1C05, s25;
	s29 =	rddreg [dreg:$0x6]  }
0xda: {  	[hbm:s29], [sflag:s25] =	dma.local [spmem:s26], $0x800  }
0xdb: {  	_ =	swait.ge [sflag:s15], $0x800  }
0xdc: {  	[sflag:s15] =	ssyncset.done $0x0;
	s26 =	rddreg [dreg:$0xd]  }
0xdd: {  	s29 =	rddreg [dreg:$0x11];
	[sflag:s15] =	ssyncadd.s32 $0xFFFFF800  }
0xde: {  	[hbm:s26], [sflag:s25] =	dma.local [spmem:s29], $0x800  }
0xdf: {  	_ =	swait.ge [sflag:s15], $0x800  }
0xe0: {  	[sflag:s15] =	ssyncset.done $0x0;
	s26 =	rddreg [dreg:$0xe]  }
0xe1: {  	s29 =	rddreg [dreg:$0x12];
	[sflag:s15] =	ssyncadd.s32 $0xFFFFF800  }
0xe2: {  	[hbm:s26], [sflag:s25] =	dma.local [spmem:s29], $0x800  }
0xe3: {  	_ =	swait.ge [sflag:s15], $0x800  }
0xe4: {  	[sflag:s15] =	ssyncset.done $0x0;
	s26 =	rddreg [dreg:$0xf]  }
0xe5: {  	s29 =	rddreg [dreg:$0x13];
	[sflag:s15] =	ssyncadd.s32 $0xFFFFF800  }
0xe6: {  	[hbm:s26], [sflag:s25] =	dma.local [spmem:s29], $0x800  }
0xe7: {  	_ =	swait.ge [sflag:s15], $0x800  }
0xe8: {  	[sflag:s15] =	ssyncset.done $0x0;
	s26 =	rddreg [dreg:$0x10]  }
0xe9: {  	s29 =	rddreg [dreg:$0x14];
	[sflag:s15] =	ssyncadd.s32 $0xFFFFF800  }
0xea: {  	[hbm:s26], [sflag:s25] =	dma.local [spmem:s29], $0x800  }
0xeb: {  	_ =	swait.ge [sflag:s15], $0x800  }
0xec: {  	s24 =	sadd.s32 $0x1, s24;
	s29 =	rddreg [dreg:$0x7]  }
0xed: {  	p0 =	sne.s32 s24, s29  }
.Ltmp2:
0xee: {  	_ = 	snop;
	(pc) =	sbr.rel @p0 .LBB2_1-.Ltmp2, $3  }
0xef: {  	_ =	sdelay $0x1  }
0xf0: {  	[sflag:s15] =	ssyncset.done $0x0  }
0xf1: {  	[sflag:s15] =	ssyncadd.s32 $0xFFFFF800  }
0xf2: {  	_ =	sfence.sel $0x180000  }
0xf3: {  	[bflag:$0x0] =	sbarrier.arrive $0xFFFF  }
0xf4: {  	_ =	strace $0x90000047  }
0xf5: {  	s0 =	stileid.u32;
	[bflag:$0x2] =	sbarrier.arrive $0xFFFF  }
0xf6: {  	p0 =	sne.s32 s0, $0x0;
	s0 =	rddreg [dreg:$0x2]  }
0xf7: {  	s0 =	sadd.s32 @!p0 $0x100000, s0  }
0xf8: {  	[sflag:s0] =	ssyncadd.tile.s32 @!p0 $0x1;
	_ =	shalt  }
.Lfunc_end2:
_tile_overlayer_lowered:
.L_overlay_start_2:
0xf9: {  	(tag) =	ssettag $0x2  }
0xfa: {  	s0 =	rddreg [dreg:$0x0];
	s2 =	stileid.u32  }
0xfb: {  	s1 =	rddreg [dreg:$0x1];
	p0 =	sne.s32 s2, $0x0  }
0xfc: {  	s3 =	rddreg [dreg:$0x2];
	[bflag:$0x3] =	sbarrier.arrive $0xFFFF;
	s2 =	simm.s32 @!p0 $0x1C05  }
0xfd: {  	[timem:s3], [sflag:s2] =	dma.local @!p0 [hbm:s0], s1  }
0xfe: {  	s0 =	simm.s32 @!p0 $0x5  }
0xff: {  	_ =	swait.ge @!p0 [sflag:s0], s1  }
0x100: {  	s1 =	ssub.s32 @!p0 $0x0, s1;
	[sflag:s0] =	ssyncset.done @!p0 $0x0  }
0x101: {  	[sflag:s0] =	ssyncadd.s32 @!p0 s1  }
0x102: {  	[bflag:$0x3] =	sbarrier.arrive $0xFFFF  }
0x103: {  	_ =	shalt  }

// kernel: kernel.13.cloned.1.call-start
scs
__scs_entry_jumppad:
0x0: {  	(pc) =	sbr.rel $0x88, $3  }
0x1: {  	(tag) =	ssettag $0x0;
	lr =	simm.s32 $0x1  }
0x2: {  	[smem:$0x3F97] =	sst lr;
	_ =	strace $0xD0000000  }
0x3: {  	_ = 	snop  }
0x4: {  	_ = 	snop  }
0x5: {  	_ = 	snop  }
0x6: {  	_ = 	snop  }
0x7: {  	_ = 	snop  }
__scs_overlays_trampoline_lowered:
0x8: {  	[smem:$0x3FA6] =	sst s0  }
0x9: {  	[smem:$0x3FA7] =	sst s1  }
0xa: {  	[smem:$0x3FA8] =	sst s2  }
0xb: {  	[smem:$0x3FA9] =	sst s3  }
0xc: {  	[smem:$0x3FAA] =	sst s4  }
0xd: {  	[smem:$0x3FAB] =	sst s5  }
0xe: {  	[smem:$0x3FAC] =	sst s6  }
0xf: {  	[smem:$0x3FAD] =	sst s7  }
0x10: {  	[smem:$0x3FAE] =	sst s8  }
0x11: {  	[smem:$0x3FAF] =	sst s9;
	s0 =	simm.s32 @!p0 $0x0  }
0x12: {  	s1 =	sld [smem:$0x3F95];
	s0 =	simm.s32 @p0 $0x1  }
0x13: {  	[smem:$0x3FB0] =	sst s0;
	s0 =	simm.s32 @!p1 $0x0  }
0x14: {  	s2 =	sld [smem:$0x3F94];
	s0 =	simm.s32 @p1 $0x1  }
0x15: {  	[smem:$0x3FB1] =	sst s0;
	s0 =	simm.s32 @!p2 $0x0  }
0x16: {  	s3 =	sld [smem:$0x3FDB];
	s0 =	simm.s32 @p2 $0x1  }
0x17: {  	s4 =	simm.s32 $0x1BF5;
	[smem:$0x3FB3] =	sst s0  }
0x18: {  	s0 =	sld [smem:$0x3F96];
	_ =	swait.ge [sflag:s4], $0x0  }
0x19: {  	s7 =	sld [smem:$0x3F97]  }
0x1a: {  	s8 =	sadd.s32 $0xFFFFE003, lr  }
0x1b: {  	s9 =	sadd.s32 $0xFFFFFEF7, lr;
	s5 =	simm.s32 $0xFFFFFFFF;
	p2 =	slt.u32 s8, $0xFFFFF086  }
0x1c: {  	p1 =	slt.u32 s9, $0xF7A;
	s5 =	simm.s32 @!p2 $0x0  }
0x1d: {  	s5 =	simm.s32 @p1 $0x1;
	p0 =	seq.s32 s7, s2  }
0x1e: {  	s7 =	smul.u32 @!p0 $0xF7A, s2;
	p2 =	seq.s32 @!p0 s5, $0x0  }
0x1f: {  	s9 =	smul.u32 $0xF7A, s1;
	s8 =	simm.s32 @!p0 $0x1BF5;
	p2 =	por !p2, p0  }
0x20: {  	[sflag:s8] =	ssyncset.s32 @!p0 $0xFFFFF086;
	s6 =	sadd.s32 @!p0 s3, s7;
	s7 =	simm.s32 @!p0 $0x108  }
0x21: {  	s3 =	sadd.s32 s3, s9;
	s6 =	sadd.s32 @!p0 $0x88, s6;
	s7 =	simm.s32 @p2 $0x1082  }
0x22: {  	[simem:s7], [sflag:s8] =	dma.local @!p0 [hbm:s6], $0xF7A  }
0x23: {  	s9 =	sor.u32 $0xD0000000, s2;
	s6 =	simm.s32 $0x108;
	_ =	swait.ge @!p0 [sflag:s8], $0x0  }
0x24: {  	s3 =	sadd.s32 $0x88, s3;
	s6 =	simm.s32 @!p1 $0x1082;
	[sflag:s4] =	ssyncset.s32 $0xFFFFF086  }
0x25: {  	[simem:s6], [sflag:s4] =	dma.local [hbm:s3], $0xF7A  }
0x26: {  	[smem:$0x3F97] =	sst s1;
	(tag) =	ssettag s2;
	_ =	strace s9  }
0x27: {  	s1 =	sld [smem:$0x3FA7]  }
0x28: {  	s2 =	sld [smem:$0x3FA8]  }
0x29: {  	s4 =	sld [smem:$0x3FAA]  }
0x2a: {  	p0 =	seq.s32 s5, $0x0;
	s5 =	sld [smem:$0x3FAB]  }
0x2b: {  	s6 =	sld [smem:$0x3FAC]  }
0x2c: {  	s7 =	sld [smem:$0x3FAD]  }
0x2d: {  	s3 =	simm.s32 $0x108;
	s8 =	sld [smem:$0x3FAE]  }
0x2e: {  	s3 =	simm.s32 @!p0 $0x1082;
	s9 =	sld [smem:$0x3FAF]  }
0x2f: {  	lr =	sadd.s32 s0, s3;
	s0 =	sld [smem:$0x3FA6]  }
0x30: {  	s3 =	sld [smem:$0x3FA9]  }
0x31: {  	[smem:$0x3FB2] =	sst s10  }
0x32: {  	s10 =	sld [smem:$0x3FB0];
	_ =	sdelay $0x3  }
0x33: {  	p0 =	seq.s32 s10, $0x1;
	s10 =	sld [smem:$0x3FB2];
	_ =	sdelay $0x3  }
0x34: {  	[smem:$0x3FB2] =	sst s10  }
0x35: {  	s10 =	sld [smem:$0x3FB1];
	_ =	sdelay $0x3  }
0x36: {  	p1 =	seq.s32 s10, $0x1;
	s10 =	sld [smem:$0x3FB2];
	_ =	sdelay $0x3  }
0x37: {  	[smem:$0x3FB2] =	sst s10  }
0x38: {  	s10 =	sld [smem:$0x3FB3]  }
0x39: {  	_ = 	snop;
	(pc) =	sbr.ind lr, $3  }
0x3a: {  	_ = 	snop  }
0x3b: {  	_ = 	snop  }
0x3c: {  	p2 =	seq.s32 s10, $0x1;
	s10 =	sld [smem:$0x3FB2]  }
0x3d: {  	_ =	shalt  }
0x3e: {  	_ =	shalt  }
0x3f: {  	_ =	shalt  }
0x40: {  	_ =	shalt  }
0x41: {  	_ =	shalt  }
0x42: {  	_ =	shalt  }
0x43: {  	_ =	shalt  }
0x44: {  	_ =	shalt  }
0x45: {  	_ =	shalt  }
0x46: {  	_ =	shalt  }
0x47: {  	_ =	shalt  }
0x48: {  	_ =	shalt  }
0x49: {  	_ =	shalt  }
0x4a: {  	_ =	shalt  }
0x4b: {  	_ =	shalt  }
0x4c: {  	_ =	shalt  }
0x4d: {  	_ =	shalt  }
0x4e: {  	_ =	shalt  }
0x4f: {  	_ =	shalt  }
0x50: {  	_ =	shalt  }
0x51: {  	_ =	shalt  }
0x52: {  	_ =	shalt  }
0x53: {  	_ =	shalt  }
0x54: {  	_ =	shalt  }
0x55: {  	_ =	shalt  }
0x56: {  	_ =	shalt  }
0x57: {  	_ =	shalt  }
0x58: {  	_ =	shalt  }
0x59: {  	_ =	shalt  }
0x5a: {  	_ =	shalt  }
0x5b: {  	_ =	shalt  }
0x5c: {  	_ =	shalt  }
0x5d: {  	_ =	shalt  }
0x5e: {  	_ =	shalt  }
0x5f: {  	_ =	shalt  }
0x60: {  	_ =	shalt  }
0x61: {  	_ =	shalt  }
0x62: {  	_ =	shalt  }
0x63: {  	_ =	shalt  }
0x64: {  	_ =	shalt  }
0x65: {  	_ =	shalt  }
0x66: {  	_ =	shalt  }
0x67: {  	_ =	shalt  }
0x68: {  	_ =	shalt  }
0x69: {  	_ =	shalt  }
0x6a: {  	_ =	shalt  }
0x6b: {  	_ =	shalt  }
0x6c: {  	_ =	shalt  }
0x6d: {  	_ =	shalt  }
0x6e: {  	_ =	shalt  }
0x6f: {  	_ =	shalt  }
0x70: {  	_ =	shalt  }
0x71: {  	_ =	shalt  }
0x72: {  	_ =	shalt  }
0x73: {  	_ =	shalt  }
0x74: {  	_ =	shalt  }
0x75: {  	_ =	shalt  }
0x76: {  	_ =	shalt  }
0x77: {  	_ =	shalt  }
0x78: {  	_ =	shalt  }
0x79: {  	_ =	shalt  }
0x7a: {  	_ =	shalt  }
0x7b: {  	_ =	shalt  }
0x7c: {  	_ =	shalt  }
0x7d: {  	_ =	shalt  }
0x7e: {  	_ =	shalt  }
0x7f: {  	_ =	shalt  }
0x80: {  	_ =	shalt  }
0x81: {  	_ =	shalt  }
0x82: {  	_ =	shalt  }
0x83: {  	_ =	shalt  }
0x84: {  	_ =	shalt  }
0x85: {  	_ =	shalt  }
0x86: {  	_ =	shalt  }
0x87: {  	_ =	shalt  }
.Lfunc_end0:
.L_simem_size_0:
called_computation.1_lowered:
.L_overlay_start_0:
0x88: {  	s2 =	sld [smem:$0x3FD9]  }
0x89: {  	s3 =	sld [smem:$0x3FFE];
	_ =	sdelay $0x1  }
0x8a: {  	s1 =	srdreg.scid  }
0x8b: {  	s0 =	sand.u32 $0x1, s1  }
0x8c: {  	s17 =	sshll.u32 s0, $0xA;
	s2 =	sadd.s32 s3, s2  }
0x8d: {  	s2 =	sadd.s32 s2, s17  }
0x8e: {  	[smem:$0x3FBE] =	sst s2  }
0x8f: {  	_ = 	snop  }
0x90: {  	s2 =	sld [smem:$0x3FD0];
	(tm) =	ssettm $0x1  }
0x91: {  	s18 =	sld [smem:$0x3FFB];
	_ =	sdelay $0x3  }
0x92: {  	_ =	strace s18  }
0x93: {  	s3 =	sld [smem:$0x3FFC];
	_ =	sdelay $0x3  }
0x94: {  	_ =	strace s3  }
0x95: {  	s3 =	sld [smem:$0x3FFD];
	_ =	sdelay $0x3  }
0x96: {  	_ =	strace s3  }
0x97: {  	_ =	strace $0x8FFFFFFF  }
0x98: {  	s19 =	sld [smem:$0x3FDB];
	_ =	sdelay $0x1  }
0x99: {  	s4 =	simm.s32 $_scs_section_size  }
0x9a: {  	s5 =	simm.s32 $_size__tile_overlayer_lowered;
	s6 =	simm.s32 $_tile_overlayer_lowered  }
0x9b: {  	s22 =	simm.s32 $0x1BFF;
	s21 =	sshll.u32 s6, $0x1;
	s3 =	sadd.s32 s4, s19  }
0x9c: {  	s7 =	simm.s32 $0x0;
	s20 =	sshll.u32 s5, $0x1;
	s5 =	sadd.s32 s21, s3  }
0x9d: {  	[timem:s7], [sflag:s22] =	dma.local [hbm:s5], s20  }
0x9e: {  	_ =	swait.ge [sflag:s22], s20  }
0x9f: {  	s4 =	ssub.s32 $0x0, s20;
	[sflag:s22] =	ssyncset.done $0x0  }
0xa0: {  	[sflag:s22] =	ssyncadd.s32 s4;
	_ =	sdelay $0x1  }
0xa1: {  	s23 =	simm.s32 $0x1B8B  }
0xa2: {  	_ =	swait.ge [sflag:s23], $0x1  }
0xa3: {  	[sflag:s23] =	ssyncset.done $0x0  }
0xa4: {  	s25 =	simm.s32 $0x1B8E;
	s24 =	sld [smem:$0x3FFE];
	[sflag:s23] =	ssyncadd.s32 $0xFFFFFFFF  }
0xa5: {  	s26 =	simm.s32 $execute0_lowered;
	[smem:$0x3FD2] =	sst s25  }
0xa6: {  	s5 =	sshll.u32 s26, $0x1;
	_ =	strace $0x80000049;
	[dreg:$0x1] =	wrdreg $0xFFFFFFFF  }
0xa7: {  	s28 =	simm.s32 $_size_execute0_lowered;
	s3 =	sadd.s32 s3, s5;
	[dreg:$0x0] =	wrdreg $0x0  }
0xa8: {  	s5 =	sshll.u32 s28, $0x1;
	[dreg:$0x2] =	wrdreg s3  }
0xa9: {  	[dreg:$0x3] =	wrdreg s5  }
0xaa: {  	[dreg:$0x4] =	wrdreg $0xC0  }
0xab: {  	_ =	task [dreg:s7], $0x5FFFF  }
0xac: {  	[dreg:$0x1] =	wrdreg $0xFFFFFFFF  }
0xad: {  	[dreg:$0x0] =	wrdreg $0x60  }
0xae: {  	[dreg:$0x2] =	wrdreg s24  }
0xaf: {  	[dreg:$0x3] =	wrdreg s2  }
0xb0: {  	[dreg:$0x4] =	wrdreg $0x62000  }
0xb1: {  	[dreg:$0x5] =	wrdreg $0x9  }
0xb2: {  	_ =	task.clear_ibuf [dreg:s7], $0x6FFFF;
	_ =	strace $0x90000049  }
0xb3: {  	s29 =	simm.s32 $0x9;
	_ =	strace $0x8000004B  }
0xb4: {  	_ =	swait.ge [sflag:s29], $0x1  }
0xb5: {  	[sflag:s29] =	ssyncadd.s32 $0xFFFFFFFF  }
0xb6: {  	_ =	strace $0x9000004B  }
0xb7: {  	_ =	sfence  }
0xb8: {  	s30 =	sld [smem:$0x0];
	_ =	sdelay $0x2  }
0xb9: {  	s31 =	sshll.u32 s1, $0xD;
	s1 =	sshrl.u32 s1, $0x2  }
0xba: {  	s3 =	sand.u32 $0x4000, s31;
	s1 =	sadd.s32 s1, s30  }
0xbb: {  	s0 =	sor.u32 s3, s0;
	s1 =	sshll.u32 s1, $0x11  }
0xbc: {  	s0 =	sor.u32 s1, s0  }
0xbd: {  	s0 =	sadd.s32 $0x8F2B, s0  }
0xbe: {  	[sflag:s0] =	ssyncadd.remote.s32 $0x1  }
0xbf: {  	_ =	sfence.sel $0xFFFF  }
0xc0: {  	[dreg:$0x0] =	wrdreg $0xFFFFFFFF;
	(pc) =	sbr.abs _section_cstart, $3  }
0xc1: {  	[dreg:$0x1] =	wrdreg $0xFFFFFFFF  }
0xc2: {  	_ =	task.clear_ibuf [dreg:s7], $0x2FFFF;
	_ =	strace $0x9FFFFFFF  }
0xc3: {  	(tm) =	ssettm $0x7FFFFFFF  }
tec
execute0_lowered:
.L_overlay_start_1:
0x0: {  	(tag) =	ssettag $0x1  }
0x1: {  	s0 =	rddreg [dreg:$0x0]  }
0x2: {  	s1 =	rddreg [dreg:$0x1]  }
0x3: {  	s2 =	rddreg [dreg:$0x2];
	s3 =	srdreg.scid;
	s4 =	simm.s32 $0x0  }
0x4: {  	s14 =	stileid.u32;
	s28 =	simm.s32 $0x1;
	s29 =	simm.s32 $0x50  }
0x5: {  	s30 =	simm.s32 $0x200;
	s31 =	simm.s32 $0x100;
	s10 =	smul.u32 $0x50000, s14  }
0x6: {  	s3 =	sand.u32 $0x1, s3;
	[smem:$0x7FF] =	sst s4;
	s12 =	smul.u32 $0x14000, s14  }
0x7: {  	s5 =	sshll.u32 s3, $0x4;
	_ =	strace $0x8000004A;
	s11 =	smul.u32 $0x140000, s3  }
0x8: {  	s8 =	ssub.s32 $0x2, s3;
	s3 =	smul.u32 $0x27100, s3;
	s6 =	sor.u32 s14, s5  }
0x9: {  	s5 =	sadd.s32 $0xCE00, s0;
	s9 =	sshrl.u32 s8, $0x1;
	s21 =	sshrl.u32 s10, $0x2  }
0xa: {  	s26 =	sadd.s32 $0x4000, s12;
	s17 =	sadd.s32 $0x8000, s12;
	s7 =	smul.u32 $0x2710, s6  }
0xb: {  	s6 =	sadd.s32 $0x3000, s0;
	s0 =	sadd.s32 $0x34E00, s0;
	s8 =	ssub.s32 s8, s9  }
0xc: {  	s9 =	sadd.s32 s21, s2;
	s24 =	sadd.s32 s11, s12;
	s16 =	sadd.s32 s11, s26  }
0xd: {  	s18 =	sadd.s32 s11, s17;
	s8 =	smax.u32 s8, $0x1;
	s7 =	sshrl.u32 s7, $0x3  }
0xe: {  	[dreg:$0xb] =	wrdreg s8;
	s8 =	sadd.s32 s17, s2;
	s17 =	sadd.s32 $0x9000, s9  }
0xf: {  	s19 =	sadd.s32 s26, s2;
	s20 =	sadd.s32 s1, s7;
	[dreg:$0x1c] =	wrdreg s17  }
0x10: {  	s21 =	sadd.s32 $0xC000, s12;
	s13 =	sadd.s32 s6, s7;
	[dreg:$0x4] =	wrdreg s20  }
0x11: {  	s12 =	sadd.s32 $0x10000, s12;
	s26 =	sshrl.u32 s8, $0x3;
	[dreg:$0x5] =	wrdreg s13  }
0x12: {  	s22 =	sadd.s32 $0xA, s7;
	s8 =	sadd.s32 $0x1000, s9;
	[dreg:$0x11] =	wrdreg s26  }
0x13: {  	s7 =	sadd.s32 $0x4D8, s7;
	s23 =	sadd.s32 s1, s22;
	[dreg:$0x14] =	wrdreg s8  }
0x14: {  	s17 =	sadd.s32 $0x10000, s9;
	s10 =	sadd.s32 s6, s22;
	[dreg:$0x6] =	wrdreg s23  }
0x15: {  	s25 =	sadd.s32 s1, s7;
	s7 =	sadd.s32 s6, s7;
	[dreg:$0x7] =	wrdreg s10  }
0x16: {  	s20 =	smul.u32 $0x2710, s14;
	s22 =	sadd.s32 s11, s21;
	[dreg:$0x8] =	wrdreg s25  }
0x17: {  	s11 =	sadd.s32 s11, s12;
	s14 =	sadd.s32 $0x6000, s9;
	[dreg:$0x9] =	wrdreg s7  }
0x18: {  	s26 =	sadd.s32 $0xF000, s9;
	s8 =	simm.s32 $0x3;
	[dreg:$0x19] =	wrdreg s14  }
0x19: {  	s10 =	sshrl.u32 s24, $0x3;
	s25 =	sshrl.u32 s19, $0x3;
	[smem:$0x7FD] =	sst s26  }
0x1a: {  	s24 =	sadd.s32 s12, s2;
	s12 =	sadd.s32 $0x4000, s9;
	[dreg:$0x10] =	wrdreg s25  }
0x1b: {  	s7 =	sshrl.u32 s16, $0x3;
	s16 =	sadd.s32 $0x8000, s9;
	[dreg:$0x17] =	wrdreg s12  }
0x1c: {  	s13 =	sshrl.u32 s22, $0x3;
	s19 =	sadd.s32 $0xB000, s9;
	[dreg:$0x1b] =	wrdreg s16  }
0x1d: {  	s11 =	sshrl.u32 s11, $0x3;
	s15 =	sadd.s32 s0, s10;
	[dreg:$0x1e] =	wrdreg s19  }
0x1e: {  	s26 =	simm.s32 $0x5;
	s7 =	sadd.s32 s0, s7;
	[dreg:$0xa] =	wrdreg s15  }
0x1f: {  	s3 =	sadd.s32 s20, s3;
	s13 =	sadd.s32 s0, s13;
	[dreg:$0xc] =	wrdreg s7  }
0x20: {  	s10 =	sadd.s32 $0x2000, s9;
	s25 =	sadd.s32 $0xE000, s9;
	[dreg:$0xe] =	wrdreg s13  }
0x21: {  	s19 =	sadd.s32 $0x12000, s9;
	s7 =	sshrl.u32 s18, $0x3;
	[dreg:$0x15] =	wrdreg s10  }
0x22: {  	s23 =	sadd.s32 $0xF0, s3;
	s13 =	sadd.s32 $0x5000, s9;
	[smem:$0x7FC] =	sst s25  }
0x23: {  	s22 =	sadd.s32 $0xA0, s3;
	s15 =	sadd.s32 $0x7000, s9;
	[dreg:$0x18] =	wrdreg s13  }
0x24: {  	s18 =	sadd.s32 $0xA000, s9;
	s25 =	simm.s32 $0x5200;
	[dreg:$0x1a] =	wrdreg s15  }
0x25: {  	s10 =	simm.s32 $0x4;
	s7 =	sadd.s32 s0, s7;
	[dreg:$0x1d] =	wrdreg s18  }
0x26: {  	s0 =	sadd.s32 s0, s11;
	s11 =	sadd.s32 $0x3000, s9;
	[dreg:$0xd] =	wrdreg s7  }
0x27: {  	s18 =	sadd.s32 $0x11000, s9;
	[dreg:$0xf] =	wrdreg s0;
	s7 =	sadd.s32 s21, s2  }
0x28: {  	s0 =	sshrl.u32 s23, $0x3;
	[dreg:$0x16] =	wrdreg s11;
	s23 =	sadd.s32 $0xC000, s9  }
0x29: {  	s11 =	simm.s32 $0x0;
	s3 =	sshrl.u32 s7, $0x3;
	[dreg:$0x1f] =	wrdreg s23  }
0x2a: {  	s20 =	sadd.s32 s0, s6;
	s7 =	sshrl.u32 s24, $0x3;
	[dreg:$0x12] =	wrdreg s3  }
0x2b: {  	s21 =	sadd.s32 s0, s1;
	s24 =	sadd.s32 $0xD000, s9;
	[dreg:$0x13] =	wrdreg s7  }
0x2c: {  	s23 =	sadd.s32 $0x13000, s9;
	s0 =	simm.s32 $0x180;
	[smem:$0x7FB] =	sst s24  }
0x2d: {  	v0 =	vimm.f32 $0.0e+00;
	s24 =	simm.s32 $0x80;
	s3 =	simm.s32 $0x2;
	s7 =	simm.s32 $0x2A00  }
.LBB2_1:
0x2e: {  	s12 =	rddreg [dreg:$0x4]  }
0x2f: {  	[tilespmem:s4], [sflag:$0x1] =	stream.linear.gather [hbm4b:s12+s4], $0x50, $0x38;
	[tilespmem:$0x1A200] =	vst v63  }
0x30: {  	s16 =	rddreg [dreg:$0x5];
	s13 =	simm.s32 $0x200;
	s12 =	simm.s32 $0x0  }
0x31: {  	[tilespmem:s24], [sflag:$0x1] =	stream.linear.gather [hbm4b:s16+s4], $0x50, $0x38;
	[tilespmem:$0x1A200] =	vst v63  }
.LBB2_2:
0x32: {  	p0 =	sne.s32 s13, $0x3E00;
	[tilespmem:s12+$0x5270] =	vst v0  }
0x33: {  	[tilespmem:s12+$0x5200] =	vst v0  }
0x34: {  	[tilespmem:s12+$0x5210] =	vst v0  }
.Ltmp0:
0x35: {  	[tilespmem:s12+$0x5220] =	vst v0;
	(pc) =	sbr.rel @p0 .LBB2_2-.Ltmp0, $4  }
0x36: {  	[tilespmem:s12+$0x5230] =	vst v0  }
0x37: {  	[tilespmem:s12+$0x5240] =	vst v0  }
0x38: {  	[tilespmem:s12+$0x5250] =	vst v0  }
0x39: {  	[tilespmem:s12+$0x5260] =	vst v0;
	s12 =	sshra.s32 s13, $0x2;
	s13 =	sadd.s32 $0x200, s13  }
0x3a: {  	[tilespmem:s12+$0x5270] =	vst v0  }
0x3b: {  	[tilespmem:s12+$0x5200] =	vst v0  }
0x3c: {  	[tilespmem:s12+$0x5210] =	vst v0  }
0x3d: {  	[tilespmem:s12+$0x5220] =	vst v0  }
0x3e: {  	[tilespmem:s12+$0x5230] =	vst v0  }
0x3f: {  	[tilespmem:s12+$0x5240] =	vst v0  }
0x40: {  	[tilespmem:s12+$0x5250] =	vst v0  }
0x41: {  	[tilespmem:s12+$0x5260] =	vst v0  }
0x42: {  	[spmem:s9] =	stream.linear.scatter [tilespmem:s25], [sflag:$0x5], $0x1000, $0x38;
	[tilespmem:$0x1A200] =	vst v63  }
0x43: {  	_ =	swait.ge [sflag:s26], $0x1000  }
0x44: {  	[sflag:s26] =	ssyncset.done $0x0  }
0x45: {  	s16 =	rddreg [dreg:$0x14];
	[sflag:s26] =	ssyncadd.s32 $0xFFFFF000  }
0x46: {  	[spmem:s16] =	stream.linear.scatter [tilespmem:s25], [sflag:$0x5], $0x1000, $0x38;
	[tilespmem:$0x1A200] =	vst v63  }
0x47: {  	_ =	swait.ge [sflag:s26], $0x1000  }
0x48: {  	[sflag:s26] =	ssyncset.done $0x0  }
0x49: {  	s13 =	rddreg [dreg:$0x15];
	[sflag:s26] =	ssyncadd.s32 $0xFFFFF000  }
0x4a: {  	[spmem:s13] =	stream.linear.scatter [tilespmem:s25], [sflag:$0x5], $0x1000, $0x38;
	[tilespmem:$0x1A200] =	vst v63  }
0x4b: {  	_ =	swait.ge [sflag:s26], $0x1000  }
0x4c: {  	[sflag:s26] =	ssyncset.done $0x0  }
0x4d: {  	s14 =	rddreg [dreg:$0x16];
	[sflag:s26] =	ssyncadd.s32 $0xFFFFF000  }
0x4e: {  	[spmem:s14] =	stream.linear.scatter [tilespmem:s25], [sflag:$0x5], $0x1000, $0x38;
	[tilespmem:$0x1A200] =	vst v63  }
0x4f: {  	_ =	swait.ge [sflag:s26], $0x1000  }
0x50: {  	[sflag:s26] =	ssyncset.done $0x0  }
0x51: {  	s15 =	rddreg [dreg:$0x17];
	[sflag:s26] =	ssyncadd.s32 $0xFFFFF000  }
0x52: {  	[spmem:s15] =	stream.linear.scatter [tilespmem:s25], [sflag:$0x5], $0x1000, $0x38;
	[tilespmem:$0x1A200] =	vst v63  }
0x53: {  	_ =	swait.ge [sflag:s26], $0x1000  }
0x54: {  	[sflag:s26] =	ssyncset.done $0x0  }
0x55: {  	s16 =	rddreg [dreg:$0x18];
	[sflag:s26] =	ssyncadd.s32 $0xFFFFF000  }
0x56: {  	[spmem:s16] =	stream.linear.scatter [tilespmem:s25], [sflag:$0x5], $0x1000, $0x38;
	[tilespmem:$0x1A200] =	vst v63  }
0x57: {  	_ =	swait.ge [sflag:s26], $0x1000  }
0x58: {  	[sflag:s26] =	ssyncset.done $0x0  }
0x59: {  	s13 =	rddreg [dreg:$0x19];
	[sflag:s26] =	ssyncadd.s32 $0xFFFFF000  }
0x5a: {  	[spmem:s13] =	stream.linear.scatter [tilespmem:s25], [sflag:$0x5], $0x1000, $0x38;
	[tilespmem:$0x1A200] =	vst v63  }
0x5b: {  	_ =	swait.ge [sflag:s26], $0x1000  }
0x5c: {  	[sflag:s26] =	ssyncset.done $0x0  }
0x5d: {  	s14 =	rddreg [dreg:$0x1a];
	[sflag:s26] =	ssyncadd.s32 $0xFFFFF000  }
0x5e: {  	[spmem:s14] =	stream.linear.scatter [tilespmem:s25], [sflag:$0x5], $0x1000, $0x38;
	[tilespmem:$0x1A200] =	vst v63  }
0x5f: {  	_ =	swait.ge [sflag:s26], $0x1000  }
0x60: {  	[sflag:s26] =	ssyncset.done $0x0  }
0x61: {  	s15 =	rddreg [dreg:$0x1b];
	[sflag:s26] =	ssyncadd.s32 $0xFFFFF000  }
0x62: {  	[spmem:s15] =	stream.linear.scatter [tilespmem:s25], [sflag:$0x5], $0x1000, $0x38;
	[tilespmem:$0x1A200] =	vst v63  }
0x63: {  	_ =	swait.ge [sflag:s26], $0x1000  }
0x64: {  	[sflag:s26] =	ssyncset.done $0x0  }
0x65: {  	s16 =	rddreg [dreg:$0x1c];
	[sflag:s26] =	ssyncadd.s32 $0xFFFFF000  }
0x66: {  	[spmem:s16] =	stream.linear.scatter [tilespmem:s25], [sflag:$0x5], $0x1000, $0x38;
	[tilespmem:$0x1A200] =	vst v63  }
0x67: {  	_ =	swait.ge [sflag:s26], $0x1000  }
0x68: {  	[sflag:s26] =	ssyncset.done $0x0  }
0x69: {  	s13 =	rddreg [dreg:$0x1d];
	[sflag:s26] =	ssyncadd.s32 $0xFFFFF000  }
0x6a: {  	[spmem:s13] =	stream.linear.scatter [tilespmem:s25], [sflag:$0x5], $0x1000, $0x38;
	[tilespmem:$0x1A200] =	vst v63  }
0x6b: {  	_ =	swait.ge [sflag:s26], $0x1000  }
0x6c: {  	[sflag:s26] =	ssyncset.done $0x0  }
0x6d: {  	s14 =	rddreg [dreg:$0x1e];
	[sflag:s26] =	ssyncadd.s32 $0xFFFFF000  }
0x6e: {  	[spmem:s14] =	stream.linear.scatter [tilespmem:s25], [sflag:$0x5], $0x1000, $0x38;
	[tilespmem:$0x1A200] =	vst v63  }
0x6f: {  	_ =	swait.ge [sflag:s26], $0x1000  }
0x70: {  	[sflag:s26] =	ssyncset.done $0x0  }
0x71: {  	s15 =	rddreg [dreg:$0x1f];
	[sflag:s26] =	ssyncadd.s32 $0xFFFFF000  }
0x72: {  	[spmem:s15] =	stream.linear.scatter [tilespmem:s25], [sflag:$0x5], $0x1000, $0x38;
	[tilespmem:$0x1A200] =	vst v63  }
0x73: {  	_ =	swait.ge [sflag:s26], $0x1000  }
0x74: {  	s16 =	sld [smem:$0x7FB]  }
0x75: {  	[sflag:s26] =	ssyncset.done $0x0  }
0x76: {  	[sflag:s26] =	ssyncadd.s32 $0xFFFFF000  }
0x77: {  	[spmem:s16] =	stream.linear.scatter [tilespmem:s25], [sflag:$0x5], $0x1000, $0x38;
	[tilespmem:$0x1A200] =	vst v63  }
0x78: {  	_ =	swait.ge [sflag:s26], $0x1000  }
0x79: {  	s13 =	sld [smem:$0x7FC]  }
0x7a: {  	[sflag:s26] =	ssyncset.done $0x0  }
0x7b: {  	[sflag:s26] =	ssyncadd.s32 $0xFFFFF000  }
0x7c: {  	[spmem:s13] =	stream.linear.scatter [tilespmem:s25], [sflag:$0x5], $0x1000, $0x38;
	[tilespmem:$0x1A200] =	vst v63  }
0x7d: {  	_ =	swait.ge [sflag:s26], $0x1000  }
0x7e: {  	s14 =	sld [smem:$0x7FD]  }
0x7f: {  	[sflag:s26] =	ssyncset.done $0x0  }
0x80: {  	[sflag:s26] =	ssyncadd.s32 $0xFFFFF000  }
0x81: {  	[spmem:s14] =	stream.linear.scatter [tilespmem:s25], [sflag:$0x5], $0x1000, $0x38;
	[tilespmem:$0x1A200] =	vst v63  }
0x82: {  	_ =	swait.ge [sflag:s26], $0x1000  }
0x83: {  	[sflag:s26] =	ssyncset.done $0x0  }
0x84: {  	[sflag:s26] =	ssyncadd.s32 $0xFFFFF000  }
0x85: {  	[spmem:s17] =	stream.linear.scatter [tilespmem:s25], [sflag:$0x5], $0x1000, $0x38;
	[tilespmem:$0x1A200] =	vst v63  }
0x86: {  	_ =	swait.ge [sflag:s26], $0x1000  }
0x87: {  	[sflag:s26] =	ssyncset.done $0x0  }
0x88: {  	[sflag:s26] =	ssyncadd.s32 $0xFFFFF000  }
0x89: {  	[spmem:s18] =	stream.linear.scatter [tilespmem:s25], [sflag:$0x5], $0x1000, $0x38;
	[tilespmem:$0x1A200] =	vst v63  }
0x8a: {  	_ =	swait.ge [sflag:s26], $0x1000  }
0x8b: {  	[sflag:s26] =	ssyncset.done $0x0  }
0x8c: {  	[sflag:s26] =	ssyncadd.s32 $0xFFFFF000  }
0x8d: {  	[spmem:s19] =	stream.linear.scatter [tilespmem:s25], [sflag:$0x5], $0x1000, $0x38;
	[tilespmem:$0x1A200] =	vst v63  }
0x8e: {  	_ =	swait.ge [sflag:s26], $0x1000  }
0x8f: {  	[sflag:s26] =	ssyncset.done $0x0  }
0x90: {  	[sflag:s26] =	ssyncadd.s32 $0xFFFFF000  }
0x91: {  	[spmem:s23] =	stream.linear.scatter [tilespmem:s25], [sflag:$0x5], $0x1000, $0x38;
	[tilespmem:$0x1A200] =	vst v63  }
0x92: {  	_ =	swait.ge [sflag:s26], $0x1000  }
0x93: {  	[sflag:s26] =	ssyncset.done $0x0  }
0x94: {  	[sflag:s26] =	ssyncadd.s32 $0xFFFFF000  }
0x95: {  	[bflag:$0x0] =	sbarrier.arrive $0xFFFF  }
0x96: {  	_ =	swait.ge [sflag:s28], $0x50  }
0x97: {  	[sflag:s28] =	ssyncset.done $0x0  }
0x98: {  	[sflag:s28] =	ssyncadd.s32 $0xFFFFFFB0  }
0x99: {  	_ =	swait.ge [sflag:s28], $0x50  }
0x9a: {  	[sflag:s28] =	ssyncset.done $0x0  }
0x9b: {  	s15 =	simm.s32 $0x0;
	[sflag:s28] =	ssyncadd.s32 $0xFFFFFFB0  }
0x9c: {  	[tilespmem:s30], [sflag:$0x3] =	stream.indirect.gather [hbm4b:s5+s29], $0x80, s15, s29, $0xb8;
	[tilespmem:$0x1A200] =	vst v63  }
0x9d: {  	s13 =	rddreg [dreg:$0x6]  }
0x9e: {  	[tilespmem:s31], [sflag:$0x2] =	stream.linear.gather [hbm4b:s13+s15], $0x50, $0x38;
	[tilespmem:$0x1A200] =	vst v63  }
0x9f: {  	s16 =	rddreg [dreg:$0x7]  }
0xa0: {  	[tilespmem:s0], [sflag:$0x2] =	stream.linear.gather [hbm4b:s16+s15], $0x50, $0x38;
	[tilespmem:$0x1A200] =	vst v63  }
0xa1: {  	_ =	swait.ge [sflag:s3], $0x50  }
0xa2: {  	[sflag:s3] =	ssyncset.done $0x0  }
0xa3: {  	[sflag:s3] =	ssyncadd.s32 $0xFFFFFFB0  }
0xa4: {  	_ =	swait.ge [sflag:s3], $0x50  }
0xa5: {  	[sflag:s3] =	ssyncset.done $0x0  }
0xa6: {  	[sflag:s3] =	ssyncadd.s32 $0xFFFFFFB0  }
0xa7: {  	[tilespmem:s7], [sflag:$0x4] =	stream.indirect.gather [hbm4b:s5+s29], $0x80, s31, s29, $0xb8;
	[tilespmem:$0x1A200] =	vst v63  }
0xa8: {  	_ =	swait.ge [sflag:s8], $0x2800  }
0xa9: {  	[sflag:s8] =	ssyncset.done $0x0  }
0xaa: {  	[sflag:s8] =	ssyncadd.s32 $0xFFFFD800  }
0xab: {  	[spmem:s2] =	stream.indirect.scatter.add.f32 [tilespmem:s30], [sflag:$0x5], $0x80, s24, s29, $0xb8;
	[tilespmem:$0x1A200] =	vst v63  }
0xac: {  	_ =	swait.ge [sflag:s26], $0x2800  }
0xad: {  	s14 =	sshrl.u32 s22, $0x3;
	[sflag:s26] =	ssyncset.done $0x0  }
0xae: {  	s15 =	sadd.s32 s1, s14;
	[sflag:s26] =	ssyncadd.s32 $0xFFFFD800  }
0xaf: {  	[tilespmem:s4], [sflag:$0x1] =	stream.linear.gather [hbm4b:s15+s4], $0x50, $0x38;
	[tilespmem:$0x1A200] =	vst v63  }
0xb0: {  	s12 =	sadd.s32 s6, s14  }
0xb1: {  	[tilespmem:s24], [sflag:$0x1] =	stream.linear.gather [hbm4b:s12+s4], $0x50, $0x38;
	[tilespmem:$0x1A200] =	vst v63  }
0xb2: {  	_ =	swait.ge [sflag:s28], $0x50  }
0xb3: {  	[sflag:s28] =	ssyncset.done $0x0  }
0xb4: {  	[sflag:s28] =	ssyncadd.s32 $0xFFFFFFB0  }
0xb5: {  	_ =	swait.ge [sflag:s28], $0x50  }
0xb6: {  	[sflag:s28] =	ssyncset.done $0x0  }
0xb7: {  	[sflag:s28] =	ssyncadd.s32 $0xFFFFFFB0  }
0xb8: {  	[tilespmem:s30], [sflag:$0x3] =	stream.indirect.gather [hbm4b:s5+s29], $0x80, s4, s29, $0xb8;
	[tilespmem:$0x1A200] =	vst v63  }
0xb9: {  	_ =	swait.ge [sflag:s10], $0x2800  }
0xba: {  	[sflag:s10] =	ssyncset.done $0x0  }
0xbb: {  	[sflag:s10] =	ssyncadd.s32 $0xFFFFD800  }
0xbc: {  	[spmem:s2] =	stream.indirect.scatter.add.f32 [tilespmem:s7], [sflag:$0x5], $0x80, s0, s29, $0xb8;
	[tilespmem:$0x1A200] =	vst v63  }
0xbd: {  	_ =	swait.ge [sflag:s26], $0x2800  }
0xbe: {  	s13 =	sadd.s32 $0xA0, s22;
	s16 =	sadd.s32 $0x0, s21;
	[sflag:s26] =	ssyncset.done $0x0  }
0xbf: {  	s14 =	sadd.s32 $0x0, s20;
	s12 =	simm.s32 $0x14;
	[sflag:s26] =	ssyncadd.s32 $0xFFFFD800  }
0xc0: {  	[tilespmem:s31], [sflag:$0x2] =	stream.linear.gather [hbm4b:s16+s4], $0x50, $0x38;
	[tilespmem:$0x1A200] =	vst v63  }
.LBB2_4:
0xc1: {  	[tilespmem:s0], [sflag:$0x2] =	stream.linear.gather [hbm4b:s14+s4], $0x50, $0x38;
	[tilespmem:$0x1A200] =	vst v63  }
0xc2: {  	s14 =	smov.u32 s12  }
0xc3: {  	p0 =	sne.s32 s12, $0x4B0;
	s12 =	sadd.s32 $0x14, s12;
	_ =	swait.ge [sflag:s3], $0x50  }
0xc4: {  	[sflag:s3] =	ssyncset.done $0x0  }
0xc5: {  	[sflag:s3] =	ssyncadd.s32 $0xFFFFFFB0  }
0xc6: {  	_ =	swait.ge [sflag:s3], $0x50  }
0xc7: {  	[sflag:s3] =	ssyncset.done $0x0  }
0xc8: {  	[sflag:s3] =	ssyncadd.s32 $0xFFFFFFB0  }
0xc9: {  	[tilespmem:s7], [sflag:$0x4] =	stream.indirect.gather [hbm4b:s5+s29], $0x80, s31, s29, $0xb8;
	[tilespmem:$0x1A200] =	vst v63  }
0xca: {  	_ =	swait.ge [sflag:s8], $0x2800  }
0xcb: {  	[sflag:s8] =	ssyncset.done $0x0  }
0xcc: {  	[sflag:s8] =	ssyncadd.s32 $0xFFFFD800  }
0xcd: {  	[spmem:s2] =	stream.indirect.scatter.add.f32 [tilespmem:s30], [sflag:$0x5], $0x80, s24, s29, $0xb8;
	[tilespmem:$0x1A200] =	vst v63  }
0xce: {  	_ =	swait.ge [sflag:s26], $0x2800  }
0xcf: {  	s15 =	sshrl.u32 s13, $0x3;
	[sflag:s26] =	ssyncset.done $0x0  }
0xd0: {  	s16 =	sadd.s32 s1, s15;
	[sflag:s26] =	ssyncadd.s32 $0xFFFFD800  }
0xd1: {  	[tilespmem:s4], [sflag:$0x1] =	stream.linear.gather [hbm4b:s16+s4], $0x50, $0x38;
	[tilespmem:$0x1A200] =	vst v63  }
0xd2: {  	s15 =	sadd.s32 s6, s15  }
0xd3: {  	[tilespmem:s24], [sflag:$0x1] =	stream.linear.gather [hbm4b:s15+s4], $0x50, $0x38;
	[tilespmem:$0x1A200] =	vst v63  }
0xd4: {  	_ =	swait.ge [sflag:s28], $0x50  }
0xd5: {  	[sflag:s28] =	ssyncset.done $0x0  }
0xd6: {  	[sflag:s28] =	ssyncadd.s32 $0xFFFFFFB0  }
0xd7: {  	_ =	swait.ge [sflag:s28], $0x50  }
0xd8: {  	[sflag:s28] =	ssyncset.done $0x0  }
0xd9: {  	[sflag:s28] =	ssyncadd.s32 $0xFFFFFFB0  }
0xda: {  	[tilespmem:s30], [sflag:$0x3] =	stream.indirect.gather [hbm4b:s5+s29], $0x80, s4, s29, $0xb8;
	[tilespmem:$0x1A200] =	vst v63  }
0xdb: {  	_ =	swait.ge [sflag:s10], $0x2800  }
0xdc: {  	[sflag:s10] =	ssyncset.done $0x0  }
0xdd: {  	[sflag:s10] =	ssyncadd.s32 $0xFFFFD800  }
0xde: {  	[spmem:s2] =	stream.indirect.scatter.add.f32 [tilespmem:s7], [sflag:$0x5], $0x80, s0, s29, $0xb8;
	[tilespmem:$0x1A200] =	vst v63  }
.Ltmp1:
0xdf: {  	_ =	swait.ge [sflag:s26], $0x2800;
	(pc) =	sbr.rel @p0 .LBB2_4-.Ltmp1, $4  }
0xe0: {  	[sflag:s26] =	ssyncset.done $0x0  }
0xe1: {  	s15 =	sadd.s32 s14, s21;
	[sflag:s26] =	ssyncadd.s32 $0xFFFFD800  }
0xe2: {  	[tilespmem:s31], [sflag:$0x2] =	stream.linear.gather [hbm4b:s15+s4], $0x50, $0x38;
	[tilespmem:$0x1A200] =	vst v63  }
0xe3: {  	s13 =	sadd.s32 $0xA0, s13;
	s14 =	sadd.s32 s14, s20  }
0xe4: {  	[tilespmem:s0], [sflag:$0x2] =	stream.linear.gather [hbm4b:s14+s4], $0x50, $0x38;
	[tilespmem:$0x1A200] =	vst v63  }
0xe5: {  	_ =	swait.ge [sflag:s3], $0x50  }
0xe6: {  	[sflag:s3] =	ssyncset.done $0x0  }
0xe7: {  	[sflag:s3] =	ssyncadd.s32 $0xFFFFFFB0  }
0xe8: {  	_ =	swait.ge [sflag:s3], $0x50  }
0xe9: {  	[sflag:s3] =	ssyncset.done $0x0  }
0xea: {  	[sflag:s3] =	ssyncadd.s32 $0xFFFFFFB0  }
0xeb: {  	[tilespmem:s7], [sflag:$0x4] =	stream.indirect.gather [hbm4b:s5+s29], $0x80, s31, s29, $0xb8;
	[tilespmem:$0x1A200] =	vst v63  }
0xec: {  	_ =	swait.ge [sflag:s8], $0x2800  }
0xed: {  	[sflag:s8] =	ssyncset.done $0x0  }
0xee: {  	[sflag:s8] =	ssyncadd.s32 $0xFFFFD800  }
0xef: {  	[spmem:s2] =	stream.indirect.scatter.add.f32 [tilespmem:s30], [sflag:$0x5], $0x80, s24, s29, $0xb8;
	[tilespmem:$0x1A200] =	vst v63  }
0xf0: {  	_ =	swait.ge [sflag:s26], $0x2800  }
0xf1: {  	[sflag:s26] =	ssyncset.done $0x0  }
0xf2: {  	s12 =	rddreg [dreg:$0x8];
	[sflag:s26] =	ssyncadd.s32 $0xFFFFD800  }
0xf3: {  	[tilespmem:s4], [sflag:$0x1] =	stream.linear.gather [hbm4b:s12+s4], $0x50, $0x38;
	[tilespmem:$0x1A200] =	vst v63  }
0xf4: {  	s14 =	rddreg [dreg:$0x9]  }
0xf5: {  	[tilespmem:s24], [sflag:$0x1] =	stream.linear.gather [hbm4b:s14+s4], $0x50, $0x38;
	[tilespmem:$0x1A200] =	vst v63  }
0xf6: {  	_ =	swait.ge [sflag:s28], $0x50  }
0xf7: {  	[sflag:s28] =	ssyncset.done $0x0  }
0xf8: {  	[sflag:s28] =	ssyncadd.s32 $0xFFFFFFB0  }
0xf9: {  	_ =	swait.ge [sflag:s28], $0x50  }
0xfa: {  	[sflag:s28] =	ssyncset.done $0x0  }
0xfb: {  	[sflag:s28] =	ssyncadd.s32 $0xFFFFFFB0  }
0xfc: {  	[tilespmem:s30], [sflag:$0x3] =	stream.indirect.gather [hbm4b:s5+s29], $0x80, s4, s29, $0xb8;
	[tilespmem:$0x1A200] =	vst v63  }
0xfd: {  	_ =	swait.ge [sflag:s10], $0x2800  }
0xfe: {  	[sflag:s10] =	ssyncset.done $0x0  }
0xff: {  	[sflag:s10] =	ssyncadd.s32 $0xFFFFD800  }
0x100: {  	[spmem:s2] =	stream.indirect.scatter.add.f32 [tilespmem:s7], [sflag:$0x5], $0x80, s0, s29, $0xb8;
	[tilespmem:$0x1A200] =	vst v63  }
0x101: {  	_ =	swait.ge [sflag:s26], $0x2800  }
0x102: {  	[sflag:s26] =	ssyncset.done $0x0  }
0x103: {  	[sflag:s26] =	ssyncadd.s32 $0xFFFFD800  }
0x104: {  	_ =	swait.ge [sflag:s8], $0x2800  }
0x105: {  	[sflag:s8] =	ssyncset.done $0x0  }
0x106: {  	[sflag:s8] =	ssyncadd.s32 $0xFFFFD800  }
0x107: {  	[spmem:s2] =	stream.indirect.scatter.add.f32 [tilespmem:s30], [sflag:$0x5], $0x80, s24, s29, $0xb8;
	[tilespmem:$0x1A200] =	vst v63  }
0x108: {  	_ =	swait.ge [sflag:s26], $0x2800  }
0x109: {  	[sflag:s26] =	ssyncset.done $0x0  }
0x10a: {  	s15 =	stileid.u32;
	[sflag:s26] =	ssyncadd.s32 $0xFFFFD800  }
0x10b: {  	s12 =	sshll.u32 s15, $0x6;
	[bflag:$0x0] =	sbarrier.arrive $0xFFFF  }
0x10c: {  	s13 =	sshrl.u32 s9, $0x3;
	s12 =	sor.u32 $0x1C05, s12;
	s16 =	rddreg [dreg:$0xa]  }
0x10d: {  	[hbm:s16], [sflag:s12] =	dma.local [spmem:s13], $0x800  }
0x10e: {  	_ =	swait.ge [sflag:s26], $0x800  }
0x10f: {  	[sflag:s26] =	ssyncset.done $0x0;
	s15 =	rddreg [dreg:$0xc]  }
0x110: {  	s16 =	rddreg [dreg:$0x10];
	[sflag:s26] =	ssyncadd.s32 $0xFFFFF800  }
0x111: {  	[hbm:s15], [sflag:s12] =	dma.local [spmem:s16], $0x800  }
0x112: {  	_ =	swait.ge [sflag:s26], $0x800  }
0x113: {  	[sflag:s26] =	ssyncset.done $0x0;
	s15 =	rddreg [dreg:$0xd]  }
0x114: {  	s16 =	rddreg [dreg:$0x11];
	[sflag:s26] =	ssyncadd.s32 $0xFFFFF800  }
0x115: {  	[hbm:s15], [sflag:s12] =	dma.local [spmem:s16], $0x800  }
0x116: {  	_ =	swait.ge [sflag:s26], $0x800  }
0x117: {  	[sflag:s26] =	ssyncset.done $0x0;
	s15 =	rddreg [dreg:$0xe]  }
0x118: {  	s16 =	rddreg [dreg:$0x12];
	[sflag:s26] =	ssyncadd.s32 $0xFFFFF800  }
0x119: {  	[hbm:s15], [sflag:s12] =	dma.local [spmem:s16], $0x800  }
0x11a: {  	_ =	swait.ge [sflag:s26], $0x800  }
0x11b: {  	[sflag:s26] =	ssyncset.done $0x0;
	s14 =	rddreg [dreg:$0xf]  }
0x11c: {  	s15 =	rddreg [dreg:$0x13];
	[sflag:s26] =	ssyncadd.s32 $0xFFFFF800  }
0x11d: {  	[hbm:s14], [sflag:s12] =	dma.local [spmem:s15], $0x800  }
0x11e: {  	_ =	swait.ge [sflag:s26], $0x800  }
0x11f: {  	s11 =	sadd.s32 $0x1, s11;
	s16 =	rddreg [dreg:$0xb]  }
0x120: {  	p0 =	sne.s32 s11, s16  }
.Ltmp2:
0x121: {  	_ = 	snop;
	(pc) =	sbr.rel @p0 .LBB2_1-.Ltmp2, $3  }
0x122: {  	_ =	sdelay $0x1  }
0x123: {  	[sflag:s26] =	ssyncset.done $0x0  }
0x124: {  	[sflag:s26] =	ssyncadd.s32 $0xFFFFF800  }
0x125: {  	_ =	sfence.sel $0x180000  }
0x126: {  	[bflag:$0x0] =	sbarrier.arrive $0xFFFF  }
0x127: {  	_ =	strace $0x9000004A  }
0x128: {  	s0 =	stileid.u32;
	[bflag:$0x2] =	sbarrier.arrive $0xFFFF  }
0x129: {  	p0 =	sne.s32 s0, $0x0;
	s0 =	rddreg [dreg:$0x3]  }
0x12a: {  	s0 =	sadd.s32 @!p0 $0x100000, s0  }
0x12b: {  	[sflag:s0] =	ssyncadd.tile.s32 @!p0 $0x1;
	_ =	shalt  }
.Lfunc_end2:
_tile_overlayer_lowered:
.L_overlay_start_2:
0x12c: {  	(tag) =	ssettag $0x2  }
0x12d: {  	s0 =	rddreg [dreg:$0x0];
	s2 =	stileid.u32  }
0x12e: {  	s1 =	rddreg [dreg:$0x1];
	p0 =	sne.s32 s2, $0x0  }
0x12f: {  	s3 =	rddreg [dreg:$0x2];
	[bflag:$0x3] =	sbarrier.arrive $0xFFFF;
	s2 =	simm.s32 @!p0 $0x1C05  }
0x130: {  	[timem:s3], [sflag:s2] =	dma.local @!p0 [hbm:s0], s1  }
0x131: {  	s0 =	simm.s32 @!p0 $0x5  }
0x132: {  	_ =	swait.ge @!p0 [sflag:s0], s1  }
0x133: {  	s1 =	ssub.s32 @!p0 $0x0, s1;
	[sflag:s0] =	ssyncset.done @!p0 $0x0  }
0x134: {  	[sflag:s0] =	ssyncadd.s32 @!p0 s1  }
0x135: {  	[bflag:$0x3] =	sbarrier.arrive $0xFFFF  }
0x136: {  	_ =	shalt  }

// kernel: kernel.16.cloned.1.call-start
scs
__scs_entry_jumppad:
0x0: {  	(pc) =	sbr.rel $0x88, $3  }
0x1: {  	(tag) =	ssettag $0x0;
	lr =	simm.s32 $0x1  }
0x2: {  	[smem:$0x3F97] =	sst lr;
	_ =	strace $0xD0000000  }
0x3: {  	_ = 	snop  }
0x4: {  	_ = 	snop  }
0x5: {  	_ = 	snop  }
0x6: {  	_ = 	snop  }
0x7: {  	_ = 	snop  }
__scs_overlays_trampoline_lowered:
0x8: {  	[smem:$0x3FA6] =	sst s0  }
0x9: {  	[smem:$0x3FA7] =	sst s1  }
0xa: {  	[smem:$0x3FA8] =	sst s2  }
0xb: {  	[smem:$0x3FA9] =	sst s3  }
0xc: {  	[smem:$0x3FAA] =	sst s4  }
0xd: {  	[smem:$0x3FAB] =	sst s5  }
0xe: {  	[smem:$0x3FAC] =	sst s6  }
0xf: {  	[smem:$0x3FAD] =	sst s7  }
0x10: {  	[smem:$0x3FAE] =	sst s8  }
0x11: {  	[smem:$0x3FAF] =	sst s9;
	s0 =	simm.s32 @!p0 $0x0  }
0x12: {  	s1 =	sld [smem:$0x3F95];
	s0 =	simm.s32 @p0 $0x1  }
0x13: {  	[smem:$0x3FB0] =	sst s0;
	s0 =	simm.s32 @!p1 $0x0  }
0x14: {  	s2 =	sld [smem:$0x3F94];
	s0 =	simm.s32 @p1 $0x1  }
0x15: {  	[smem:$0x3FB1] =	sst s0;
	s0 =	simm.s32 @!p2 $0x0  }
0x16: {  	s3 =	sld [smem:$0x3FDB];
	s0 =	simm.s32 @p2 $0x1  }
0x17: {  	s4 =	simm.s32 $0x1BF5;
	[smem:$0x3FB3] =	sst s0  }
0x18: {  	s0 =	sld [smem:$0x3F96];
	_ =	swait.ge [sflag:s4], $0x0  }
0x19: {  	s7 =	sld [smem:$0x3F97]  }
0x1a: {  	s8 =	sadd.s32 $0xFFFFE003, lr  }
0x1b: {  	s9 =	sadd.s32 $0xFFFFFEF7, lr;
	s5 =	simm.s32 $0xFFFFFFFF;
	p2 =	slt.u32 s8, $0xFFFFF086  }
0x1c: {  	p1 =	slt.u32 s9, $0xF7A;
	s5 =	simm.s32 @!p2 $0x0  }
0x1d: {  	s5 =	simm.s32 @p1 $0x1;
	p0 =	seq.s32 s7, s2  }
0x1e: {  	s7 =	smul.u32 @!p0 $0xF7A, s2;
	p2 =	seq.s32 @!p0 s5, $0x0  }
0x1f: {  	s9 =	smul.u32 $0xF7A, s1;
	s8 =	simm.s32 @!p0 $0x1BF5;
	p2 =	por !p2, p0  }
0x20: {  	[sflag:s8] =	ssyncset.s32 @!p0 $0xFFFFF086;
	s6 =	sadd.s32 @!p0 s3, s7;
	s7 =	simm.s32 @!p0 $0x108  }
0x21: {  	s3 =	sadd.s32 s3, s9;
	s6 =	sadd.s32 @!p0 $0x88, s6;
	s7 =	simm.s32 @p2 $0x1082  }
0x22: {  	[simem:s7], [sflag:s8] =	dma.local @!p0 [hbm:s6], $0xF7A  }
0x23: {  	s9 =	sor.u32 $0xD0000000, s2;
	s6 =	simm.s32 $0x108;
	_ =	swait.ge @!p0 [sflag:s8], $0x0  }
0x24: {  	s3 =	sadd.s32 $0x88, s3;
	s6 =	simm.s32 @!p1 $0x1082;
	[sflag:s4] =	ssyncset.s32 $0xFFFFF086  }
0x25: {  	[simem:s6], [sflag:s4] =	dma.local [hbm:s3], $0xF7A  }
0x26: {  	[smem:$0x3F97] =	sst s1;
	(tag) =	ssettag s2;
	_ =	strace s9  }
0x27: {  	s1 =	sld [smem:$0x3FA7]  }
0x28: {  	s2 =	sld [smem:$0x3FA8]  }
0x29: {  	s4 =	sld [smem:$0x3FAA]  }
0x2a: {  	p0 =	seq.s32 s5, $0x0;
	s5 =	sld [smem:$0x3FAB]  }
0x2b: {  	s6 =	sld [smem:$0x3FAC]  }
0x2c: {  	s7 =	sld [smem:$0x3FAD]  }
0x2d: {  	s3 =	simm.s32 $0x108;
	s8 =	sld [smem:$0x3FAE]  }
0x2e: {  	s3 =	simm.s32 @!p0 $0x1082;
	s9 =	sld [smem:$0x3FAF]  }
0x2f: {  	lr =	sadd.s32 s0, s3;
	s0 =	sld [smem:$0x3FA6]  }
0x30: {  	s3 =	sld [smem:$0x3FA9]  }
0x31: {  	[smem:$0x3FB2] =	sst s10  }
0x32: {  	s10 =	sld [smem:$0x3FB0];
	_ =	sdelay $0x3  }
0x33: {  	p0 =	seq.s32 s10, $0x1;
	s10 =	sld [smem:$0x3FB2];
	_ =	sdelay $0x3  }
0x34: {  	[smem:$0x3FB2] =	sst s10  }
0x35: {  	s10 =	sld [smem:$0x3FB1];
	_ =	sdelay $0x3  }
0x36: {  	p1 =	seq.s32 s10, $0x1;
	s10 =	sld [smem:$0x3FB2];
	_ =	sdelay $0x3  }
0x37: {  	[smem:$0x3FB2] =	sst s10  }
0x38: {  	s10 =	sld [smem:$0x3FB3]  }
0x39: {  	_ = 	snop;
	(pc) =	sbr.ind lr, $3  }
0x3a: {  	_ = 	snop  }
0x3b: {  	_ = 	snop  }
0x3c: {  	p2 =	seq.s32 s10, $0x1;
	s10 =	sld [smem:$0x3FB2]  }
0x3d: {  	_ =	shalt  }
0x3e: {  	_ =	shalt  }
0x3f: {  	_ =	shalt  }
0x40: {  	_ =	shalt  }
0x41: {  	_ =	shalt  }
0x42: {  	_ =	shalt  }
0x43: {  	_ =	shalt  }
0x44: {  	_ =	shalt  }
0x45: {  	_ =	shalt  }
0x46: {  	_ =	shalt  }
0x47: {  	_ =	shalt  }
0x48: {  	_ =	shalt  }
0x49: {  	_ =	shalt  }
0x4a: {  	_ =	shalt  }
0x4b: {  	_ =	shalt  }
0x4c: {  	_ =	shalt  }
0x4d: {  	_ =	shalt  }
0x4e: {  	_ =	shalt  }
0x4f: {  	_ =	shalt  }
0x50: {  	_ =	shalt  }
0x51: {  	_ =	shalt  }
0x52: {  	_ =	shalt  }
0x53: {  	_ =	shalt  }
0x54: {  	_ =	shalt  }
0x55: {  	_ =	shalt  }
0x56: {  	_ =	shalt  }
0x57: {  	_ =	shalt  }
0x58: {  	_ =	shalt  }
0x59: {  	_ =	shalt  }
0x5a: {  	_ =	shalt  }
0x5b: {  	_ =	shalt  }
0x5c: {  	_ =	shalt  }
0x5d: {  	_ =	shalt  }
0x5e: {  	_ =	shalt  }
0x5f: {  	_ =	shalt  }
0x60: {  	_ =	shalt  }
0x61: {  	_ =	shalt  }
0x62: {  	_ =	shalt  }
0x63: {  	_ =	shalt  }
0x64: {  	_ =	shalt  }
0x65: {  	_ =	shalt  }
0x66: {  	_ =	shalt  }
0x67: {  	_ =	shalt  }
0x68: {  	_ =	shalt  }
0x69: {  	_ =	shalt  }
0x6a: {  	_ =	shalt  }
0x6b: {  	_ =	shalt  }
0x6c: {  	_ =	shalt  }
0x6d: {  	_ =	shalt  }
0x6e: {  	_ =	shalt  }
0x6f: {  	_ =	shalt  }
0x70: {  	_ =	shalt  }
0x71: {  	_ =	shalt  }
0x72: {  	_ =	shalt  }
0x73: {  	_ =	shalt  }
0x74: {  	_ =	shalt  }
0x75: {  	_ =	shalt  }
0x76: {  	_ =	shalt  }
0x77: {  	_ =	shalt  }
0x78: {  	_ =	shalt  }
0x79: {  	_ =	shalt  }
0x7a: {  	_ =	shalt  }
0x7b: {  	_ =	shalt  }
0x7c: {  	_ =	shalt  }
0x7d: {  	_ =	shalt  }
0x7e: {  	_ =	shalt  }
0x7f: {  	_ =	shalt  }
0x80: {  	_ =	shalt  }
0x81: {  	_ =	shalt  }
0x82: {  	_ =	shalt  }
0x83: {  	_ =	shalt  }
0x84: {  	_ =	shalt  }
0x85: {  	_ =	shalt  }
0x86: {  	_ =	shalt  }
0x87: {  	_ =	shalt  }
.Lfunc_end0:
.L_simem_size_0:
called_computation.2_lowered:
.L_overlay_start_0:
0x88: {  	s2 =	sld [smem:$0x3FD9]  }
0x89: {  	s3 =	sld [smem:$0x3FFE];
	_ =	sdelay $0x1  }
0x8a: {  	s1 =	srdreg.scid  }
0x8b: {  	s0 =	sand.u32 $0x1, s1  }
0x8c: {  	s17 =	sshll.u32 s0, $0xA;
	s2 =	sadd.s32 s3, s2  }
0x8d: {  	s2 =	sadd.s32 s2, s17  }
0x8e: {  	[smem:$0x3FBE] =	sst s2  }
0x8f: {  	_ = 	snop  }
0x90: {  	s2 =	sld [smem:$0x3FD0];
	(tm) =	ssettm $0x1  }
0x91: {  	s18 =	sld [smem:$0x3FFB];
	_ =	sdelay $0x3  }
0x92: {  	_ =	strace s18  }
0x93: {  	s3 =	sld [smem:$0x3FFC];
	_ =	sdelay $0x3  }
0x94: {  	_ =	strace s3  }
0x95: {  	s3 =	sld [smem:$0x3FFD];
	_ =	sdelay $0x3  }
0x96: {  	_ =	strace s3  }
0x97: {  	_ =	strace $0x8FFFFFFF  }
0x98: {  	s19 =	sld [smem:$0x3FDB];
	_ =	sdelay $0x1  }
0x99: {  	s4 =	simm.s32 $_scs_section_size  }
0x9a: {  	s5 =	simm.s32 $_size__tile_overlayer_lowered;
	s6 =	simm.s32 $_tile_overlayer_lowered  }
0x9b: {  	s22 =	simm.s32 $0x1BFF;
	s21 =	sshll.u32 s6, $0x1;
	s3 =	sadd.s32 s4, s19  }
0x9c: {  	s7 =	simm.s32 $0x0;
	s20 =	sshll.u32 s5, $0x1;
	s5 =	sadd.s32 s21, s3  }
0x9d: {  	[timem:s7], [sflag:s22] =	dma.local [hbm:s5], s20  }
0x9e: {  	_ =	swait.ge [sflag:s22], s20  }
0x9f: {  	s4 =	ssub.s32 $0x0, s20;
	[sflag:s22] =	ssyncset.done $0x0  }
0xa0: {  	[sflag:s22] =	ssyncadd.s32 s4;
	_ =	sdelay $0x1  }
0xa1: {  	s23 =	simm.s32 $0x1B8B  }
0xa2: {  	_ =	swait.ge [sflag:s23], $0x1  }
0xa3: {  	[sflag:s23] =	ssyncset.done $0x0  }
0xa4: {  	s25 =	simm.s32 $0x1B8E;
	s24 =	sld [smem:$0x3FFE];
	[sflag:s23] =	ssyncadd.s32 $0xFFFFFFFF  }
0xa5: {  	s26 =	simm.s32 $execute0_lowered;
	[smem:$0x3FD2] =	sst s25  }
0xa6: {  	s5 =	sshll.u32 s26, $0x1;
	_ =	strace $0x8000004C;
	[dreg:$0x1] =	wrdreg $0xFFFFFFFF  }
0xa7: {  	s28 =	simm.s32 $_size_execute0_lowered;
	s3 =	sadd.s32 s3, s5;
	[dreg:$0x0] =	wrdreg $0x0  }
0xa8: {  	s5 =	sshll.u32 s28, $0x1;
	[dreg:$0x2] =	wrdreg s3  }
0xa9: {  	[dreg:$0x3] =	wrdreg s5  }
0xaa: {  	[dreg:$0x4] =	wrdreg $0xC0  }
0xab: {  	_ =	task [dreg:s7], $0x5FFFF  }
0xac: {  	[dreg:$0x1] =	wrdreg $0xFFFFFFFF  }
0xad: {  	[dreg:$0x0] =	wrdreg $0x60  }
0xae: {  	[dreg:$0x2] =	wrdreg s24  }
0xaf: {  	[dreg:$0x3] =	wrdreg s2  }
0xb0: {  	[dreg:$0x4] =	wrdreg $0x62000  }
0xb1: {  	[dreg:$0x5] =	wrdreg $0x9  }
0xb2: {  	_ =	task.clear_ibuf [dreg:s7], $0x6FFFF;
	_ =	strace $0x9000004C  }
0xb3: {  	s29 =	simm.s32 $0x9;
	_ =	strace $0x8000004E  }
0xb4: {  	_ =	swait.ge [sflag:s29], $0x1  }
0xb5: {  	[sflag:s29] =	ssyncadd.s32 $0xFFFFFFFF  }
0xb6: {  	_ =	strace $0x9000004E  }
0xb7: {  	_ =	sfence  }
0xb8: {  	s30 =	sld [smem:$0x0];
	_ =	sdelay $0x2  }
0xb9: {  	s31 =	sshll.u32 s1, $0xD;
	s1 =	sshrl.u32 s1, $0x2  }
0xba: {  	s3 =	sand.u32 $0x4000, s31;
	s1 =	sadd.s32 s1, s30  }
0xbb: {  	s0 =	sor.u32 s3, s0;
	s1 =	sshll.u32 s1, $0x11  }
0xbc: {  	s0 =	sor.u32 s1, s0  }
0xbd: {  	s0 =	sadd.s32 $0x8F2B, s0  }
0xbe: {  	[sflag:s0] =	ssyncadd.remote.s32 $0x1  }
0xbf: {  	_ =	sfence.sel $0xFFFF  }
0xc0: {  	[dreg:$0x0] =	wrdreg $0xFFFFFFFF;
	(pc) =	sbr.abs _section_cstart, $3  }
0xc1: {  	[dreg:$0x1] =	wrdreg $0xFFFFFFFF  }
0xc2: {  	_ =	task.clear_ibuf [dreg:s7], $0x2FFFF;
	_ =	strace $0x9FFFFFFF  }
0xc3: {  	(tm) =	ssettm $0x7FFFFFFF  }
tec
execute0_lowered:
.L_overlay_start_1:
0x0: {  	(tag) =	ssettag $0x1  }
0x1: {  	s0 =	rddreg [dreg:$0x0]  }
0x2: {  	s1 =	rddreg [dreg:$0x1]  }
0x3: {  	s2 =	rddreg [dreg:$0x2];
	s3 =	srdreg.scid;
	s4 =	simm.s32 $0x0  }
0x4: {  	s14 =	stileid.u32;
	s28 =	simm.s32 $0x1;
	s29 =	simm.s32 $0x50  }
0x5: {  	s30 =	simm.s32 $0x200;
	s31 =	simm.s32 $0x100;
	s10 =	smul.u32 $0x50000, s14  }
0x6: {  	s3 =	sand.u32 $0x1, s3;
	[smem:$0x7FF] =	sst s4;
	s12 =	smul.u32 $0x14000, s14  }
0x7: {  	s5 =	sshll.u32 s3, $0x4;
	_ =	strace $0x8000004D;
	s11 =	smul.u32 $0x140000, s3  }
0x8: {  	s8 =	ssub.s32 $0x2, s3;
	s3 =	smul.u32 $0x27100, s3;
	s6 =	sor.u32 s14, s5  }
0x9: {  	s5 =	sadd.s32 $0xCE00, s0;
	s9 =	sshrl.u32 s8, $0x1;
	s21 =	sshrl.u32 s10, $0x2  }
0xa: {  	s26 =	sadd.s32 $0x4000, s12;
	s17 =	sadd.s32 $0x8000, s12;
	s7 =	smul.u32 $0x2710, s6  }
0xb: {  	s6 =	sadd.s32 $0x3000, s0;
	s0 =	sadd.s32 $0x34E00, s0;
	s8 =	ssub.s32 s8, s9  }
0xc: {  	s9 =	sadd.s32 s21, s2;
	s24 =	sadd.s32 s11, s12;
	s16 =	sadd.s32 s11, s26  }
0xd: {  	s18 =	sadd.s32 s11, s17;
	s8 =	smax.u32 s8, $0x1;
	s7 =	sshrl.u32 s7, $0x3  }
0xe: {  	[dreg:$0xb] =	wrdreg s8;
	s8 =	sadd.s32 s17, s2;
	s17 =	sadd.s32 $0x9000, s9  }
0xf: {  	s19 =	sadd.s32 s26, s2;
	s20 =	sadd.s32 s1, s7;
	[dreg:$0x1c] =	wrdreg s17  }
0x10: {  	s21 =	sadd.s32 $0xC000, s12;
	s13 =	sadd.s32 s6, s7;
	[dreg:$0x4] =	wrdreg s20  }
0x11: {  	s12 =	sadd.s32 $0x10000, s12;
	s26 =	sshrl.u32 s8, $0x3;
	[dreg:$0x5] =	wrdreg s13  }
0x12: {  	s22 =	sadd.s32 $0xA, s7;
	s8 =	sadd.s32 $0x1000, s9;
	[dreg:$0x11] =	wrdreg s26  }
0x13: {  	s7 =	sadd.s32 $0x4D8, s7;
	s23 =	sadd.s32 s1, s22;
	[dreg:$0x14] =	wrdreg s8  }
0x14: {  	s17 =	sadd.s32 $0x10000, s9;
	s10 =	sadd.s32 s6, s22;
	[dreg:$0x6] =	wrdreg s23  }
0x15: {  	s25 =	sadd.s32 s1, s7;
	s7 =	sadd.s32 s6, s7;
	[dreg:$0x7] =	wrdreg s10  }
0x16: {  	s20 =	smul.u32 $0x2710, s14;
	s22 =	sadd.s32 s11, s21;
	[dreg:$0x8] =	wrdreg s25  }
0x17: {  	s11 =	sadd.s32 s11, s12;
	s14 =	sadd.s32 $0x6000, s9;
	[dreg:$0x9] =	wrdreg s7  }
0x18: {  	s26 =	sadd.s32 $0xF000, s9;
	s8 =	simm.s32 $0x3;
	[dreg:$0x19] =	wrdreg s14  }
0x19: {  	s10 =	sshrl.u32 s24, $0x3;
	s25 =	sshrl.u32 s19, $0x3;
	[smem:$0x7FD] =	sst s26  }
0x1a: {  	s24 =	sadd.s32 s12, s2;
	s12 =	sadd.s32 $0x4000, s9;
	[dreg:$0x10] =	wrdreg s25  }
0x1b: {  	s7 =	sshrl.u32 s16, $0x3;
	s16 =	sadd.s32 $0x8000, s9;
	[dreg:$0x17] =	wrdreg s12  }
0x1c: {  	s13 =	sshrl.u32 s22, $0x3;
	s19 =	sadd.s32 $0xB000, s9;
	[dreg:$0x1b] =	wrdreg s16  }
0x1d: {  	s11 =	sshrl.u32 s11, $0x3;
	s15 =	sadd.s32 s0, s10;
	[dreg:$0x1e] =	wrdreg s19  }
0x1e: {  	s26 =	simm.s32 $0x5;
	s7 =	sadd.s32 s0, s7;
	[dreg:$0xa] =	wrdreg s15  }
0x1f: {  	s3 =	sadd.s32 s20, s3;
	s13 =	sadd.s32 s0, s13;
	[dreg:$0xc] =	wrdreg s7  }
0x20: {  	s10 =	sadd.s32 $0x2000, s9;
	s25 =	sadd.s32 $0xE000, s9;
	[dreg:$0xe] =	wrdreg s13  }
0x21: {  	s19 =	sadd.s32 $0x12000, s9;
	s7 =	sshrl.u32 s18, $0x3;
	[dreg:$0x15] =	wrdreg s10  }
0x22: {  	s23 =	sadd.s32 $0xF0, s3;
	s13 =	sadd.s32 $0x5000, s9;
	[smem:$0x7FC] =	sst s25  }
0x23: {  	s22 =	sadd.s32 $0xA0, s3;
	s15 =	sadd.s32 $0x7000, s9;
	[dreg:$0x18] =	wrdreg s13  }
0x24: {  	s18 =	sadd.s32 $0xA000, s9;
	s25 =	simm.s32 $0x5200;
	[dreg:$0x1a] =	wrdreg s15  }
0x25: {  	s10 =	simm.s32 $0x4;
	s7 =	sadd.s32 s0, s7;
	[dreg:$0x1d] =	wrdreg s18  }
0x26: {  	s0 =	sadd.s32 s0, s11;
	s11 =	sadd.s32 $0x3000, s9;
	[dreg:$0xd] =	wrdreg s7  }
0x27: {  	s18 =	sadd.s32 $0x11000, s9;
	[dreg:$0xf] =	wrdreg s0;
	s7 =	sadd.s32 s21, s2  }
0x28: {  	s0 =	sshrl.u32 s23, $0x3;
	[dreg:$0x16] =	wrdreg s11;
	s23 =	sadd.s32 $0xC000, s9  }
0x29: {  	s11 =	simm.s32 $0x0;
	s3 =	sshrl.u32 s7, $0x3;
	[dreg:$0x1f] =	wrdreg s23  }
0x2a: {  	s20 =	sadd.s32 s0, s6;
	s7 =	sshrl.u32 s24, $0x3;
	[dreg:$0x12] =	wrdreg s3  }
0x2b: {  	s21 =	sadd.s32 s0, s1;
	s24 =	sadd.s32 $0xD000, s9;
	[dreg:$0x13] =	wrdreg s7  }
0x2c: {  	s23 =	sadd.s32 $0x13000, s9;
	s0 =	simm.s32 $0x180;
	[smem:$0x7FB] =	sst s24  }
0x2d: {  	v0 =	vimm.f32 $0.0e+00;
	s24 =	simm.s32 $0x80;
	s3 =	simm.s32 $0x2;
	s7 =	simm.s32 $0x2A00  }
.LBB2_1:
0x2e: {  	s12 =	rddreg [dreg:$0x4]  }
0x2f: {  	[tilespmem:s4], [sflag:$0x1] =	stream.linear.gather [hbm4b:s12+s4], $0x50, $0x38;
	[tilespmem:$0x1A200] =	vst v63  }
0x30: {  	s16 =	rddreg [dreg:$0x5];
	s13 =	simm.s32 $0x200;
	s12 =	simm.s32 $0x0  }
0x31: {  	[tilespmem:s24], [sflag:$0x1] =	stream.linear.gather [hbm4b:s16+s4], $0x50, $0x38;
	[tilespmem:$0x1A200] =	vst v63  }
.LBB2_2:
0x32: {  	p0 =	sne.s32 s13, $0x3E00;
	[tilespmem:s12+$0x5270] =	vst v0  }
0x33: {  	[tilespmem:s12+$0x5200] =	vst v0  }
0x34: {  	[tilespmem:s12+$0x5210] =	vst v0  }
.Ltmp0:
0x35: {  	[tilespmem:s12+$0x5220] =	vst v0;
	(pc) =	sbr.rel @p0 .LBB2_2-.Ltmp0, $4  }
0x36: {  	[tilespmem:s12+$0x5230] =	vst v0  }
0x37: {  	[tilespmem:s12+$0x5240] =	vst v0  }
0x38: {  	[tilespmem:s12+$0x5250] =	vst v0  }
0x39: {  	[tilespmem:s12+$0x5260] =	vst v0;
	s12 =	sshra.s32 s13, $0x2;
	s13 =	sadd.s32 $0x200, s13  }
0x3a: {  	[tilespmem:s12+$0x5270] =	vst v0  }
0x3b: {  	[tilespmem:s12+$0x5200] =	vst v0  }
0x3c: {  	[tilespmem:s12+$0x5210] =	vst v0  }
0x3d: {  	[tilespmem:s12+$0x5220] =	vst v0  }
0x3e: {  	[tilespmem:s12+$0x5230] =	vst v0  }
0x3f: {  	[tilespmem:s12+$0x5240] =	vst v0  }
0x40: {  	[tilespmem:s12+$0x5250] =	vst v0  }
0x41: {  	[tilespmem:s12+$0x5260] =	vst v0  }
0x42: {  	[spmem:s9] =	stream.linear.scatter [tilespmem:s25], [sflag:$0x5], $0x1000, $0x38;
	[tilespmem:$0x1A200] =	vst v63  }
0x43: {  	_ =	swait.ge [sflag:s26], $0x1000  }
0x44: {  	[sflag:s26] =	ssyncset.done $0x0  }
0x45: {  	s16 =	rddreg [dreg:$0x14];
	[sflag:s26] =	ssyncadd.s32 $0xFFFFF000  }
0x46: {  	[spmem:s16] =	stream.linear.scatter [tilespmem:s25], [sflag:$0x5], $0x1000, $0x38;
	[tilespmem:$0x1A200] =	vst v63  }
0x47: {  	_ =	swait.ge [sflag:s26], $0x1000  }
0x48: {  	[sflag:s26] =	ssyncset.done $0x0  }
0x49: {  	s13 =	rddreg [dreg:$0x15];
	[sflag:s26] =	ssyncadd.s32 $0xFFFFF000  }
0x4a: {  	[spmem:s13] =	stream.linear.scatter [tilespmem:s25], [sflag:$0x5], $0x1000, $0x38;
	[tilespmem:$0x1A200] =	vst v63  }
0x4b: {  	_ =	swait.ge [sflag:s26], $0x1000  }
0x4c: {  	[sflag:s26] =	ssyncset.done $0x0  }
0x4d: {  	s14 =	rddreg [dreg:$0x16];
	[sflag:s26] =	ssyncadd.s32 $0xFFFFF000  }
0x4e: {  	[spmem:s14] =	stream.linear.scatter [tilespmem:s25], [sflag:$0x5], $0x1000, $0x38;
	[tilespmem:$0x1A200] =	vst v63  }
0x4f: {  	_ =	swait.ge [sflag:s26], $0x1000  }
0x50: {  	[sflag:s26] =	ssyncset.done $0x0  }
0x51: {  	s15 =	rddreg [dreg:$0x17];
	[sflag:s26] =	ssyncadd.s32 $0xFFFFF000  }
0x52: {  	[spmem:s15] =	stream.linear.scatter [tilespmem:s25], [sflag:$0x5], $0x1000, $0x38;
	[tilespmem:$0x1A200] =	vst v63  }
0x53: {  	_ =	swait.ge [sflag:s26], $0x1000  }
0x54: {  	[sflag:s26] =	ssyncset.done $0x0  }
0x55: {  	s16 =	rddreg [dreg:$0x18];
	[sflag:s26] =	ssyncadd.s32 $0xFFFFF000  }
0x56: {  	[spmem:s16] =	stream.linear.scatter [tilespmem:s25], [sflag:$0x5], $0x1000, $0x38;
	[tilespmem:$0x1A200] =	vst v63  }
0x57: {  	_ =	swait.ge [sflag:s26], $0x1000  }
0x58: {  	[sflag:s26] =	ssyncset.done $0x0  }
0x59: {  	s13 =	rddreg [dreg:$0x19];
	[sflag:s26] =	ssyncadd.s32 $0xFFFFF000  }
0x5a: {  	[spmem:s13] =	stream.linear.scatter [tilespmem:s25], [sflag:$0x5], $0x1000, $0x38;
	[tilespmem:$0x1A200] =	vst v63  }
0x5b: {  	_ =	swait.ge [sflag:s26], $0x1000  }
0x5c: {  	[sflag:s26] =	ssyncset.done $0x0  }
0x5d: {  	s14 =	rddreg [dreg:$0x1a];
	[sflag:s26] =	ssyncadd.s32 $0xFFFFF000  }
0x5e: {  	[spmem:s14] =	stream.linear.scatter [tilespmem:s25], [sflag:$0x5], $0x1000, $0x38;
	[tilespmem:$0x1A200] =	vst v63  }
0x5f: {  	_ =	swait.ge [sflag:s26], $0x1000  }
0x60: {  	[sflag:s26] =	ssyncset.done $0x0  }
0x61: {  	s15 =	rddreg [dreg:$0x1b];
	[sflag:s26] =	ssyncadd.s32 $0xFFFFF000  }
0x62: {  	[spmem:s15] =	stream.linear.scatter [tilespmem:s25], [sflag:$0x5], $0x1000, $0x38;
	[tilespmem:$0x1A200] =	vst v63  }
0x63: {  	_ =	swait.ge [sflag:s26], $0x1000  }
0x64: {  	[sflag:s26] =	ssyncset.done $0x0  }
0x65: {  	s16 =	rddreg [dreg:$0x1c];
	[sflag:s26] =	ssyncadd.s32 $0xFFFFF000  }
0x66: {  	[spmem:s16] =	stream.linear.scatter [tilespmem:s25], [sflag:$0x5], $0x1000, $0x38;
	[tilespmem:$0x1A200] =	vst v63  }
0x67: {  	_ =	swait.ge [sflag:s26], $0x1000  }
0x68: {  	[sflag:s26] =	ssyncset.done $0x0  }
0x69: {  	s13 =	rddreg [dreg:$0x1d];
	[sflag:s26] =	ssyncadd.s32 $0xFFFFF000  }
0x6a: {  	[spmem:s13] =	stream.linear.scatter [tilespmem:s25], [sflag:$0x5], $0x1000, $0x38;
	[tilespmem:$0x1A200] =	vst v63  }
0x6b: {  	_ =	swait.ge [sflag:s26], $0x1000  }
0x6c: {  	[sflag:s26] =	ssyncset.done $0x0  }
0x6d: {  	s14 =	rddreg [dreg:$0x1e];
	[sflag:s26] =	ssyncadd.s32 $0xFFFFF000  }
0x6e: {  	[spmem:s14] =	stream.linear.scatter [tilespmem:s25], [sflag:$0x5], $0x1000, $0x38;
	[tilespmem:$0x1A200] =	vst v63  }
0x6f: {  	_ =	swait.ge [sflag:s26], $0x1000  }
0x70: {  	[sflag:s26] =	ssyncset.done $0x0  }
0x71: {  	s15 =	rddreg [dreg:$0x1f];
	[sflag:s26] =	ssyncadd.s32 $0xFFFFF000  }
0x72: {  	[spmem:s15] =	stream.linear.scatter [tilespmem:s25], [sflag:$0x5], $0x1000, $0x38;
	[tilespmem:$0x1A200] =	vst v63  }
0x73: {  	_ =	swait.ge [sflag:s26], $0x1000  }
0x74: {  	s16 =	sld [smem:$0x7FB]  }
0x75: {  	[sflag:s26] =	ssyncset.done $0x0  }
0x76: {  	[sflag:s26] =	ssyncadd.s32 $0xFFFFF000  }
0x77: {  	[spmem:s16] =	stream.linear.scatter [tilespmem:s25], [sflag:$0x5], $0x1000, $0x38;
	[tilespmem:$0x1A200] =	vst v63  }
0x78: {  	_ =	swait.ge [sflag:s26], $0x1000  }
0x79: {  	s13 =	sld [smem:$0x7FC]  }
0x7a: {  	[sflag:s26] =	ssyncset.done $0x0  }
0x7b: {  	[sflag:s26] =	ssyncadd.s32 $0xFFFFF000  }
0x7c: {  	[spmem:s13] =	stream.linear.scatter [tilespmem:s25], [sflag:$0x5], $0x1000, $0x38;
	[tilespmem:$0x1A200] =	vst v63  }
0x7d: {  	_ =	swait.ge [sflag:s26], $0x1000  }
0x7e: {  	s14 =	sld [smem:$0x7FD]  }
0x7f: {  	[sflag:s26] =	ssyncset.done $0x0  }
0x80: {  	[sflag:s26] =	ssyncadd.s32 $0xFFFFF000  }
0x81: {  	[spmem:s14] =	stream.linear.scatter [tilespmem:s25], [sflag:$0x5], $0x1000, $0x38;
	[tilespmem:$0x1A200] =	vst v63  }
0x82: {  	_ =	swait.ge [sflag:s26], $0x1000  }
0x83: {  	[sflag:s26] =	ssyncset.done $0x0  }
0x84: {  	[sflag:s26] =	ssyncadd.s32 $0xFFFFF000  }
0x85: {  	[spmem:s17] =	stream.linear.scatter [tilespmem:s25], [sflag:$0x5], $0x1000, $0x38;
	[tilespmem:$0x1A200] =	vst v63  }
0x86: {  	_ =	swait.ge [sflag:s26], $0x1000  }
0x87: {  	[sflag:s26] =	ssyncset.done $0x0  }
0x88: {  	[sflag:s26] =	ssyncadd.s32 $0xFFFFF000  }
0x89: {  	[spmem:s18] =	stream.linear.scatter [tilespmem:s25], [sflag:$0x5], $0x1000, $0x38;
	[tilespmem:$0x1A200] =	vst v63  }
0x8a: {  	_ =	swait.ge [sflag:s26], $0x1000  }
0x8b: {  	[sflag:s26] =	ssyncset.done $0x0  }
0x8c: {  	[sflag:s26] =	ssyncadd.s32 $0xFFFFF000  }
0x8d: {  	[spmem:s19] =	stream.linear.scatter [tilespmem:s25], [sflag:$0x5], $0x1000, $0x38;
	[tilespmem:$0x1A200] =	vst v63  }
0x8e: {  	_ =	swait.ge [sflag:s26], $0x1000  }
0x8f: {  	[sflag:s26] =	ssyncset.done $0x0  }
0x90: {  	[sflag:s26] =	ssyncadd.s32 $0xFFFFF000  }
0x91: {  	[spmem:s23] =	stream.linear.scatter [tilespmem:s25], [sflag:$0x5], $0x1000, $0x38;
	[tilespmem:$0x1A200] =	vst v63  }
0x92: {  	_ =	swait.ge [sflag:s26], $0x1000  }
0x93: {  	[sflag:s26] =	ssyncset.done $0x0  }
0x94: {  	[sflag:s26] =	ssyncadd.s32 $0xFFFFF000  }
0x95: {  	[bflag:$0x0] =	sbarrier.arrive $0xFFFF  }
0x96: {  	_ =	swait.ge [sflag:s28], $0x50  }
0x97: {  	[sflag:s28] =	ssyncset.done $0x0  }
0x98: {  	[sflag:s28] =	ssyncadd.s32 $0xFFFFFFB0  }
0x99: {  	_ =	swait.ge [sflag:s28], $0x50  }
0x9a: {  	[sflag:s28] =	ssyncset.done $0x0  }
0x9b: {  	s15 =	simm.s32 $0x0;
	[sflag:s28] =	ssyncadd.s32 $0xFFFFFFB0  }
0x9c: {  	[tilespmem:s30], [sflag:$0x3] =	stream.indirect.gather [hbm4b:s5+s29], $0x80, s15, s29, $0xb8;
	[tilespmem:$0x1A200] =	vst v63  }
0x9d: {  	s13 =	rddreg [dreg:$0x6]  }
0x9e: {  	[tilespmem:s31], [sflag:$0x2] =	stream.linear.gather [hbm4b:s13+s15], $0x50, $0x38;
	[tilespmem:$0x1A200] =	vst v63  }
0x9f: {  	s16 =	rddreg [dreg:$0x7]  }
0xa0: {  	[tilespmem:s0], [sflag:$0x2] =	stream.linear.gather [hbm4b:s16+s15], $0x50, $0x38;
	[tilespmem:$0x1A200] =	vst v63  }
0xa1: {  	_ =	swait.ge [sflag:s3], $0x50  }
0xa2: {  	[sflag:s3] =	ssyncset.done $0x0  }
0xa3: {  	[sflag:s3] =	ssyncadd.s32 $0xFFFFFFB0  }
0xa4: {  	_ =	swait.ge [sflag:s3], $0x50  }
0xa5: {  	[sflag:s3] =	ssyncset.done $0x0  }
0xa6: {  	[sflag:s3] =	ssyncadd.s32 $0xFFFFFFB0  }
0xa7: {  	[tilespmem:s7], [sflag:$0x4] =	stream.indirect.gather [hbm4b:s5+s29], $0x80, s31, s29, $0xb8;
	[tilespmem:$0x1A200] =	vst v63  }
0xa8: {  	_ =	swait.ge [sflag:s8], $0x2800  }
0xa9: {  	[sflag:s8] =	ssyncset.done $0x0  }
0xaa: {  	[sflag:s8] =	ssyncadd.s32 $0xFFFFD800  }
0xab: {  	[spmem:s2] =	stream.indirect.scatter.add.f32 [tilespmem:s30], [sflag:$0x5], $0x80, s24, s29, $0xb8;
	[tilespmem:$0x1A200] =	vst v63  }
0xac: {  	_ =	swait.ge [sflag:s26], $0x2800  }
0xad: {  	s14 =	sshrl.u32 s22, $0x3;
	[sflag:s26] =	ssyncset.done $0x0  }
0xae: {  	s15 =	sadd.s32 s1, s14;
	[sflag:s26] =	ssyncadd.s32 $0xFFFFD800  }
0xaf: {  	[tilespmem:s4], [sflag:$0x1] =	stream.linear.gather [hbm4b:s15+s4], $0x50, $0x38;
	[tilespmem:$0x1A200] =	vst v63  }
0xb0: {  	s12 =	sadd.s32 s6, s14  }
0xb1: {  	[tilespmem:s24], [sflag:$0x1] =	stream.linear.gather [hbm4b:s12+s4], $0x50, $0x38;
	[tilespmem:$0x1A200] =	vst v63  }
0xb2: {  	_ =	swait.ge [sflag:s28], $0x50  }
0xb3: {  	[sflag:s28] =	ssyncset.done $0x0  }
0xb4: {  	[sflag:s28] =	ssyncadd.s32 $0xFFFFFFB0  }
0xb5: {  	_ =	swait.ge [sflag:s28], $0x50  }
0xb6: {  	[sflag:s28] =	ssyncset.done $0x0  }
0xb7: {  	[sflag:s28] =	ssyncadd.s32 $0xFFFFFFB0  }
0xb8: {  	[tilespmem:s30], [sflag:$0x3] =	stream.indirect.gather [hbm4b:s5+s29], $0x80, s4, s29, $0xb8;
	[tilespmem:$0x1A200] =	vst v63  }
0xb9: {  	_ =	swait.ge [sflag:s10], $0x2800  }
0xba: {  	[sflag:s10] =	ssyncset.done $0x0  }
0xbb: {  	[sflag:s10] =	ssyncadd.s32 $0xFFFFD800  }
0xbc: {  	[spmem:s2] =	stream.indirect.scatter.add.f32 [tilespmem:s7], [sflag:$0x5], $0x80, s0, s29, $0xb8;
	[tilespmem:$0x1A200] =	vst v63  }
0xbd: {  	_ =	swait.ge [sflag:s26], $0x2800  }
0xbe: {  	s13 =	sadd.s32 $0xA0, s22;
	s16 =	sadd.s32 $0x0, s21;
	[sflag:s26] =	ssyncset.done $0x0  }
0xbf: {  	s14 =	sadd.s32 $0x0, s20;
	s12 =	simm.s32 $0x14;
	[sflag:s26] =	ssyncadd.s32 $0xFFFFD800  }
0xc0: {  	[tilespmem:s31], [sflag:$0x2] =	stream.linear.gather [hbm4b:s16+s4], $0x50, $0x38;
	[tilespmem:$0x1A200] =	vst v63  }
.LBB2_4:
0xc1: {  	[tilespmem:s0], [sflag:$0x2] =	stream.linear.gather [hbm4b:s14+s4], $0x50, $0x38;
	[tilespmem:$0x1A200] =	vst v63  }
0xc2: {  	s14 =	smov.u32 s12  }
0xc3: {  	p0 =	sne.s32 s12, $0x4B0;
	s12 =	sadd.s32 $0x14, s12;
	_ =	swait.ge [sflag:s3], $0x50  }
0xc4: {  	[sflag:s3] =	ssyncset.done $0x0  }
0xc5: {  	[sflag:s3] =	ssyncadd.s32 $0xFFFFFFB0  }
0xc6: {  	_ =	swait.ge [sflag:s3], $0x50  }
0xc7: {  	[sflag:s3] =	ssyncset.done $0x0  }
0xc8: {  	[sflag:s3] =	ssyncadd.s32 $0xFFFFFFB0  }
0xc9: {  	[tilespmem:s7], [sflag:$0x4] =	stream.indirect.gather [hbm4b:s5+s29], $0x80, s31, s29, $0xb8;
	[tilespmem:$0x1A200] =	vst v63  }
0xca: {  	_ =	swait.ge [sflag:s8], $0x2800  }
0xcb: {  	[sflag:s8] =	ssyncset.done $0x0  }
0xcc: {  	[sflag:s8] =	ssyncadd.s32 $0xFFFFD800  }
0xcd: {  	[spmem:s2] =	stream.indirect.scatter.add.f32 [tilespmem:s30], [sflag:$0x5], $0x80, s24, s29, $0xb8;
	[tilespmem:$0x1A200] =	vst v63  }
0xce: {  	_ =	swait.ge [sflag:s26], $0x2800  }
0xcf: {  	s15 =	sshrl.u32 s13, $0x3;
	[sflag:s26] =	ssyncset.done $0x0  }
0xd0: {  	s16 =	sadd.s32 s1, s15;
	[sflag:s26] =	ssyncadd.s32 $0xFFFFD800  }
0xd1: {  	[tilespmem:s4], [sflag:$0x1] =	stream.linear.gather [hbm4b:s16+s4], $0x50, $0x38;
	[tilespmem:$0x1A200] =	vst v63  }
0xd2: {  	s15 =	sadd.s32 s6, s15  }
0xd3: {  	[tilespmem:s24], [sflag:$0x1] =	stream.linear.gather [hbm4b:s15+s4], $0x50, $0x38;
	[tilespmem:$0x1A200] =	vst v63  }
0xd4: {  	_ =	swait.ge [sflag:s28], $0x50  }
0xd5: {  	[sflag:s28] =	ssyncset.done $0x0  }
0xd6: {  	[sflag:s28] =	ssyncadd.s32 $0xFFFFFFB0  }
0xd7: {  	_ =	swait.ge [sflag:s28], $0x50  }
0xd8: {  	[sflag:s28] =	ssyncset.done $0x0  }
0xd9: {  	[sflag:s28] =	ssyncadd.s32 $0xFFFFFFB0  }
0xda: {  	[tilespmem:s30], [sflag:$0x3] =	stream.indirect.gather [hbm4b:s5+s29], $0x80, s4, s29, $0xb8;
	[tilespmem:$0x1A200] =	vst v63  }
0xdb: {  	_ =	swait.ge [sflag:s10], $0x2800  }
0xdc: {  	[sflag:s10] =	ssyncset.done $0x0  }
0xdd: {  	[sflag:s10] =	ssyncadd.s32 $0xFFFFD800  }
0xde: {  	[spmem:s2] =	stream.indirect.scatter.add.f32 [tilespmem:s7], [sflag:$0x5], $0x80, s0, s29, $0xb8;
	[tilespmem:$0x1A200] =	vst v63  }
.Ltmp1:
0xdf: {  	_ =	swait.ge [sflag:s26], $0x2800;
	(pc) =	sbr.rel @p0 .LBB2_4-.Ltmp1, $4  }
0xe0: {  	[sflag:s26] =	ssyncset.done $0x0  }
0xe1: {  	s15 =	sadd.s32 s14, s21;
	[sflag:s26] =	ssyncadd.s32 $0xFFFFD800  }
0xe2: {  	[tilespmem:s31], [sflag:$0x2] =	stream.linear.gather [hbm4b:s15+s4], $0x50, $0x38;
	[tilespmem:$0x1A200] =	vst v63  }
0xe3: {  	s13 =	sadd.s32 $0xA0, s13;
	s14 =	sadd.s32 s14, s20  }
0xe4: {  	[tilespmem:s0], [sflag:$0x2] =	stream.linear.gather [hbm4b:s14+s4], $0x50, $0x38;
	[tilespmem:$0x1A200] =	vst v63  }
0xe5: {  	_ =	swait.ge [sflag:s3], $0x50  }
0xe6: {  	[sflag:s3] =	ssyncset.done $0x0  }
0xe7: {  	[sflag:s3] =	ssyncadd.s32 $0xFFFFFFB0  }
0xe8: {  	_ =	swait.ge [sflag:s3], $0x50  }
0xe9: {  	[sflag:s3] =	ssyncset.done $0x0  }
0xea: {  	[sflag:s3] =	ssyncadd.s32 $0xFFFFFFB0  }
0xeb: {  	[tilespmem:s7], [sflag:$0x4] =	stream.indirect.gather [hbm4b:s5+s29], $0x80, s31, s29, $0xb8;
	[tilespmem:$0x1A200] =	vst v63  }
0xec: {  	_ =	swait.ge [sflag:s8], $0x2800  }
0xed: {  	[sflag:s8] =	ssyncset.done $0x0  }
0xee: {  	[sflag:s8] =	ssyncadd.s32 $0xFFFFD800  }
0xef: {  	[spmem:s2] =	stream.indirect.scatter.add.f32 [tilespmem:s30], [sflag:$0x5], $0x80, s24, s29, $0xb8;
	[tilespmem:$0x1A200] =	vst v63  }
0xf0: {  	_ =	swait.ge [sflag:s26], $0x2800  }
0xf1: {  	[sflag:s26] =	ssyncset.done $0x0  }
0xf2: {  	s12 =	rddreg [dreg:$0x8];
	[sflag:s26] =	ssyncadd.s32 $0xFFFFD800  }
0xf3: {  	[tilespmem:s4], [sflag:$0x1] =	stream.linear.gather [hbm4b:s12+s4], $0x50, $0x38;
	[tilespmem:$0x1A200] =	vst v63  }
0xf4: {  	s14 =	rddreg [dreg:$0x9]  }
0xf5: {  	[tilespmem:s24], [sflag:$0x1] =	stream.linear.gather [hbm4b:s14+s4], $0x50, $0x38;
	[tilespmem:$0x1A200] =	vst v63  }
0xf6: {  	_ =	swait.ge [sflag:s28], $0x50  }
0xf7: {  	[sflag:s28] =	ssyncset.done $0x0  }
0xf8: {  	[sflag:s28] =	ssyncadd.s32 $0xFFFFFFB0  }
0xf9: {  	_ =	swait.ge [sflag:s28], $0x50  }
0xfa: {  	[sflag:s28] =	ssyncset.done $0x0  }
0xfb: {  	[sflag:s28] =	ssyncadd.s32 $0xFFFFFFB0  }
0xfc: {  	[tilespmem:s30], [sflag:$0x3] =	stream.indirect.gather [hbm4b:s5+s29], $0x80, s4, s29, $0xb8;
	[tilespmem:$0x1A200] =	vst v63  }
0xfd: {  	_ =	swait.ge [sflag:s10], $0x2800  }
0xfe: {  	[sflag:s10] =	ssyncset.done $0x0  }
0xff: {  	[sflag:s10] =	ssyncadd.s32 $0xFFFFD800  }
0x100: {  	[spmem:s2] =	stream.indirect.scatter.add.f32 [tilespmem:s7], [sflag:$0x5], $0x80, s0, s29, $0xb8;
	[tilespmem:$0x1A200] =	vst v63  }
0x101: {  	_ =	swait.ge [sflag:s26], $0x2800  }
0x102: {  	[sflag:s26] =	ssyncset.done $0x0  }
0x103: {  	[sflag:s26] =	ssyncadd.s32 $0xFFFFD800  }
0x104: {  	_ =	swait.ge [sflag:s8], $0x2800  }
0x105: {  	[sflag:s8] =	ssyncset.done $0x0  }
0x106: {  	[sflag:s8] =	ssyncadd.s32 $0xFFFFD800  }
0x107: {  	[spmem:s2] =	stream.indirect.scatter.add.f32 [tilespmem:s30], [sflag:$0x5], $0x80, s24, s29, $0xb8;
	[tilespmem:$0x1A200] =	vst v63  }
0x108: {  	_ =	swait.ge [sflag:s26], $0x2800  }
0x109: {  	[sflag:s26] =	ssyncset.done $0x0  }
0x10a: {  	s15 =	stileid.u32;
	[sflag:s26] =	ssyncadd.s32 $0xFFFFD800  }
0x10b: {  	s12 =	sshll.u32 s15, $0x6;
	[bflag:$0x0] =	sbarrier.arrive $0xFFFF  }
0x10c: {  	s13 =	sshrl.u32 s9, $0x3;
	s12 =	sor.u32 $0x1C05, s12;
	s16 =	rddreg [dreg:$0xa]  }
0x10d: {  	[hbm:s16], [sflag:s12] =	dma.local [spmem:s13], $0x800  }
0x10e: {  	_ =	swait.ge [sflag:s26], $0x800  }
0x10f: {  	[sflag:s26] =	ssyncset.done $0x0;
	s15 =	rddreg [dreg:$0xc]  }
0x110: {  	s16 =	rddreg [dreg:$0x10];
	[sflag:s26] =	ssyncadd.s32 $0xFFFFF800  }
0x111: {  	[hbm:s15], [sflag:s12] =	dma.local [spmem:s16], $0x800  }
0x112: {  	_ =	swait.ge [sflag:s26], $0x800  }
0x113: {  	[sflag:s26] =	ssyncset.done $0x0;
	s15 =	rddreg [dreg:$0xd]  }
0x114: {  	s16 =	rddreg [dreg:$0x11];
	[sflag:s26] =	ssyncadd.s32 $0xFFFFF800  }
0x115: {  	[hbm:s15], [sflag:s12] =	dma.local [spmem:s16], $0x800  }
0x116: {  	_ =	swait.ge [sflag:s26], $0x800  }
0x117: {  	[sflag:s26] =	ssyncset.done $0x0;
	s15 =	rddreg [dreg:$0xe]  }
0x118: {  	s16 =	rddreg [dreg:$0x12];
	[sflag:s26] =	ssyncadd.s32 $0xFFFFF800  }
0x119: {  	[hbm:s15], [sflag:s12] =	dma.local [spmem:s16], $0x800  }
0x11a: {  	_ =	swait.ge [sflag:s26], $0x800  }
0x11b: {  	[sflag:s26] =	ssyncset.done $0x0;
	s14 =	rddreg [dreg:$0xf]  }
0x11c: {  	s15 =	rddreg [dreg:$0x13];
	[sflag:s26] =	ssyncadd.s32 $0xFFFFF800  }
0x11d: {  	[hbm:s14], [sflag:s12] =	dma.local [spmem:s15], $0x800  }
0x11e: {  	_ =	swait.ge [sflag:s26], $0x800  }
0x11f: {  	s11 =	sadd.s32 $0x1, s11;
	s16 =	rddreg [dreg:$0xb]  }
0x120: {  	p0 =	sne.s32 s11, s16  }
.Ltmp2:
0x121: {  	_ = 	snop;
	(pc) =	sbr.rel @p0 .LBB2_1-.Ltmp2, $3  }
0x122: {  	_ =	sdelay $0x1  }
0x123: {  	[sflag:s26] =	ssyncset.done $0x0  }
0x124: {  	[sflag:s26] =	ssyncadd.s32 $0xFFFFF800  }
0x125: {  	_ =	sfence.sel $0x180000  }
0x126: {  	[bflag:$0x0] =	sbarrier.arrive $0xFFFF  }
0x127: {  	_ =	strace $0x9000004D  }
0x128: {  	s0 =	stileid.u32;
	[bflag:$0x2] =	sbarrier.arrive $0xFFFF  }
0x129: {  	p0 =	sne.s32 s0, $0x0;
	s0 =	rddreg [dreg:$0x3]  }
0x12a: {  	s0 =	sadd.s32 @!p0 $0x100000, s0  }
0x12b: {  	[sflag:s0] =	ssyncadd.tile.s32 @!p0 $0x1;
	_ =	shalt  }
.Lfunc_end2:
_tile_overlayer_lowered:
.L_overlay_start_2:
0x12c: {  	(tag) =	ssettag $0x2  }
0x12d: {  	s0 =	rddreg [dreg:$0x0];
	s2 =	stileid.u32  }
0x12e: {  	s1 =	rddreg [dreg:$0x1];
	p0 =	sne.s32 s2, $0x0  }
0x12f: {  	s3 =	rddreg [dreg:$0x2];
	[bflag:$0x3] =	sbarrier.arrive $0xFFFF;
	s2 =	simm.s32 @!p0 $0x1C05  }
0x130: {  	[timem:s3], [sflag:s2] =	dma.local @!p0 [hbm:s0], s1  }
0x131: {  	s0 =	simm.s32 @!p0 $0x5  }
0x132: {  	_ =	swait.ge @!p0 [sflag:s0], s1  }
0x133: {  	s1 =	ssub.s32 @!p0 $0x0, s1;
	[sflag:s0] =	ssyncset.done @!p0 $0x0  }
0x134: {  	[sflag:s0] =	ssyncadd.s32 @!p0 s1  }
0x135: {  	[bflag:$0x3] =	sbarrier.arrive $0xFFFF  }
0x136: {  	_ =	shalt  }

// kernel: kernel.19.cloned.1.call-start
scs
__scs_entry_jumppad:
0x0: {  	(pc) =	sbr.rel $0x88, $3  }
0x1: {  	(tag) =	ssettag $0x0;
	lr =	simm.s32 $0x1  }
0x2: {  	[smem:$0x3F97] =	sst lr;
	_ =	strace $0xD0000000  }
0x3: {  	_ = 	snop  }
0x4: {  	_ = 	snop  }
0x5: {  	_ = 	snop  }
0x6: {  	_ = 	snop  }
0x7: {  	_ = 	snop  }
__scs_overlays_trampoline_lowered:
0x8: {  	[smem:$0x3FA6] =	sst s0  }
0x9: {  	[smem:$0x3FA7] =	sst s1  }
0xa: {  	[smem:$0x3FA8] =	sst s2  }
0xb: {  	[smem:$0x3FA9] =	sst s3  }
0xc: {  	[smem:$0x3FAA] =	sst s4  }
0xd: {  	[smem:$0x3FAB] =	sst s5  }
0xe: {  	[smem:$0x3FAC] =	sst s6  }
0xf: {  	[smem:$0x3FAD] =	sst s7  }
0x10: {  	[smem:$0x3FAE] =	sst s8  }
0x11: {  	[smem:$0x3FAF] =	sst s9;
	s0 =	simm.s32 @!p0 $0x0  }
0x12: {  	s1 =	sld [smem:$0x3F95];
	s0 =	simm.s32 @p0 $0x1  }
0x13: {  	[smem:$0x3FB0] =	sst s0;
	s0 =	simm.s32 @!p1 $0x0  }
0x14: {  	s2 =	sld [smem:$0x3F94];
	s0 =	simm.s32 @p1 $0x1  }
0x15: {  	[smem:$0x3FB1] =	sst s0;
	s0 =	simm.s32 @!p2 $0x0  }
0x16: {  	s3 =	sld [smem:$0x3FDB];
	s0 =	simm.s32 @p2 $0x1  }
0x17: {  	s4 =	simm.s32 $0x1BF5;
	[smem:$0x3FB3] =	sst s0  }
0x18: {  	s0 =	sld [smem:$0x3F96];
	_ =	swait.ge [sflag:s4], $0x0  }
0x19: {  	s7 =	sld [smem:$0x3F97]  }
0x1a: {  	s8 =	sadd.s32 $0xFFFFE003, lr  }
0x1b: {  	s9 =	sadd.s32 $0xFFFFFEF7, lr;
	s5 =	simm.s32 $0xFFFFFFFF;
	p2 =	slt.u32 s8, $0xFFFFF086  }
0x1c: {  	p1 =	slt.u32 s9, $0xF7A;
	s5 =	simm.s32 @!p2 $0x0  }
0x1d: {  	s5 =	simm.s32 @p1 $0x1;
	p0 =	seq.s32 s7, s2  }
0x1e: {  	s7 =	smul.u32 @!p0 $0xF7A, s2;
	p2 =	seq.s32 @!p0 s5, $0x0  }
0x1f: {  	s9 =	smul.u32 $0xF7A, s1;
	s8 =	simm.s32 @!p0 $0x1BF5;
	p2 =	por !p2, p0  }
0x20: {  	[sflag:s8] =	ssyncset.s32 @!p0 $0xFFFFF086;
	s6 =	sadd.s32 @!p0 s3, s7;
	s7 =	simm.s32 @!p0 $0x108  }
0x21: {  	s3 =	sadd.s32 s3, s9;
	s6 =	sadd.s32 @!p0 $0x88, s6;
	s7 =	simm.s32 @p2 $0x1082  }
0x22: {  	[simem:s7], [sflag:s8] =	dma.local @!p0 [hbm:s6], $0xF7A  }
0x23: {  	s9 =	sor.u32 $0xD0000000, s2;
	s6 =	simm.s32 $0x108;
	_ =	swait.ge @!p0 [sflag:s8], $0x0  }
0x24: {  	s3 =	sadd.s32 $0x88, s3;
	s6 =	simm.s32 @!p1 $0x1082;
	[sflag:s4] =	ssyncset.s32 $0xFFFFF086  }
0x25: {  	[simem:s6], [sflag:s4] =	dma.local [hbm:s3], $0xF7A  }
0x26: {  	[smem:$0x3F97] =	sst s1;
	(tag) =	ssettag s2;
	_ =	strace s9  }
0x27: {  	s1 =	sld [smem:$0x3FA7]  }
0x28: {  	s2 =	sld [smem:$0x3FA8]  }
0x29: {  	s4 =	sld [smem:$0x3FAA]  }
0x2a: {  	p0 =	seq.s32 s5, $0x0;
	s5 =	sld [smem:$0x3FAB]  }
0x2b: {  	s6 =	sld [smem:$0x3FAC]  }
0x2c: {  	s7 =	sld [smem:$0x3FAD]  }
0x2d: {  	s3 =	simm.s32 $0x108;
	s8 =	sld [smem:$0x3FAE]  }
0x2e: {  	s3 =	simm.s32 @!p0 $0x1082;
	s9 =	sld [smem:$0x3FAF]  }
0x2f: {  	lr =	sadd.s32 s0, s3;
	s0 =	sld [smem:$0x3FA6]  }
0x30: {  	s3 =	sld [smem:$0x3FA9]  }
0x31: {  	[smem:$0x3FB2] =	sst s10  }
0x32: {  	s10 =	sld [smem:$0x3FB0];
	_ =	sdelay $0x3  }
0x33: {  	p0 =	seq.s32 s10, $0x1;
	s10 =	sld [smem:$0x3FB2];
	_ =	sdelay $0x3  }
0x34: {  	[smem:$0x3FB2] =	sst s10  }
0x35: {  	s10 =	sld [smem:$0x3FB1];
	_ =	sdelay $0x3  }
0x36: {  	p1 =	seq.s32 s10, $0x1;
	s10 =	sld [smem:$0x3FB2];
	_ =	sdelay $0x3  }
0x37: {  	[smem:$0x3FB2] =	sst s10  }
0x38: {  	s10 =	sld [smem:$0x3FB3]  }
0x39: {  	_ = 	snop;
	(pc) =	sbr.ind lr, $3  }
0x3a: {  	_ = 	snop  }
0x3b: {  	_ = 	snop  }
0x3c: {  	p2 =	seq.s32 s10, $0x1;
	s10 =	sld [smem:$0x3FB2]  }
0x3d: {  	_ =	shalt  }
0x3e: {  	_ =	shalt  }
0x3f: {  	_ =	shalt  }
0x40: {  	_ =	shalt  }
0x41: {  	_ =	shalt  }
0x42: {  	_ =	shalt  }
0x43: {  	_ =	shalt  }
0x44: {  	_ =	shalt  }
0x45: {  	_ =	shalt  }
0x46: {  	_ =	shalt  }
0x47: {  	_ =	shalt  }
0x48: {  	_ =	shalt  }
0x49: {  	_ =	shalt  }
0x4a: {  	_ =	shalt  }
0x4b: {  	_ =	shalt  }
0x4c: {  	_ =	shalt  }
0x4d: {  	_ =	shalt  }
0x4e: {  	_ =	shalt  }
0x4f: {  	_ =	shalt  }
0x50: {  	_ =	shalt  }
0x51: {  	_ =	shalt  }
0x52: {  	_ =	shalt  }
0x53: {  	_ =	shalt  }
0x54: {  	_ =	shalt  }
0x55: {  	_ =	shalt  }
0x56: {  	_ =	shalt  }
0x57: {  	_ =	shalt  }
0x58: {  	_ =	shalt  }
0x59: {  	_ =	shalt  }
0x5a: {  	_ =	shalt  }
0x5b: {  	_ =	shalt  }
0x5c: {  	_ =	shalt  }
0x5d: {  	_ =	shalt  }
0x5e: {  	_ =	shalt  }
0x5f: {  	_ =	shalt  }
0x60: {  	_ =	shalt  }
0x61: {  	_ =	shalt  }
0x62: {  	_ =	shalt  }
0x63: {  	_ =	shalt  }
0x64: {  	_ =	shalt  }
0x65: {  	_ =	shalt  }
0x66: {  	_ =	shalt  }
0x67: {  	_ =	shalt  }
0x68: {  	_ =	shalt  }
0x69: {  	_ =	shalt  }
0x6a: {  	_ =	shalt  }
0x6b: {  	_ =	shalt  }
0x6c: {  	_ =	shalt  }
0x6d: {  	_ =	shalt  }
0x6e: {  	_ =	shalt  }
0x6f: {  	_ =	shalt  }
0x70: {  	_ =	shalt  }
0x71: {  	_ =	shalt  }
0x72: {  	_ =	shalt  }
0x73: {  	_ =	shalt  }
0x74: {  	_ =	shalt  }
0x75: {  	_ =	shalt  }
0x76: {  	_ =	shalt  }
0x77: {  	_ =	shalt  }
0x78: {  	_ =	shalt  }
0x79: {  	_ =	shalt  }
0x7a: {  	_ =	shalt  }
0x7b: {  	_ =	shalt  }
0x7c: {  	_ =	shalt  }
0x7d: {  	_ =	shalt  }
0x7e: {  	_ =	shalt  }
0x7f: {  	_ =	shalt  }
0x80: {  	_ =	shalt  }
0x81: {  	_ =	shalt  }
0x82: {  	_ =	shalt  }
0x83: {  	_ =	shalt  }
0x84: {  	_ =	shalt  }
0x85: {  	_ =	shalt  }
0x86: {  	_ =	shalt  }
0x87: {  	_ =	shalt  }
.Lfunc_end0:
.L_simem_size_0:
called_computation.3_lowered:
.L_overlay_start_0:
0x88: {  	s2 =	sld [smem:$0x3FD9]  }
0x89: {  	s3 =	sld [smem:$0x3FFE];
	_ =	sdelay $0x1  }
0x8a: {  	s1 =	srdreg.scid  }
0x8b: {  	s0 =	sand.u32 $0x1, s1  }
0x8c: {  	s17 =	sshll.u32 s0, $0xA;
	s2 =	sadd.s32 s3, s2  }
0x8d: {  	s2 =	sadd.s32 s2, s17  }
0x8e: {  	[smem:$0x3FBE] =	sst s2  }
0x8f: {  	_ = 	snop  }
0x90: {  	s2 =	sld [smem:$0x3FD0];
	(tm) =	ssettm $0x1  }
0x91: {  	s18 =	sld [smem:$0x3FFB];
	_ =	sdelay $0x3  }
0x92: {  	_ =	strace s18  }
0x93: {  	s3 =	sld [smem:$0x3FFC];
	_ =	sdelay $0x3  }
0x94: {  	_ =	strace s3  }
0x95: {  	s3 =	sld [smem:$0x3FFD];
	_ =	sdelay $0x3  }
0x96: {  	_ =	strace s3  }
0x97: {  	_ =	strace $0x8FFFFFFF  }
0x98: {  	s19 =	sld [smem:$0x3FDB];
	_ =	sdelay $0x1  }
0x99: {  	s4 =	simm.s32 $_scs_section_size  }
0x9a: {  	s5 =	simm.s32 $_size__tile_overlayer_lowered;
	s6 =	simm.s32 $_tile_overlayer_lowered  }
0x9b: {  	s22 =	simm.s32 $0x1BFF;
	s21 =	sshll.u32 s6, $0x1;
	s3 =	sadd.s32 s4, s19  }
0x9c: {  	s7 =	simm.s32 $0x0;
	s20 =	sshll.u32 s5, $0x1;
	s5 =	sadd.s32 s21, s3  }
0x9d: {  	[timem:s7], [sflag:s22] =	dma.local [hbm:s5], s20  }
0x9e: {  	_ =	swait.ge [sflag:s22], s20  }
0x9f: {  	s4 =	ssub.s32 $0x0, s20;
	[sflag:s22] =	ssyncset.done $0x0  }
0xa0: {  	[sflag:s22] =	ssyncadd.s32 s4;
	_ =	sdelay $0x1  }
0xa1: {  	s23 =	simm.s32 $0x1B8B  }
0xa2: {  	_ =	swait.ge [sflag:s23], $0x1  }
0xa3: {  	[sflag:s23] =	ssyncset.done $0x0  }
0xa4: {  	s25 =	simm.s32 $0x1B8E;
	s24 =	sld [smem:$0x3FFE];
	[sflag:s23] =	ssyncadd.s32 $0xFFFFFFFF  }
0xa5: {  	s26 =	simm.s32 $execute0_lowered;
	[smem:$0x3FD2] =	sst s25  }
0xa6: {  	s5 =	sshll.u32 s26, $0x1;
	_ =	strace $0x8000004F;
	[dreg:$0x1] =	wrdreg $0xFFFFFFFF  }
0xa7: {  	s28 =	simm.s32 $_size_execute0_lowered;
	s3 =	sadd.s32 s3, s5;
	[dreg:$0x0] =	wrdreg $0x0  }
0xa8: {  	s5 =	sshll.u32 s28, $0x1;
	[dreg:$0x2] =	wrdreg s3  }
0xa9: {  	[dreg:$0x3] =	wrdreg s5  }
0xaa: {  	[dreg:$0x4] =	wrdreg $0xC0  }
0xab: {  	_ =	task [dreg:s7], $0x5FFFF  }
0xac: {  	[dreg:$0x1] =	wrdreg $0xFFFFFFFF  }
0xad: {  	[dreg:$0x0] =	wrdreg $0x60  }
0xae: {  	[dreg:$0x2] =	wrdreg s24  }
0xaf: {  	[dreg:$0x3] =	wrdreg s2  }
0xb0: {  	[dreg:$0x4] =	wrdreg $0x62000  }
0xb1: {  	[dreg:$0x5] =	wrdreg $0x9  }
0xb2: {  	_ =	task.clear_ibuf [dreg:s7], $0x6FFFF;
	_ =	strace $0x9000004F  }
0xb3: {  	s29 =	simm.s32 $0x9;
	_ =	strace $0x80000051  }
0xb4: {  	_ =	swait.ge [sflag:s29], $0x1  }
0xb5: {  	[sflag:s29] =	ssyncadd.s32 $0xFFFFFFFF  }
0xb6: {  	_ =	strace $0x90000051  }
0xb7: {  	_ =	sfence  }
0xb8: {  	s30 =	sld [smem:$0x0];
	_ =	sdelay $0x2  }
0xb9: {  	s31 =	sshll.u32 s1, $0xD;
	s1 =	sshrl.u32 s1, $0x2  }
0xba: {  	s3 =	sand.u32 $0x4000, s31;
	s1 =	sadd.s32 s1, s30  }
0xbb: {  	s0 =	sor.u32 s3, s0;
	s1 =	sshll.u32 s1, $0x11  }
0xbc: {  	s0 =	sor.u32 s1, s0  }
0xbd: {  	s0 =	sadd.s32 $0x8F2B, s0  }
0xbe: {  	[sflag:s0] =	ssyncadd.remote.s32 $0x1  }
0xbf: {  	_ =	sfence.sel $0xFFFF  }
0xc0: {  	[dreg:$0x0] =	wrdreg $0xFFFFFFFF;
	(pc) =	sbr.abs _section_cstart, $3  }
0xc1: {  	[dreg:$0x1] =	wrdreg $0xFFFFFFFF  }
0xc2: {  	_ =	task.clear_ibuf [dreg:s7], $0x2FFFF;
	_ =	strace $0x9FFFFFFF  }
0xc3: {  	(tm) =	ssettm $0x7FFFFFFF  }
tec
execute0_lowered:
.L_overlay_start_1:
0x0: {  	(tag) =	ssettag $0x1  }
0x1: {  	s0 =	rddreg [dreg:$0x0]  }
0x2: {  	s1 =	rddreg [dreg:$0x1]  }
0x3: {  	s2 =	rddreg [dreg:$0x2];
	s3 =	srdreg.scid;
	s4 =	simm.s32 $0x0  }
0x4: {  	s14 =	stileid.u32;
	s28 =	simm.s32 $0x1;
	s29 =	simm.s32 $0x50  }
0x5: {  	s30 =	simm.s32 $0x200;
	s31 =	simm.s32 $0x100;
	s10 =	smul.u32 $0x50000, s14  }
0x6: {  	s3 =	sand.u32 $0x1, s3;
	[smem:$0x7FF] =	sst s4;
	s12 =	smul.u32 $0x14000, s14  }
0x7: {  	s5 =	sshll.u32 s3, $0x4;
	_ =	strace $0x80000050;
	s11 =	smul.u32 $0x140000, s3  }
0x8: {  	s8 =	ssub.s32 $0x2, s3;
	s3 =	smul.u32 $0x27100, s3;
	s6 =	sor.u32 s14, s5  }
0x9: {  	s5 =	sadd.s32 $0xCE00, s0;
	s9 =	sshrl.u32 s8, $0x1;
	s21 =	sshrl.u32 s10, $0x2  }
0xa: {  	s26 =	sadd.s32 $0x4000, s12;
	s17 =	sadd.s32 $0x8000, s12;
	s7 =	smul.u32 $0x2710, s6  }
0xb: {  	s6 =	sadd.s32 $0x3000, s0;
	s0 =	sadd.s32 $0x34E00, s0;
	s8 =	ssub.s32 s8, s9  }
0xc: {  	s9 =	sadd.s32 s21, s2;
	s24 =	sadd.s32 s11, s12;
	s16 =	sadd.s32 s11, s26  }
0xd: {  	s18 =	sadd.s32 s11, s17;
	s8 =	smax.u32 s8, $0x1;
	s7 =	sshrl.u32 s7, $0x3  }
0xe: {  	[dreg:$0xb] =	wrdreg s8;
	s8 =	sadd.s32 s17, s2;
	s17 =	sadd.s32 $0x9000, s9  }
0xf: {  	s19 =	sadd.s32 s26, s2;
	s20 =	sadd.s32 s1, s7;
	[dreg:$0x1c] =	wrdreg s17  }
0x10: {  	s21 =	sadd.s32 $0xC000, s12;
	s13 =	sadd.s32 s6, s7;
	[dreg:$0x4] =	wrdreg s20  }
0x11: {  	s12 =	sadd.s32 $0x10000, s12;
	s26 =	sshrl.u32 s8, $0x3;
	[dreg:$0x5] =	wrdreg s13  }
0x12: {  	s22 =	sadd.s32 $0xA, s7;
	s8 =	sadd.s32 $0x1000, s9;
	[dreg:$0x11] =	wrdreg s26  }
0x13: {  	s7 =	sadd.s32 $0x4D8, s7;
	s23 =	sadd.s32 s1, s22;
	[dreg:$0x14] =	wrdreg s8  }
0x14: {  	s17 =	sadd.s32 $0x10000, s9;
	s10 =	sadd.s32 s6, s22;
	[dreg:$0x6] =	wrdreg s23  }
0x15: {  	s25 =	sadd.s32 s1, s7;
	s7 =	sadd.s32 s6, s7;
	[dreg:$0x7] =	wrdreg s10  }
0x16: {  	s20 =	smul.u32 $0x2710, s14;
	s22 =	sadd.s32 s11, s21;
	[dreg:$0x8] =	wrdreg s25  }
0x17: {  	s11 =	sadd.s32 s11, s12;
	s14 =	sadd.s32 $0x6000, s9;
	[dreg:$0x9] =	wrdreg s7  }
0x18: {  	s26 =	sadd.s32 $0xF000, s9;
	s8 =	simm.s32 $0x3;
	[dreg:$0x19] =	wrdreg s14  }
0x19: {  	s10 =	sshrl.u32 s24, $0x3;
	s25 =	sshrl.u32 s19, $0x3;
	[smem:$0x7FD] =	sst s26  }
0x1a: {  	s24 =	sadd.s32 s12, s2;
	s12 =	sadd.s32 $0x4000, s9;
	[dreg:$0x10] =	wrdreg s25  }
0x1b: {  	s7 =	sshrl.u32 s16, $0x3;
	s16 =	sadd.s32 $0x8000, s9;
	[dreg:$0x17] =	wrdreg s12  }
0x1c: {  	s13 =	sshrl.u32 s22, $0x3;
	s19 =	sadd.s32 $0xB000, s9;
	[dreg:$0x1b] =	wrdreg s16  }
0x1d: {  	s11 =	sshrl.u32 s11, $0x3;
	s15 =	sadd.s32 s0, s10;
	[dreg:$0x1e] =	wrdreg s19  }
0x1e: {  	s26 =	simm.s32 $0x5;
	s7 =	sadd.s32 s0, s7;
	[dreg:$0xa] =	wrdreg s15  }
0x1f: {  	s3 =	sadd.s32 s20, s3;
	s13 =	sadd.s32 s0, s13;
	[dreg:$0xc] =	wrdreg s7  }
0x20: {  	s10 =	sadd.s32 $0x2000, s9;
	s25 =	sadd.s32 $0xE000, s9;
	[dreg:$0xe] =	wrdreg s13  }
0x21: {  	s19 =	sadd.s32 $0x12000, s9;
	s7 =	sshrl.u32 s18, $0x3;
	[dreg:$0x15] =	wrdreg s10  }
0x22: {  	s23 =	sadd.s32 $0xF0, s3;
	s13 =	sadd.s32 $0x5000, s9;
	[smem:$0x7FC] =	sst s25  }
0x23: {  	s22 =	sadd.s32 $0xA0, s3;
	s15 =	sadd.s32 $0x7000, s9;
	[dreg:$0x18] =	wrdreg s13  }
0x24: {  	s18 =	sadd.s32 $0xA000, s9;
	s25 =	simm.s32 $0x5200;
	[dreg:$0x1a] =	wrdreg s15  }
0x25: {  	s10 =	simm.s32 $0x4;
	s7 =	sadd.s32 s0, s7;
	[dreg:$0x1d] =	wrdreg s18  }
0x26: {  	s0 =	sadd.s32 s0, s11;
	s11 =	sadd.s32 $0x3000, s9;
	[dreg:$0xd] =	wrdreg s7  }
0x27: {  	s18 =	sadd.s32 $0x11000, s9;
	[dreg:$0xf] =	wrdreg s0;
	s7 =	sadd.s32 s21, s2  }
0x28: {  	s0 =	sshrl.u32 s23, $0x3;
	[dreg:$0x16] =	wrdreg s11;
	s23 =	sadd.s32 $0xC000, s9  }
0x29: {  	s11 =	simm.s32 $0x0;
	s3 =	sshrl.u32 s7, $0x3;
	[dreg:$0x1f] =	wrdreg s23  }
0x2a: {  	s20 =	sadd.s32 s0, s6;
	s7 =	sshrl.u32 s24, $0x3;
	[dreg:$0x12] =	wrdreg s3  }
0x2b: {  	s21 =	sadd.s32 s0, s1;
	s24 =	sadd.s32 $0xD000, s9;
	[dreg:$0x13] =	wrdreg s7  }
0x2c: {  	s23 =	sadd.s32 $0x13000, s9;
	s0 =	simm.s32 $0x180;
	[smem:$0x7FB] =	sst s24  }
0x2d: {  	v0 =	vimm.f32 $0.0e+00;
	s24 =	simm.s32 $0x80;
	s3 =	simm.s32 $0x2;
	s7 =	simm.s32 $0x2A00  }
.LBB2_1:
0x2e: {  	s12 =	rddreg [dreg:$0x4]  }
0x2f: {  	[tilespmem:s4], [sflag:$0x1] =	stream.linear.gather [hbm4b:s12+s4], $0x50, $0x38;
	[tilespmem:$0x1A200] =	vst v63  }
0x30: {  	s16 =	rddreg [dreg:$0x5];
	s13 =	simm.s32 $0x200;
	s12 =	simm.s32 $0x0  }
0x31: {  	[tilespmem:s24], [sflag:$0x1] =	stream.linear.gather [hbm4b:s16+s4], $0x50, $0x38;
	[tilespmem:$0x1A200] =	vst v63  }
.LBB2_2:
0x32: {  	p0 =	sne.s32 s13, $0x3E00;
	[tilespmem:s12+$0x5270] =	vst v0  }
0x33: {  	[tilespmem:s12+$0x5200] =	vst v0  }
0x34: {  	[tilespmem:s12+$0x5210] =	vst v0  }
.Ltmp0:
0x35: {  	[tilespmem:s12+$0x5220] =	vst v0;
	(pc) =	sbr.rel @p0 .LBB2_2-.Ltmp0, $4  }
0x36: {  	[tilespmem:s12+$0x5230] =	vst v0  }
0x37: {  	[tilespmem:s12+$0x5240] =	vst v0  }
0x38: {  	[tilespmem:s12+$0x5250] =	vst v0  }
0x39: {  	[tilespmem:s12+$0x5260] =	vst v0;
	s12 =	sshra.s32 s13, $0x2;
	s13 =	sadd.s32 $0x200, s13  }
0x3a: {  	[tilespmem:s12+$0x5270] =	vst v0  }
0x3b: {  	[tilespmem:s12+$0x5200] =	vst v0  }
0x3c: {  	[tilespmem:s12+$0x5210] =	vst v0  }
0x3d: {  	[tilespmem:s12+$0x5220] =	vst v0  }
0x3e: {  	[tilespmem:s12+$0x5230] =	vst v0  }
0x3f: {  	[tilespmem:s12+$0x5240] =	vst v0  }
0x40: {  	[tilespmem:s12+$0x5250] =	vst v0  }
0x41: {  	[tilespmem:s12+$0x5260] =	vst v0  }
0x42: {  	[spmem:s9] =	stream.linear.scatter [tilespmem:s25], [sflag:$0x5], $0x1000, $0x38;
	[tilespmem:$0x1A200] =	vst v63  }
0x43: {  	_ =	swait.ge [sflag:s26], $0x1000  }
0x44: {  	[sflag:s26] =	ssyncset.done $0x0  }
0x45: {  	s16 =	rddreg [dreg:$0x14];
	[sflag:s26] =	ssyncadd.s32 $0xFFFFF000  }
0x46: {  	[spmem:s16] =	stream.linear.scatter [tilespmem:s25], [sflag:$0x5], $0x1000, $0x38;
	[tilespmem:$0x1A200] =	vst v63  }
0x47: {  	_ =	swait.ge [sflag:s26], $0x1000  }
0x48: {  	[sflag:s26] =	ssyncset.done $0x0  }
0x49: {  	s13 =	rddreg [dreg:$0x15];
	[sflag:s26] =	ssyncadd.s32 $0xFFFFF000  }
0x4a: {  	[spmem:s13] =	stream.linear.scatter [tilespmem:s25], [sflag:$0x5], $0x1000, $0x38;
	[tilespmem:$0x1A200] =	vst v63  }
0x4b: {  	_ =	swait.ge [sflag:s26], $0x1000  }
0x4c: {  	[sflag:s26] =	ssyncset.done $0x0  }
0x4d: {  	s14 =	rddreg [dreg:$0x16];
	[sflag:s26] =	ssyncadd.s32 $0xFFFFF000  }
0x4e: {  	[spmem:s14] =	stream.linear.scatter [tilespmem:s25], [sflag:$0x5], $0x1000, $0x38;
	[tilespmem:$0x1A200] =	vst v63  }
0x4f: {  	_ =	swait.ge [sflag:s26], $0x1000  }
0x50: {  	[sflag:s26] =	ssyncset.done $0x0  }
0x51: {  	s15 =	rddreg [dreg:$0x17];
	[sflag:s26] =	ssyncadd.s32 $0xFFFFF000  }
0x52: {  	[spmem:s15] =	stream.linear.scatter [tilespmem:s25], [sflag:$0x5], $0x1000, $0x38;
	[tilespmem:$0x1A200] =	vst v63  }
0x53: {  	_ =	swait.ge [sflag:s26], $0x1000  }
0x54: {  	[sflag:s26] =	ssyncset.done $0x0  }
0x55: {  	s16 =	rddreg [dreg:$0x18];
	[sflag:s26] =	ssyncadd.s32 $0xFFFFF000  }
0x56: {  	[spmem:s16] =	stream.linear.scatter [tilespmem:s25], [sflag:$0x5], $0x1000, $0x38;
	[tilespmem:$0x1A200] =	vst v63  }
0x57: {  	_ =	swait.ge [sflag:s26], $0x1000  }
0x58: {  	[sflag:s26] =	ssyncset.done $0x0  }
0x59: {  	s13 =	rddreg [dreg:$0x19];
	[sflag:s26] =	ssyncadd.s32 $0xFFFFF000  }
0x5a: {  	[spmem:s13] =	stream.linear.scatter [tilespmem:s25], [sflag:$0x5], $0x1000, $0x38;
	[tilespmem:$0x1A200] =	vst v63  }
0x5b: {  	_ =	swait.ge [sflag:s26], $0x1000  }
0x5c: {  	[sflag:s26] =	ssyncset.done $0x0  }
0x5d: {  	s14 =	rddreg [dreg:$0x1a];
	[sflag:s26] =	ssyncadd.s32 $0xFFFFF000  }
0x5e: {  	[spmem:s14] =	stream.linear.scatter [tilespmem:s25], [sflag:$0x5], $0x1000, $0x38;
	[tilespmem:$0x1A200] =	vst v63  }
0x5f: {  	_ =	swait.ge [sflag:s26], $0x1000  }
0x60: {  	[sflag:s26] =	ssyncset.done $0x0  }
0x61: {  	s15 =	rddreg [dreg:$0x1b];
	[sflag:s26] =	ssyncadd.s32 $0xFFFFF000  }
0x62: {  	[spmem:s15] =	stream.linear.scatter [tilespmem:s25], [sflag:$0x5], $0x1000, $0x38;
	[tilespmem:$0x1A200] =	vst v63  }
0x63: {  	_ =	swait.ge [sflag:s26], $0x1000  }
0x64: {  	[sflag:s26] =	ssyncset.done $0x0  }
0x65: {  	s16 =	rddreg [dreg:$0x1c];
	[sflag:s26] =	ssyncadd.s32 $0xFFFFF000  }
0x66: {  	[spmem:s16] =	stream.linear.scatter [tilespmem:s25], [sflag:$0x5], $0x1000, $0x38;
	[tilespmem:$0x1A200] =	vst v63  }
0x67: {  	_ =	swait.ge [sflag:s26], $0x1000  }
0x68: {  	[sflag:s26] =	ssyncset.done $0x0  }
0x69: {  	s13 =	rddreg [dreg:$0x1d];
	[sflag:s26] =	ssyncadd.s32 $0xFFFFF000  }
0x6a: {  	[spmem:s13] =	stream.linear.scatter [tilespmem:s25], [sflag:$0x5], $0x1000, $0x38;
	[tilespmem:$0x1A200] =	vst v63  }
0x6b: {  	_ =	swait.ge [sflag:s26], $0x1000  }
0x6c: {  	[sflag:s26] =	ssyncset.done $0x0  }
0x6d: {  	s14 =	rddreg [dreg:$0x1e];
	[sflag:s26] =	ssyncadd.s32 $0xFFFFF000  }
0x6e: {  	[spmem:s14] =	stream.linear.scatter [tilespmem:s25], [sflag:$0x5], $0x1000, $0x38;
	[tilespmem:$0x1A200] =	vst v63  }
0x6f: {  	_ =	swait.ge [sflag:s26], $0x1000  }
0x70: {  	[sflag:s26] =	ssyncset.done $0x0  }
0x71: {  	s15 =	rddreg [dreg:$0x1f];
	[sflag:s26] =	ssyncadd.s32 $0xFFFFF000  }
0x72: {  	[spmem:s15] =	stream.linear.scatter [tilespmem:s25], [sflag:$0x5], $0x1000, $0x38;
	[tilespmem:$0x1A200] =	vst v63  }
0x73: {  	_ =	swait.ge [sflag:s26], $0x1000  }
0x74: {  	s16 =	sld [smem:$0x7FB]  }
0x75: {  	[sflag:s26] =	ssyncset.done $0x0  }
0x76: {  	[sflag:s26] =	ssyncadd.s32 $0xFFFFF000  }
0x77: {  	[spmem:s16] =	stream.linear.scatter [tilespmem:s25], [sflag:$0x5], $0x1000, $0x38;
	[tilespmem:$0x1A200] =	vst v63  }
0x78: {  	_ =	swait.ge [sflag:s26], $0x1000  }
0x79: {  	s13 =	sld [smem:$0x7FC]  }
0x7a: {  	[sflag:s26] =	ssyncset.done $0x0  }
0x7b: {  	[sflag:s26] =	ssyncadd.s32 $0xFFFFF000  }
0x7c: {  	[spmem:s13] =	stream.linear.scatter [tilespmem:s25], [sflag:$0x5], $0x1000, $0x38;
	[tilespmem:$0x1A200] =	vst v63  }
0x7d: {  	_ =	swait.ge [sflag:s26], $0x1000  }
0x7e: {  	s14 =	sld [smem:$0x7FD]  }
0x7f: {  	[sflag:s26] =	ssyncset.done $0x0  }
0x80: {  	[sflag:s26] =	ssyncadd.s32 $0xFFFFF000  }
0x81: {  	[spmem:s14] =	stream.linear.scatter [tilespmem:s25], [sflag:$0x5], $0x1000, $0x38;
	[tilespmem:$0x1A200] =	vst v63  }
0x82: {  	_ =	swait.ge [sflag:s26], $0x1000  }
0x83: {  	[sflag:s26] =	ssyncset.done $0x0  }
0x84: {  	[sflag:s26] =	ssyncadd.s32 $0xFFFFF000  }
0x85: {  	[spmem:s17] =	stream.linear.scatter [tilespmem:s25], [sflag:$0x5], $0x1000, $0x38;
	[tilespmem:$0x1A200] =	vst v63  }
0x86: {  	_ =	swait.ge [sflag:s26], $0x1000  }
0x87: {  	[sflag:s26] =	ssyncset.done $0x0  }
0x88: {  	[sflag:s26] =	ssyncadd.s32 $0xFFFFF000  }
0x89: {  	[spmem:s18] =	stream.linear.scatter [tilespmem:s25], [sflag:$0x5], $0x1000, $0x38;
	[tilespmem:$0x1A200] =	vst v63  }
0x8a: {  	_ =	swait.ge [sflag:s26], $0x1000  }
0x8b: {  	[sflag:s26] =	ssyncset.done $0x0  }
0x8c: {  	[sflag:s26] =	ssyncadd.s32 $0xFFFFF000  }
0x8d: {  	[spmem:s19] =	stream.linear.scatter [tilespmem:s25], [sflag:$0x5], $0x1000, $0x38;
	[tilespmem:$0x1A200] =	vst v63  }
0x8e: {  	_ =	swait.ge [sflag:s26], $0x1000  }
0x8f: {  	[sflag:s26] =	ssyncset.done $0x0  }
0x90: {  	[sflag:s26] =	ssyncadd.s32 $0xFFFFF000  }
0x91: {  	[spmem:s23] =	stream.linear.scatter [tilespmem:s25], [sflag:$0x5], $0x1000, $0x38;
	[tilespmem:$0x1A200] =	vst v63  }
0x92: {  	_ =	swait.ge [sflag:s26], $0x1000  }
0x93: {  	[sflag:s26] =	ssyncset.done $0x0  }
0x94: {  	[sflag:s26] =	ssyncadd.s32 $0xFFFFF000  }
0x95: {  	[bflag:$0x0] =	sbarrier.arrive $0xFFFF  }
0x96: {  	_ =	swait.ge [sflag:s28], $0x50  }
0x97: {  	[sflag:s28] =	ssyncset.done $0x0  }
0x98: {  	[sflag:s28] =	ssyncadd.s32 $0xFFFFFFB0  }
0x99: {  	_ =	swait.ge [sflag:s28], $0x50  }
0x9a: {  	[sflag:s28] =	ssyncset.done $0x0  }
0x9b: {  	s15 =	simm.s32 $0x0;
	[sflag:s28] =	ssyncadd.s32 $0xFFFFFFB0  }
0x9c: {  	[tilespmem:s30], [sflag:$0x3] =	stream.indirect.gather [hbm4b:s5+s29], $0x80, s15, s29, $0xb8;
	[tilespmem:$0x1A200] =	vst v63  }
0x9d: {  	s13 =	rddreg [dreg:$0x6]  }
0x9e: {  	[tilespmem:s31], [sflag:$0x2] =	stream.linear.gather [hbm4b:s13+s15], $0x50, $0x38;
	[tilespmem:$0x1A200] =	vst v63  }
0x9f: {  	s16 =	rddreg [dreg:$0x7]  }
0xa0: {  	[tilespmem:s0], [sflag:$0x2] =	stream.linear.gather [hbm4b:s16+s15], $0x50, $0x38;
	[tilespmem:$0x1A200] =	vst v63  }
0xa1: {  	_ =	swait.ge [sflag:s3], $0x50  }
0xa2: {  	[sflag:s3] =	ssyncset.done $0x0  }
0xa3: {  	[sflag:s3] =	ssyncadd.s32 $0xFFFFFFB0  }
0xa4: {  	_ =	swait.ge [sflag:s3], $0x50  }
0xa5: {  	[sflag:s3] =	ssyncset.done $0x0  }
0xa6: {  	[sflag:s3] =	ssyncadd.s32 $0xFFFFFFB0  }
0xa7: {  	[tilespmem:s7], [sflag:$0x4] =	stream.indirect.gather [hbm4b:s5+s29], $0x80, s31, s29, $0xb8;
	[tilespmem:$0x1A200] =	vst v63  }
0xa8: {  	_ =	swait.ge [sflag:s8], $0x2800  }
0xa9: {  	[sflag:s8] =	ssyncset.done $0x0  }
0xaa: {  	[sflag:s8] =	ssyncadd.s32 $0xFFFFD800  }
0xab: {  	[spmem:s2] =	stream.indirect.scatter.add.f32 [tilespmem:s30], [sflag:$0x5], $0x80, s24, s29, $0xb8;
	[tilespmem:$0x1A200] =	vst v63  }
0xac: {  	_ =	swait.ge [sflag:s26], $0x2800  }
0xad: {  	s14 =	sshrl.u32 s22, $0x3;
	[sflag:s26] =	ssyncset.done $0x0  }
0xae: {  	s15 =	sadd.s32 s1, s14;
	[sflag:s26] =	ssyncadd.s32 $0xFFFFD800  }
0xaf: {  	[tilespmem:s4], [sflag:$0x1] =	stream.linear.gather [hbm4b:s15+s4], $0x50, $0x38;
	[tilespmem:$0x1A200] =	vst v63  }
0xb0: {  	s12 =	sadd.s32 s6, s14  }
0xb1: {  	[tilespmem:s24], [sflag:$0x1] =	stream.linear.gather [hbm4b:s12+s4], $0x50, $0x38;
	[tilespmem:$0x1A200] =	vst v63  }
0xb2: {  	_ =	swait.ge [sflag:s28], $0x50  }
0xb3: {  	[sflag:s28] =	ssyncset.done $0x0  }
0xb4: {  	[sflag:s28] =	ssyncadd.s32 $0xFFFFFFB0  }
0xb5: {  	_ =	swait.ge [sflag:s28], $0x50  }
0xb6: {  	[sflag:s28] =	ssyncset.done $0x0  }
0xb7: {  	[sflag:s28] =	ssyncadd.s32 $0xFFFFFFB0  }
0xb8: {  	[tilespmem:s30], [sflag:$0x3] =	stream.indirect.gather [hbm4b:s5+s29], $0x80, s4, s29, $0xb8;
	[tilespmem:$0x1A200] =	vst v63  }
0xb9: {  	_ =	swait.ge [sflag:s10], $0x2800  }
0xba: {  	[sflag:s10] =	ssyncset.done $0x0  }
0xbb: {  	[sflag:s10] =	ssyncadd.s32 $0xFFFFD800  }
0xbc: {  	[spmem:s2] =	stream.indirect.scatter.add.f32 [tilespmem:s7], [sflag:$0x5], $0x80, s0, s29, $0xb8;
	[tilespmem:$0x1A200] =	vst v63  }
0xbd: {  	_ =	swait.ge [sflag:s26], $0x2800  }
0xbe: {  	s13 =	sadd.s32 $0xA0, s22;
	s16 =	sadd.s32 $0x0, s21;
	[sflag:s26] =	ssyncset.done $0x0  }
0xbf: {  	s14 =	sadd.s32 $0x0, s20;
	s12 =	simm.s32 $0x14;
	[sflag:s26] =	ssyncadd.s32 $0xFFFFD800  }
0xc0: {  	[tilespmem:s31], [sflag:$0x2] =	stream.linear.gather [hbm4b:s16+s4], $0x50, $0x38;
	[tilespmem:$0x1A200] =	vst v63  }
.LBB2_4:
0xc1: {  	[tilespmem:s0], [sflag:$0x2] =	stream.linear.gather [hbm4b:s14+s4], $0x50, $0x38;
	[tilespmem:$0x1A200] =	vst v63  }
0xc2: {  	s14 =	smov.u32 s12  }
0xc3: {  	p0 =	sne.s32 s12, $0x4B0;
	s12 =	sadd.s32 $0x14, s12;
	_ =	swait.ge [sflag:s3], $0x50  }
0xc4: {  	[sflag:s3] =	ssyncset.done $0x0  }
0xc5: {  	[sflag:s3] =	ssyncadd.s32 $0xFFFFFFB0  }
0xc6: {  	_ =	swait.ge [sflag:s3], $0x50  }
0xc7: {  	[sflag:s3] =	ssyncset.done $0x0  }
0xc8: {  	[sflag:s3] =	ssyncadd.s32 $0xFFFFFFB0  }
0xc9: {  	[tilespmem:s7], [sflag:$0x4] =	stream.indirect.gather [hbm4b:s5+s29], $0x80, s31, s29, $0xb8;
	[tilespmem:$0x1A200] =	vst v63  }
0xca: {  	_ =	swait.ge [sflag:s8], $0x2800  }
0xcb: {  	[sflag:s8] =	ssyncset.done $0x0  }
0xcc: {  	[sflag:s8] =	ssyncadd.s32 $0xFFFFD800  }
0xcd: {  	[spmem:s2] =	stream.indirect.scatter.add.f32 [tilespmem:s30], [sflag:$0x5], $0x80, s24, s29, $0xb8;
	[tilespmem:$0x1A200] =	vst v63  }
0xce: {  	_ =	swait.ge [sflag:s26], $0x2800  }
0xcf: {  	s15 =	sshrl.u32 s13, $0x3;
	[sflag:s26] =	ssyncset.done $0x0  }
0xd0: {  	s16 =	sadd.s32 s1, s15;
	[sflag:s26] =	ssyncadd.s32 $0xFFFFD800  }
0xd1: {  	[tilespmem:s4], [sflag:$0x1] =	stream.linear.gather [hbm4b:s16+s4], $0x50, $0x38;
	[tilespmem:$0x1A200] =	vst v63  }
0xd2: {  	s15 =	sadd.s32 s6, s15  }
0xd3: {  	[tilespmem:s24], [sflag:$0x1] =	stream.linear.gather [hbm4b:s15+s4], $0x50, $0x38;
	[tilespmem:$0x1A200] =	vst v63  }
0xd4: {  	_ =	swait.ge [sflag:s28], $0x50  }
0xd5: {  	[sflag:s28] =	ssyncset.done $0x0  }
0xd6: {  	[sflag:s28] =	ssyncadd.s32 $0xFFFFFFB0  }
0xd7: {  	_ =	swait.ge [sflag:s28], $0x50  }
0xd8: {  	[sflag:s28] =	ssyncset.done $0x0  }
0xd9: {  	[sflag:s28] =	ssyncadd.s32 $0xFFFFFFB0  }
0xda: {  	[tilespmem:s30], [sflag:$0x3] =	stream.indirect.gather [hbm4b:s5+s29], $0x80, s4, s29, $0xb8;
	[tilespmem:$0x1A200] =	vst v63  }
0xdb: {  	_ =	swait.ge [sflag:s10], $0x2800  }
0xdc: {  	[sflag:s10] =	ssyncset.done $0x0  }
0xdd: {  	[sflag:s10] =	ssyncadd.s32 $0xFFFFD800  }
0xde: {  	[spmem:s2] =	stream.indirect.scatter.add.f32 [tilespmem:s7], [sflag:$0x5], $0x80, s0, s29, $0xb8;
	[tilespmem:$0x1A200] =	vst v63  }
.Ltmp1:
0xdf: {  	_ =	swait.ge [sflag:s26], $0x2800;
	(pc) =	sbr.rel @p0 .LBB2_4-.Ltmp1, $4  }
0xe0: {  	[sflag:s26] =	ssyncset.done $0x0  }
0xe1: {  	s15 =	sadd.s32 s14, s21;
	[sflag:s26] =	ssyncadd.s32 $0xFFFFD800  }
0xe2: {  	[tilespmem:s31], [sflag:$0x2] =	stream.linear.gather [hbm4b:s15+s4], $0x50, $0x38;
	[tilespmem:$0x1A200] =	vst v63  }
0xe3: {  	s13 =	sadd.s32 $0xA0, s13;
	s14 =	sadd.s32 s14, s20  }
0xe4: {  	[tilespmem:s0], [sflag:$0x2] =	stream.linear.gather [hbm4b:s14+s4], $0x50, $0x38;
	[tilespmem:$0x1A200] =	vst v63  }
0xe5: {  	_ =	swait.ge [sflag:s3], $0x50  }
0xe6: {  	[sflag:s3] =	ssyncset.done $0x0  }
0xe7: {  	[sflag:s3] =	ssyncadd.s32 $0xFFFFFFB0  }
0xe8: {  	_ =	swait.ge [sflag:s3], $0x50  }
0xe9: {  	[sflag:s3] =	ssyncset.done $0x0  }
0xea: {  	[sflag:s3] =	ssyncadd.s32 $0xFFFFFFB0  }
0xeb: {  	[tilespmem:s7], [sflag:$0x4] =	stream.indirect.gather [hbm4b:s5+s29], $0x80, s31, s29, $0xb8;
	[tilespmem:$0x1A200] =	vst v63  }
0xec: {  	_ =	swait.ge [sflag:s8], $0x2800  }
0xed: {  	[sflag:s8] =	ssyncset.done $0x0  }
0xee: {  	[sflag:s8] =	ssyncadd.s32 $0xFFFFD800  }
0xef: {  	[spmem:s2] =	stream.indirect.scatter.add.f32 [tilespmem:s30], [sflag:$0x5], $0x80, s24, s29, $0xb8;
	[tilespmem:$0x1A200] =	vst v63  }
0xf0: {  	_ =	swait.ge [sflag:s26], $0x2800  }
0xf1: {  	[sflag:s26] =	ssyncset.done $0x0  }
0xf2: {  	s12 =	rddreg [dreg:$0x8];
	[sflag:s26] =	ssyncadd.s32 $0xFFFFD800  }
0xf3: {  	[tilespmem:s4], [sflag:$0x1] =	stream.linear.gather [hbm4b:s12+s4], $0x50, $0x38;
	[tilespmem:$0x1A200] =	vst v63  }
0xf4: {  	s14 =	rddreg [dreg:$0x9]  }
0xf5: {  	[tilespmem:s24], [sflag:$0x1] =	stream.linear.gather [hbm4b:s14+s4], $0x50, $0x38;
	[tilespmem:$0x1A200] =	vst v63  }
0xf6: {  	_ =	swait.ge [sflag:s28], $0x50  }
0xf7: {  	[sflag:s28] =	ssyncset.done $0x0  }
0xf8: {  	[sflag:s28] =	ssyncadd.s32 $0xFFFFFFB0  }
0xf9: {  	_ =	swait.ge [sflag:s28], $0x50  }
0xfa: {  	[sflag:s28] =	ssyncset.done $0x0  }
0xfb: {  	[sflag:s28] =	ssyncadd.s32 $0xFFFFFFB0  }
0xfc: {  	[tilespmem:s30], [sflag:$0x3] =	stream.indirect.gather [hbm4b:s5+s29], $0x80, s4, s29, $0xb8;
	[tilespmem:$0x1A200] =	vst v63  }
0xfd: {  	_ =	swait.ge [sflag:s10], $0x2800  }
0xfe: {  	[sflag:s10] =	ssyncset.done $0x0  }
0xff: {  	[sflag:s10] =	ssyncadd.s32 $0xFFFFD800  }
0x100: {  	[spmem:s2] =	stream.indirect.scatter.add.f32 [tilespmem:s7], [sflag:$0x5], $0x80, s0, s29, $0xb8;
	[tilespmem:$0x1A200] =	vst v63  }
0x101: {  	_ =	swait.ge [sflag:s26], $0x2800  }
0x102: {  	[sflag:s26] =	ssyncset.done $0x0  }
0x103: {  	[sflag:s26] =	ssyncadd.s32 $0xFFFFD800  }
0x104: {  	_ =	swait.ge [sflag:s8], $0x2800  }
0x105: {  	[sflag:s8] =	ssyncset.done $0x0  }
0x106: {  	[sflag:s8] =	ssyncadd.s32 $0xFFFFD800  }
0x107: {  	[spmem:s2] =	stream.indirect.scatter.add.f32 [tilespmem:s30], [sflag:$0x5], $0x80, s24, s29, $0xb8;
	[tilespmem:$0x1A200] =	vst v63  }
0x108: {  	_ =	swait.ge [sflag:s26], $0x2800  }
0x109: {  	[sflag:s26] =	ssyncset.done $0x0  }
0x10a: {  	s15 =	stileid.u32;
	[sflag:s26] =	ssyncadd.s32 $0xFFFFD800  }
0x10b: {  	s12 =	sshll.u32 s15, $0x6;
	[bflag:$0x0] =	sbarrier.arrive $0xFFFF  }
0x10c: {  	s13 =	sshrl.u32 s9, $0x3;
	s12 =	sor.u32 $0x1C05, s12;
	s16 =	rddreg [dreg:$0xa]  }
0x10d: {  	[hbm:s16], [sflag:s12] =	dma.local [spmem:s13], $0x800  }
0x10e: {  	_ =	swait.ge [sflag:s26], $0x800  }
0x10f: {  	[sflag:s26] =	ssyncset.done $0x0;
	s15 =	rddreg [dreg:$0xc]  }
0x110: {  	s16 =	rddreg [dreg:$0x10];
	[sflag:s26] =	ssyncadd.s32 $0xFFFFF800  }
0x111: {  	[hbm:s15], [sflag:s12] =	dma.local [spmem:s16], $0x800  }
0x112: {  	_ =	swait.ge [sflag:s26], $0x800  }
0x113: {  	[sflag:s26] =	ssyncset.done $0x0;
	s15 =	rddreg [dreg:$0xd]  }
0x114: {  	s16 =	rddreg [dreg:$0x11];
	[sflag:s26] =	ssyncadd.s32 $0xFFFFF800  }
0x115: {  	[hbm:s15], [sflag:s12] =	dma.local [spmem:s16], $0x800  }
0x116: {  	_ =	swait.ge [sflag:s26], $0x800  }
0x117: {  	[sflag:s26] =	ssyncset.done $0x0;
	s15 =	rddreg [dreg:$0xe]  }
0x118: {  	s16 =	rddreg [dreg:$0x12];
	[sflag:s26] =	ssyncadd.s32 $0xFFFFF800  }
0x119: {  	[hbm:s15], [sflag:s12] =	dma.local [spmem:s16], $0x800  }
0x11a: {  	_ =	swait.ge [sflag:s26], $0x800  }
0x11b: {  	[sflag:s26] =	ssyncset.done $0x0;
	s14 =	rddreg [dreg:$0xf]  }
0x11c: {  	s15 =	rddreg [dreg:$0x13];
	[sflag:s26] =	ssyncadd.s32 $0xFFFFF800  }
0x11d: {  	[hbm:s14], [sflag:s12] =	dma.local [spmem:s15], $0x800  }
0x11e: {  	_ =	swait.ge [sflag:s26], $0x800  }
0x11f: {  	s11 =	sadd.s32 $0x1, s11;
	s16 =	rddreg [dreg:$0xb]  }
0x120: {  	p0 =	sne.s32 s11, s16  }
.Ltmp2:
0x121: {  	_ = 	snop;
	(pc) =	sbr.rel @p0 .LBB2_1-.Ltmp2, $3  }
0x122: {  	_ =	sdelay $0x1  }
0x123: {  	[sflag:s26] =	ssyncset.done $0x0  }
0x124: {  	[sflag:s26] =	ssyncadd.s32 $0xFFFFF800  }
0x125: {  	_ =	sfence.sel $0x180000  }
0x126: {  	[bflag:$0x0] =	sbarrier.arrive $0xFFFF  }
0x127: {  	_ =	strace $0x90000050  }
0x128: {  	s0 =	stileid.u32;
	[bflag:$0x2] =	sbarrier.arrive $0xFFFF  }
0x129: {  	p0 =	sne.s32 s0, $0x0;
	s0 =	rddreg [dreg:$0x3]  }
0x12a: {  	s0 =	sadd.s32 @!p0 $0x100000, s0  }
0x12b: {  	[sflag:s0] =	ssyncadd.tile.s32 @!p0 $0x1;
	_ =	shalt  }
.Lfunc_end2:
_tile_overlayer_lowered:
.L_overlay_start_2:
0x12c: {  	(tag) =	ssettag $0x2  }
0x12d: {  	s0 =	rddreg [dreg:$0x0];
	s2 =	stileid.u32  }
0x12e: {  	s1 =	rddreg [dreg:$0x1];
	p0 =	sne.s32 s2, $0x0  }
0x12f: {  	s3 =	rddreg [dreg:$0x2];
	[bflag:$0x3] =	sbarrier.arrive $0xFFFF;
	s2 =	simm.s32 @!p0 $0x1C05  }
0x130: {  	[timem:s3], [sflag:s2] =	dma.local @!p0 [hbm:s0], s1  }
0x131: {  	s0 =	simm.s32 @!p0 $0x5  }
0x132: {  	_ =	swait.ge @!p0 [sflag:s0], s1  }
0x133: {  	s1 =	ssub.s32 @!p0 $0x0, s1;
	[sflag:s0] =	ssyncset.done @!p0 $0x0  }
0x134: {  	[sflag:s0] =	ssyncadd.s32 @!p0 s1  }
0x135: {  	[bflag:$0x3] =	sbarrier.arrive $0xFFFF  }
0x136: {  	_ =	shalt  }

</sc_bundles>
